<compile_context>
chip_gen: v7x
topology: tpu7x:2x2x1
jax: 0.10.2.dev20260603
libtpu: 0.0.44.dev20260713+nightly
codegen_flags: <defaults>
</compile_context>

<pallas_src>
import jax
import jax.numpy as jnp
from jax import lax
from jax.experimental import pallas as pl
from jax.experimental.pallas import tpu as pltpu
from jax.experimental.pallas import tpu_sc as plsc

HIDDEN = 2048
EXPERTS = 16
TOPK = 8
BLOCK = 1024
N_TOKENS = 16384

NW = 32
CHUNK = N_TOKENS // NW
NGROUPS = CHUNK // 16


def _logits_kernel(hs_ref, w_ref, out_ref):
    out_ref[...] = jax.lax.dot_general(
        w_ref[...], hs_ref[...],
        dimension_numbers=(((1,), (1,)), ((), ())),
        preferred_element_type=jnp.float32,
    )


def _tc_logits(hs, W):
    n = hs.shape[0]
    return pl.pallas_call(
        _logits_kernel,
        grid=(n // BLOCK,),
        in_specs=[
            pl.BlockSpec((BLOCK, HIDDEN), lambda i: (i, 0)),
            pl.BlockSpec((EXPERTS, HIDDEN), lambda i: (0, 0)),
        ],
        out_specs=pl.BlockSpec((EXPERTS, BLOCK), lambda i: (0, i)),
        out_shape=jax.ShapeDtypeStruct((EXPERTS, n), jnp.float32),
    )(hs, W)


def _sc_topk_body(logits_hbm, w_hbm, i_hbm, lg_v, wv, iv):
    wid = lax.axis_index("s") * 2 + lax.axis_index("c")
    base = wid * CHUNK
    for e in range(EXPERTS):
        pltpu.sync_copy(logits_hbm.at[pl.ds(e * N_TOKENS + base, CHUNK)],
                        lg_v.at[pl.ds(e * CHUNK, CHUNK)])

    def body(g, _):
        off = g * 16
        vals = [lg_v[pl.ds(e * CHUNK + off, 16)] for e in range(EXPERTS)]
        neg = jnp.full((16,), -jnp.inf, jnp.float32)
        tops = []
        idxs = []
        for _k in range(TOPK):
            m = vals[0]
            for e in range(1, EXPERTS):
                m = jnp.maximum(m, vals[e])
            idx = jnp.full((16,), EXPERTS - 1, jnp.int32)
            for e in range(EXPERTS - 1, -1, -1):
                idx = jnp.where(vals[e] == m, jnp.full((16,), e, jnp.int32), idx)
            for e in range(EXPERTS):
                vals[e] = jnp.where(idx == jnp.full((16,), e, jnp.int32),
                                    neg, vals[e])
            tops.append(m)
            idxs.append(idx)
        es = [jnp.exp(t - tops[0]) for t in tops]
        s = es[0]
        for k in range(1, TOPK):
            s = s + es[k]
        for k in range(TOPK):
            wv[pl.ds(k * CHUNK + off, 16)] = es[k] / s
            iv[pl.ds(k * CHUNK + off, 16)] = idxs[k]
        return ()

    lax.fori_loop(0, NGROUPS, body, ())
    for k in range(TOPK):
        pltpu.sync_copy(wv.at[pl.ds(k * CHUNK, CHUNK)],
                        w_hbm.at[pl.ds(k * N_TOKENS + base, CHUNK)])
        pltpu.sync_copy(iv.at[pl.ds(k * CHUNK, CHUNK)],
                        i_hbm.at[pl.ds(k * N_TOKENS + base, CHUNK)])


@jax.jit
def kernel(hidden_states, W):
    hs = hidden_states.reshape(-1, HIDDEN)
    n = hs.shape[0]
    logits = _tc_logits(hs, W).reshape(-1)

    mesh = plsc.VectorSubcoreMesh(core_axis_name="c", subcore_axis_name="s")
    sc = pl.kernel(
        _sc_topk_body,
        mesh=mesh,
        out_type=[
            jax.ShapeDtypeStruct((TOPK * n,), jnp.float32),
            jax.ShapeDtypeStruct((TOPK * n,), jnp.int32),
        ],
        scratch_types=[
            pltpu.VMEM((EXPERTS * CHUNK,), jnp.float32),
            pltpu.VMEM((TOPK * CHUNK,), jnp.float32),
            pltpu.VMEM((TOPK * CHUNK,), jnp.int32),
        ],
    )
    w_flat, i_flat = sc(logits)
    w = w_flat.reshape(TOPK, n).T
    i = i_flat.reshape(TOPK, n).T
    return (w, i)

# --- scband reference (transcript-rebuilt; emitter-appended) ---
"""Pipeline reference for scband-hunyuan-top-kgate-19731079758124 (READ-ONLY COPY).

The authoritative reference and input builder live on the scoring server;
editing this copy changes nothing except your own understanding.
"""

import jax, jax.numpy as jnp
import numpy as np

HIDDEN_SIZE = 2048
NUM_EXPERTS = 16
MOE_TOPK = 8

def setup_inputs(seed: int = 0) -> dict:
    key = jax.random.key(seed)
    k1, k2 = jax.random.split(key)
    hidden_states = jax.random.normal(k1, (4, 4096, HIDDEN_SIZE), dtype=jnp.float32)
    # nn.Linear(hidden_size, num_experts, bias=False) weight: [num_experts, hidden_size]
    W = jax.random.normal(k2, (NUM_EXPERTS, HIDDEN_SIZE), dtype=jnp.float32) * 0.02
    return {"hidden_states": hidden_states, "W": W}

def reference(hidden_states, W):
    hs = hidden_states.reshape(-1, hidden_states.shape[-1]).astype(jnp.float32)
    logits = hs @ W.T
    gates = jax.nn.softmax(logits, axis=1)
    topk_weight, topk_idx = jax.lax.top_k(gates, MOE_TOPK)
    denom = jnp.maximum(jnp.sum(topk_weight, axis=1, keepdims=True), 1e-8)
    topk_weight = topk_weight / denom
    return (topk_weight, topk_idx)

if __name__ == "__main__":
    import jax
    _d = setup_inputs()
    print(jax.jit(kernel)(*tuple(_d.values())))

</pallas_src>

<mosaic_0001>
#map = affine_map<(d0, d1) -> (0)>
module attributes {stable_mosaic.version = 14 : i64} {
  func.func @_sc_topk_body(%arg0: i32, %arg1: i32, %arg2: memref<262144xf32, #tpu.memory_space<hbm>>, %arg3: memref<131072xf32, #tpu.memory_space<hbm>>, %arg4: memref<131072xi32, #tpu.memory_space<hbm>>, %arg5: memref<8192xf32, #tpu.memory_space<vmem>>, %arg6: memref<4096xf32, #tpu.memory_space<vmem>>, %arg7: memref<4096xi32, #tpu.memory_space<vmem>>) attributes {dimension_semantics = [#tpu.dimension_semantics<core_parallel>, #tpu.dimension_semantics<subcore_parallel>], iteration_bounds = array<i64: 2, 16>, scalar_prefetch = 0 : i64, scratch_operands = 3 : i64, tpu.core_type = #tpu.core_type<sc_vector_subcore>, window_params = [{transform_indices = #map}, {transform_indices = #map}, {transform_indices = #map}]} {
    %mul3A = arith.constant 2 : i32
    %mul3A_0 = arith.muli %arg1, %mul3A : i32
    %add3A = arith.addi %mul3A_0, %arg0 : i32
    %mul3A_1 = arith.constant 512 : i32
    %mul3A_2 = arith.muli %add3A, %mul3A_1 : i32
    %add3A_3 = arith.constant 0 : i32
    %add3A_4 = arith.addi %add3A_3, %mul3A_2 : i32
    "tpu.region"() ({
      %run_scoped3A = tpu.sem_alloc : memref<!tpu.dma_semaphore, #tpu.memory_space<semaphore_mem>>
      %dma_start3A = arith.constant 0 : i32
      %dma_start3A_71 = tpu.memref_slice %arg5[%dma_start3A] : memref<8192xf32, #tpu.memory_space<vmem>> -> memref<512xf32, #tpu.memory_space<vmem>>
      %dma_start3A_72 = tpu.memref_slice %arg2[%add3A_4] : memref<262144xf32, #tpu.memory_space<hbm>> -> memref<512xf32, #tpu.memory_space<hbm>>
      %dma_start3A_73 = arith.constant 0 : i32
      %dma_start3A_74 = tpu.memref_slice %arg5[%dma_start3A_73] : memref<8192xf32, #tpu.memory_space<vmem>> -> memref<512xf32, #tpu.memory_space<vmem>>
      %dma_start3A_75 = tpu.memref_slice %arg2[%add3A_4] : memref<262144xf32, #tpu.memory_space<hbm>> -> memref<512xf32, #tpu.memory_space<hbm>>
      tpu.enqueue_dma source(%dma_start3A_75 : memref<512xf32, #tpu.memory_space<hbm>>) target(%dma_start3A_74 : memref<512xf32, #tpu.memory_space<vmem>>) target_semaphore(%run_scoped3A : memref<!tpu.dma_semaphore, #tpu.memory_space<semaphore_mem>>)
      %dma_wait3A = arith.constant 0 : i32
      %dma_wait3A_76 = tpu.memref_slice %arg5[%dma_wait3A] : memref<8192xf32, #tpu.memory_space<vmem>> -> memref<512xf32, #tpu.memory_space<vmem>>
      %dma_wait3A_77 = tpu.memref_slice %arg2[%add3A_4] : memref<262144xf32, #tpu.memory_space<hbm>> -> memref<512xf32, #tpu.memory_space<hbm>>
      %dma_wait3A_78 = arith.constant 0 : i32
      %dma_wait3A_79 = tpu.memref_slice %arg5[%dma_wait3A_78] : memref<8192xf32, #tpu.memory_space<vmem>> -> memref<512xf32, #tpu.memory_space<vmem>>
      %dma_wait3A_80 = tpu.memref_slice %arg2[%add3A_4] : memref<262144xf32, #tpu.memory_space<hbm>> -> memref<512xf32, #tpu.memory_space<hbm>>
      tpu.wait_dma2 semaphore(%run_scoped3A : memref<!tpu.dma_semaphore, #tpu.memory_space<semaphore_mem>>) src(%dma_wait3A_80 : memref<512xf32, #tpu.memory_space<hbm>>) dst(%dma_wait3A_79 : memref<512xf32, #tpu.memory_space<vmem>>)
      tpu.yield
    }) : () -> ()
    %add3A_5 = arith.constant 16384 : i32
    %add3A_6 = arith.addi %add3A_5, %mul3A_2 : i32
    "tpu.region"() ({
      %run_scoped3A = tpu.sem_alloc : memref<!tpu.dma_semaphore, #tpu.memory_space<semaphore_mem>>
      %dma_start3A = arith.constant 512 : i32
      %dma_start3A_71 = tpu.memref_slice %arg5[%dma_start3A] : memref<8192xf32, #tpu.memory_space<vmem>> -> memref<512xf32, #tpu.memory_space<vmem>>
      %dma_start3A_72 = tpu.memref_slice %arg2[%add3A_6] : memref<262144xf32, #tpu.memory_space<hbm>> -> memref<512xf32, #tpu.memory_space<hbm>>
      %dma_start3A_73 = arith.constant 512 : i32
      %dma_start3A_74 = tpu.memref_slice %arg5[%dma_start3A_73] : memref<8192xf32, #tpu.memory_space<vmem>> -> memref<512xf32, #tpu.memory_space<vmem>>
      %dma_start3A_75 = tpu.memref_slice %arg2[%add3A_6] : memref<262144xf32, #tpu.memory_space<hbm>> -> memref<512xf32, #tpu.memory_space<hbm>>
      tpu.enqueue_dma source(%dma_start3A_75 : memref<512xf32, #tpu.memory_space<hbm>>) target(%dma_start3A_74 : memref<512xf32, #tpu.memory_space<vmem>>) target_semaphore(%run_scoped3A : memref<!tpu.dma_semaphore, #tpu.memory_space<semaphore_mem>>)
      %dma_wait3A = arith.constant 512 : i32
      %dma_wait3A_76 = tpu.memref_slice %arg5[%dma_wait3A] : memref<8192xf32, #tpu.memory_space<vmem>> -> memref<512xf32, #tpu.memory_space<vmem>>
      %dma_wait3A_77 = tpu.memref_slice %arg2[%add3A_6] : memref<262144xf32, #tpu.memory_space<hbm>> -> memref<512xf32, #tpu.memory_space<hbm>>
      %dma_wait3A_78 = arith.constant 512 : i32
      %dma_wait3A_79 = tpu.memref_slice %arg5[%dma_wait3A_78] : memref<8192xf32, #tpu.memory_space<vmem>> -> memref<512xf32, #tpu.memory_space<vmem>>
      %dma_wait3A_80 = tpu.memref_slice %arg2[%add3A_6] : memref<262144xf32, #tpu.memory_space<hbm>> -> memref<512xf32, #tpu.memory_space<hbm>>
      tpu.wait_dma2 semaphore(%run_scoped3A : memref<!tpu.dma_semaphore, #tpu.memory_space<semaphore_mem>>) src(%dma_wait3A_80 : memref<512xf32, #tpu.memory_space<hbm>>) dst(%dma_wait3A_79 : memref<512xf32, #tpu.memory_space<vmem>>)
      tpu.yield
    }) : () -> ()
    %add3A_7 = arith.constant 32768 : i32
    %add3A_8 = arith.addi %add3A_7, %mul3A_2 : i32
    "tpu.region"() ({
      %run_scoped3A = tpu.sem_alloc : memref<!tpu.dma_semaphore, #tpu.memory_space<semaphore_mem>>
      %dma_start3A = arith.constant 1024 : i32
      %dma_start3A_71 = tpu.memref_slice %arg5[%dma_start3A] : memref<8192xf32, #tpu.memory_space<vmem>> -> memref<512xf32, #tpu.memory_space<vmem>>
      %dma_start3A_72 = tpu.memref_slice %arg2[%add3A_8] : memref<262144xf32, #tpu.memory_space<hbm>> -> memref<512xf32, #tpu.memory_space<hbm>>
      %dma_start3A_73 = arith.constant 1024 : i32
      %dma_start3A_74 = tpu.memref_slice %arg5[%dma_start3A_73] : memref<8192xf32, #tpu.memory_space<vmem>> -> memref<512xf32, #tpu.memory_space<vmem>>
      %dma_start3A_75 = tpu.memref_slice %arg2[%add3A_8] : memref<262144xf32, #tpu.memory_space<hbm>> -> memref<512xf32, #tpu.memory_space<hbm>>
      tpu.enqueue_dma source(%dma_start3A_75 : memref<512xf32, #tpu.memory_space<hbm>>) target(%dma_start3A_74 : memref<512xf32, #tpu.memory_space<vmem>>) target_semaphore(%run_scoped3A : memref<!tpu.dma_semaphore, #tpu.memory_space<semaphore_mem>>)
      %dma_wait3A = arith.constant 1024 : i32
      %dma_wait3A_76 = tpu.memref_slice %arg5[%dma_wait3A] : memref<8192xf32, #tpu.memory_space<vmem>> -> memref<512xf32, #tpu.memory_space<vmem>>
      %dma_wait3A_77 = tpu.memref_slice %arg2[%add3A_8] : memref<262144xf32, #tpu.memory_space<hbm>> -> memref<512xf32, #tpu.memory_space<hbm>>
      %dma_wait3A_78 = arith.constant 1024 : i32
      %dma_wait3A_79 = tpu.memref_slice %arg5[%dma_wait3A_78] : memref<8192xf32, #tpu.memory_space<vmem>> -> memref<512xf32, #tpu.memory_space<vmem>>
      %dma_wait3A_80 = tpu.memref_slice %arg2[%add3A_8] : memref<262144xf32, #tpu.memory_space<hbm>> -> memref<512xf32, #tpu.memory_space<hbm>>
      tpu.wait_dma2 semaphore(%run_scoped3A : memref<!tpu.dma_semaphore, #tpu.memory_space<semaphore_mem>>) src(%dma_wait3A_80 : memref<512xf32, #tpu.memory_space<hbm>>) dst(%dma_wait3A_79 : memref<512xf32, #tpu.memory_space<vmem>>)
      tpu.yield
    }) : () -> ()
    %add3A_9 = arith.constant 49152 : i32
    %add3A_10 = arith.addi %add3A_9, %mul3A_2 : i32
    "tpu.region"() ({
      %run_scoped3A = tpu.sem_alloc : memref<!tpu.dma_semaphore, #tpu.memory_space<semaphore_mem>>
      %dma_start3A = arith.constant 1536 : i32
      %dma_start3A_71 = tpu.memref_slice %arg5[%dma_start3A] : memref<8192xf32, #tpu.memory_space<vmem>> -> memref<512xf32, #tpu.memory_space<vmem>>
      %dma_start3A_72 = tpu.memref_slice %arg2[%add3A_10] : memref<262144xf32, #tpu.memory_space<hbm>> -> memref<512xf32, #tpu.memory_space<hbm>>
      %dma_start3A_73 = arith.constant 1536 : i32
      %dma_start3A_74 = tpu.memref_slice %arg5[%dma_start3A_73] : memref<8192xf32, #tpu.memory_space<vmem>> -> memref<512xf32, #tpu.memory_space<vmem>>
      %dma_start3A_75 = tpu.memref_slice %arg2[%add3A_10] : memref<262144xf32, #tpu.memory_space<hbm>> -> memref<512xf32, #tpu.memory_space<hbm>>
      tpu.enqueue_dma source(%dma_start3A_75 : memref<512xf32, #tpu.memory_space<hbm>>) target(%dma_start3A_74 : memref<512xf32, #tpu.memory_space<vmem>>) target_semaphore(%run_scoped3A : memref<!tpu.dma_semaphore, #tpu.memory_space<semaphore_mem>>)
      %dma_wait3A = arith.constant 1536 : i32
      %dma_wait3A_76 = tpu.memref_slice %arg5[%dma_wait3A] : memref<8192xf32, #tpu.memory_space<vmem>> -> memref<512xf32, #tpu.memory_space<vmem>>
      %dma_wait3A_77 = tpu.memref_slice %arg2[%add3A_10] : memref<262144xf32, #tpu.memory_space<hbm>> -> memref<512xf32, #tpu.memory_space<hbm>>
      %dma_wait3A_78 = arith.constant 1536 : i32
      %dma_wait3A_79 = tpu.memref_slice %arg5[%dma_wait3A_78] : memref<8192xf32, #tpu.memory_space<vmem>> -> memref<512xf32, #tpu.memory_space<vmem>>
      %dma_wait3A_80 = tpu.memref_slice %arg2[%add3A_10] : memref<262144xf32, #tpu.memory_space<hbm>> -> memref<512xf32, #tpu.memory_space<hbm>>
      tpu.wait_dma2 semaphore(%run_scoped3A : memref<!tpu.dma_semaphore, #tpu.memory_space<semaphore_mem>>) src(%dma_wait3A_80 : memref<512xf32, #tpu.memory_space<hbm>>) dst(%dma_wait3A_79 : memref<512xf32, #tpu.memory_space<vmem>>)
      tpu.yield
    }) : () -> ()
    %add3A_11 = arith.constant 65536 : i32
    %add3A_12 = arith.addi %add3A_11, %mul3A_2 : i32
    "tpu.region"() ({
      %run_scoped3A = tpu.sem_alloc : memref<!tpu.dma_semaphore, #tpu.memory_space<semaphore_mem>>
      %dma_start3A = arith.constant 2048 : i32
      %dma_start3A_71 = tpu.memref_slice %arg5[%dma_start3A] : memref<8192xf32, #tpu.memory_space<vmem>> -> memref<512xf32, #tpu.memory_space<vmem>>
      %dma_start3A_72 = tpu.memref_slice %arg2[%add3A_12] : memref<262144xf32, #tpu.memory_space<hbm>> -> memref<512xf32, #tpu.memory_space<hbm>>
      %dma_start3A_73 = arith.constant 2048 : i32
      %dma_start3A_74 = tpu.memref_slice %arg5[%dma_start3A_73] : memref<8192xf32, #tpu.memory_space<vmem>> -> memref<512xf32, #tpu.memory_space<vmem>>
      %dma_start3A_75 = tpu.memref_slice %arg2[%add3A_12] : memref<262144xf32, #tpu.memory_space<hbm>> -> memref<512xf32, #tpu.memory_space<hbm>>
      tpu.enqueue_dma source(%dma_start3A_75 : memref<512xf32, #tpu.memory_space<hbm>>) target(%dma_start3A_74 : memref<512xf32, #tpu.memory_space<vmem>>) target_semaphore(%run_scoped3A : memref<!tpu.dma_semaphore, #tpu.memory_space<semaphore_mem>>)
      %dma_wait3A = arith.constant 2048 : i32
      %dma_wait3A_76 = tpu.memref_slice %arg5[%dma_wait3A] : memref<8192xf32, #tpu.memory_space<vmem>> -> memref<512xf32, #tpu.memory_space<vmem>>
      %dma_wait3A_77 = tpu.memref_slice %arg2[%add3A_12] : memref<262144xf32, #tpu.memory_space<hbm>> -> memref<512xf32, #tpu.memory_space<hbm>>
      %dma_wait3A_78 = arith.constant 2048 : i32
      %dma_wait3A_79 = tpu.memref_slice %arg5[%dma_wait3A_78] : memref<8192xf32, #tpu.memory_space<vmem>> -> memref<512xf32, #tpu.memory_space<vmem>>
      %dma_wait3A_80 = tpu.memref_slice %arg2[%add3A_12] : memref<262144xf32, #tpu.memory_space<hbm>> -> memref<512xf32, #tpu.memory_space<hbm>>
      tpu.wait_dma2 semaphore(%run_scoped3A : memref<!tpu.dma_semaphore, #tpu.memory_space<semaphore_mem>>) src(%dma_wait3A_80 : memref<512xf32, #tpu.memory_space<hbm>>) dst(%dma_wait3A_79 : memref<512xf32, #tpu.memory_space<vmem>>)
      tpu.yield
    }) : () -> ()
    %add3A_13 = arith.constant 81920 : i32
    %add3A_14 = arith.addi %add3A_13, %mul3A_2 : i32
    "tpu.region"() ({
      %run_scoped3A = tpu.sem_alloc : memref<!tpu.dma_semaphore, #tpu.memory_space<semaphore_mem>>
      %dma_start3A = arith.constant 2560 : i32
      %dma_start3A_71 = tpu.memref_slice %arg5[%dma_start3A] : memref<8192xf32, #tpu.memory_space<vmem>> -> memref<512xf32, #tpu.memory_space<vmem>>
      %dma_start3A_72 = tpu.memref_slice %arg2[%add3A_14] : memref<262144xf32, #tpu.memory_space<hbm>> -> memref<512xf32, #tpu.memory_space<hbm>>
      %dma_start3A_73 = arith.constant 2560 : i32
      %dma_start3A_74 = tpu.memref_slice %arg5[%dma_start3A_73] : memref<8192xf32, #tpu.memory_space<vmem>> -> memref<512xf32, #tpu.memory_space<vmem>>
      %dma_start3A_75 = tpu.memref_slice %arg2[%add3A_14] : memref<262144xf32, #tpu.memory_space<hbm>> -> memref<512xf32, #tpu.memory_space<hbm>>
      tpu.enqueue_dma source(%dma_start3A_75 : memref<512xf32, #tpu.memory_space<hbm>>) target(%dma_start3A_74 : memref<512xf32, #tpu.memory_space<vmem>>) target_semaphore(%run_scoped3A : memref<!tpu.dma_semaphore, #tpu.memory_space<semaphore_mem>>)
      %dma_wait3A = arith.constant 2560 : i32
      %dma_wait3A_76 = tpu.memref_slice %arg5[%dma_wait3A] : memref<8192xf32, #tpu.memory_space<vmem>> -> memref<512xf32, #tpu.memory_space<vmem>>
      %dma_wait3A_77 = tpu.memref_slice %arg2[%add3A_14] : memref<262144xf32, #tpu.memory_space<hbm>> -> memref<512xf32, #tpu.memory_space<hbm>>
      %dma_wait3A_78 = arith.constant 2560 : i32
      %dma_wait3A_79 = tpu.memref_slice %arg5[%dma_wait3A_78] : memref<8192xf32, #tpu.memory_space<vmem>> -> memref<512xf32, #tpu.memory_space<vmem>>
      %dma_wait3A_80 = tpu.memref_slice %arg2[%add3A_14] : memref<262144xf32, #tpu.memory_space<hbm>> -> memref<512xf32, #tpu.memory_space<hbm>>
      tpu.wait_dma2 semaphore(%run_scoped3A : memref<!tpu.dma_semaphore, #tpu.memory_space<semaphore_mem>>) src(%dma_wait3A_80 : memref<512xf32, #tpu.memory_space<hbm>>) dst(%dma_wait3A_79 : memref<512xf32, #tpu.memory_space<vmem>>)
      tpu.yield
    }) : () -> ()
    %add3A_15 = arith.constant 98304 : i32
    %add3A_16 = arith.addi %add3A_15, %mul3A_2 : i32
    "tpu.region"() ({
      %run_scoped3A = tpu.sem_alloc : memref<!tpu.dma_semaphore, #tpu.memory_space<semaphore_mem>>
      %dma_start3A = arith.constant 3072 : i32
      %dma_start3A_71 = tpu.memref_slice %arg5[%dma_start3A] : memref<8192xf32, #tpu.memory_space<vmem>> -> memref<512xf32, #tpu.memory_space<vmem>>
      %dma_start3A_72 = tpu.memref_slice %arg2[%add3A_16] : memref<262144xf32, #tpu.memory_space<hbm>> -> memref<512xf32, #tpu.memory_space<hbm>>
      %dma_start3A_73 = arith.constant 3072 : i32
      %dma_start3A_74 = tpu.memref_slice %arg5[%dma_start3A_73] : memref<8192xf32, #tpu.memory_space<vmem>> -> memref<512xf32, #tpu.memory_space<vmem>>
      %dma_start3A_75 = tpu.memref_slice %arg2[%add3A_16] : memref<262144xf32, #tpu.memory_space<hbm>> -> memref<512xf32, #tpu.memory_space<hbm>>
      tpu.enqueue_dma source(%dma_start3A_75 : memref<512xf32, #tpu.memory_space<hbm>>) target(%dma_start3A_74 : memref<512xf32, #tpu.memory_space<vmem>>) target_semaphore(%run_scoped3A : memref<!tpu.dma_semaphore, #tpu.memory_space<semaphore_mem>>)
      %dma_wait3A = arith.constant 3072 : i32
      %dma_wait3A_76 = tpu.memref_slice %arg5[%dma_wait3A] : memref<8192xf32, #tpu.memory_space<vmem>> -> memref<512xf32, #tpu.memory_space<vmem>>
      %dma_wait3A_77 = tpu.memref_slice %arg2[%add3A_16] : memref<262144xf32, #tpu.memory_space<hbm>> -> memref<512xf32, #tpu.memory_space<hbm>>
      %dma_wait3A_78 = arith.constant 3072 : i32
      %dma_wait3A_79 = tpu.memref_slice %arg5[%dma_wait3A_78] : memref<8192xf32, #tpu.memory_space<vmem>> -> memref<512xf32, #tpu.memory_space<vmem>>
      %dma_wait3A_80 = tpu.memref_slice %arg2[%add3A_16] : memref<262144xf32, #tpu.memory_space<hbm>> -> memref<512xf32, #tpu.memory_space<hbm>>
      tpu.wait_dma2 semaphore(%run_scoped3A : memref<!tpu.dma_semaphore, #tpu.memory_space<semaphore_mem>>) src(%dma_wait3A_80 : memref<512xf32, #tpu.memory_space<hbm>>) dst(%dma_wait3A_79 : memref<512xf32, #tpu.memory_space<vmem>>)
      tpu.yield
    }) : () -> ()
    %add3A_17 = arith.constant 114688 : i32
    %add3A_18 = arith.addi %add3A_17, %mul3A_2 : i32
    "tpu.region"() ({
      %run_scoped3A = tpu.sem_alloc : memref<!tpu.dma_semaphore, #tpu.memory_space<semaphore_mem>>
      %dma_start3A = arith.constant 3584 : i32
      %dma_start3A_71 = tpu.memref_slice %arg5[%dma_start3A] : memref<8192xf32, #tpu.memory_space<vmem>> -> memref<512xf32, #tpu.memory_space<vmem>>
      %dma_start3A_72 = tpu.memref_slice %arg2[%add3A_18] : memref<262144xf32, #tpu.memory_space<hbm>> -> memref<512xf32, #tpu.memory_space<hbm>>
      %dma_start3A_73 = arith.constant 3584 : i32
      %dma_start3A_74 = tpu.memref_slice %arg5[%dma_start3A_73] : memref<8192xf32, #tpu.memory_space<vmem>> -> memref<512xf32, #tpu.memory_space<vmem>>
      %dma_start3A_75 = tpu.memref_slice %arg2[%add3A_18] : memref<262144xf32, #tpu.memory_space<hbm>> -> memref<512xf32, #tpu.memory_space<hbm>>
      tpu.enqueue_dma source(%dma_start3A_75 : memref<512xf32, #tpu.memory_space<hbm>>) target(%dma_start3A_74 : memref<512xf32, #tpu.memory_space<vmem>>) target_semaphore(%run_scoped3A : memref<!tpu.dma_semaphore, #tpu.memory_space<semaphore_mem>>)
      %dma_wait3A = arith.constant 3584 : i32
      %dma_wait3A_76 = tpu.memref_slice %arg5[%dma_wait3A] : memref<8192xf32, #tpu.memory_space<vmem>> -> memref<512xf32, #tpu.memory_space<vmem>>
      %dma_wait3A_77 = tpu.memref_slice %arg2[%add3A_18] : memref<262144xf32, #tpu.memory_space<hbm>> -> memref<512xf32, #tpu.memory_space<hbm>>
      %dma_wait3A_78 = arith.constant 3584 : i32
      %dma_wait3A_79 = tpu.memref_slice %arg5[%dma_wait3A_78] : memref<8192xf32, #tpu.memory_space<vmem>> -> memref<512xf32, #tpu.memory_space<vmem>>
      %dma_wait3A_80 = tpu.memref_slice %arg2[%add3A_18] : memref<262144xf32, #tpu.memory_space<hbm>> -> memref<512xf32, #tpu.memory_space<hbm>>
      tpu.wait_dma2 semaphore(%run_scoped3A : memref<!tpu.dma_semaphore, #tpu.memory_space<semaphore_mem>>) src(%dma_wait3A_80 : memref<512xf32, #tpu.memory_space<hbm>>) dst(%dma_wait3A_79 : memref<512xf32, #tpu.memory_space<vmem>>)
      tpu.yield
    }) : () -> ()
    %add3A_19 = arith.constant 131072 : i32
    %add3A_20 = arith.addi %add3A_19, %mul3A_2 : i32
    "tpu.region"() ({
      %run_scoped3A = tpu.sem_alloc : memref<!tpu.dma_semaphore, #tpu.memory_space<semaphore_mem>>
      %dma_start3A = arith.constant 4096 : i32
      %dma_start3A_71 = tpu.memref_slice %arg5[%dma_start3A] : memref<8192xf32, #tpu.memory_space<vmem>> -> memref<512xf32, #tpu.memory_space<vmem>>
      %dma_start3A_72 = tpu.memref_slice %arg2[%add3A_20] : memref<262144xf32, #tpu.memory_space<hbm>> -> memref<512xf32, #tpu.memory_space<hbm>>
      %dma_start3A_73 = arith.constant 4096 : i32
      %dma_start3A_74 = tpu.memref_slice %arg5[%dma_start3A_73] : memref<8192xf32, #tpu.memory_space<vmem>> -> memref<512xf32, #tpu.memory_space<vmem>>
      %dma_start3A_75 = tpu.memref_slice %arg2[%add3A_20] : memref<262144xf32, #tpu.memory_space<hbm>> -> memref<512xf32, #tpu.memory_space<hbm>>
      tpu.enqueue_dma source(%dma_start3A_75 : memref<512xf32, #tpu.memory_space<hbm>>) target(%dma_start3A_74 : memref<512xf32, #tpu.memory_space<vmem>>) target_semaphore(%run_scoped3A : memref<!tpu.dma_semaphore, #tpu.memory_space<semaphore_mem>>)
      %dma_wait3A = arith.constant 4096 : i32
      %dma_wait3A_76 = tpu.memref_slice %arg5[%dma_wait3A] : memref<8192xf32, #tpu.memory_space<vmem>> -> memref<512xf32, #tpu.memory_space<vmem>>
      %dma_wait3A_77 = tpu.memref_slice %arg2[%add3A_20] : memref<262144xf32, #tpu.memory_space<hbm>> -> memref<512xf32, #tpu.memory_space<hbm>>
      %dma_wait3A_78 = arith.constant 4096 : i32
      %dma_wait3A_79 = tpu.memref_slice %arg5[%dma_wait3A_78] : memref<8192xf32, #tpu.memory_space<vmem>> -> memref<512xf32, #tpu.memory_space<vmem>>
      %dma_wait3A_80 = tpu.memref_slice %arg2[%add3A_20] : memref<262144xf32, #tpu.memory_space<hbm>> -> memref<512xf32, #tpu.memory_space<hbm>>
      tpu.wait_dma2 semaphore(%run_scoped3A : memref<!tpu.dma_semaphore, #tpu.memory_space<semaphore_mem>>) src(%dma_wait3A_80 : memref<512xf32, #tpu.memory_space<hbm>>) dst(%dma_wait3A_79 : memref<512xf32, #tpu.memory_space<vmem>>)
      tpu.yield
    }) : () -> ()
    %add3A_21 = arith.constant 147456 : i32
    %add3A_22 = arith.addi %add3A_21, %mul3A_2 : i32
    "tpu.region"() ({
      %run_scoped3A = tpu.sem_alloc : memref<!tpu.dma_semaphore, #tpu.memory_space<semaphore_mem>>
      %dma_start3A = arith.constant 4608 : i32
      %dma_start3A_71 = tpu.memref_slice %arg5[%dma_start3A] : memref<8192xf32, #tpu.memory_space<vmem>> -> memref<512xf32, #tpu.memory_space<vmem>>
      %dma_start3A_72 = tpu.memref_slice %arg2[%add3A_22] : memref<262144xf32, #tpu.memory_space<hbm>> -> memref<512xf32, #tpu.memory_space<hbm>>
      %dma_start3A_73 = arith.constant 4608 : i32
      %dma_start3A_74 = tpu.memref_slice %arg5[%dma_start3A_73] : memref<8192xf32, #tpu.memory_space<vmem>> -> memref<512xf32, #tpu.memory_space<vmem>>
      %dma_start3A_75 = tpu.memref_slice %arg2[%add3A_22] : memref<262144xf32, #tpu.memory_space<hbm>> -> memref<512xf32, #tpu.memory_space<hbm>>
      tpu.enqueue_dma source(%dma_start3A_75 : memref<512xf32, #tpu.memory_space<hbm>>) target(%dma_start3A_74 : memref<512xf32, #tpu.memory_space<vmem>>) target_semaphore(%run_scoped3A : memref<!tpu.dma_semaphore, #tpu.memory_space<semaphore_mem>>)
      %dma_wait3A = arith.constant 4608 : i32
      %dma_wait3A_76 = tpu.memref_slice %arg5[%dma_wait3A] : memref<8192xf32, #tpu.memory_space<vmem>> -> memref<512xf32, #tpu.memory_space<vmem>>
      %dma_wait3A_77 = tpu.memref_slice %arg2[%add3A_22] : memref<262144xf32, #tpu.memory_space<hbm>> -> memref<512xf32, #tpu.memory_space<hbm>>
      %dma_wait3A_78 = arith.constant 4608 : i32
      %dma_wait3A_79 = tpu.memref_slice %arg5[%dma_wait3A_78] : memref<8192xf32, #tpu.memory_space<vmem>> -> memref<512xf32, #tpu.memory_space<vmem>>
      %dma_wait3A_80 = tpu.memref_slice %arg2[%add3A_22] : memref<262144xf32, #tpu.memory_space<hbm>> -> memref<512xf32, #tpu.memory_space<hbm>>
      tpu.wait_dma2 semaphore(%run_scoped3A : memref<!tpu.dma_semaphore, #tpu.memory_space<semaphore_mem>>) src(%dma_wait3A_80 : memref<512xf32, #tpu.memory_space<hbm>>) dst(%dma_wait3A_79 : memref<512xf32, #tpu.memory_space<vmem>>)
      tpu.yield
    }) : () -> ()
    %add3A_23 = arith.constant 163840 : i32
    %add3A_24 = arith.addi %add3A_23, %mul3A_2 : i32
    "tpu.region"() ({
      %run_scoped3A = tpu.sem_alloc : memref<!tpu.dma_semaphore, #tpu.memory_space<semaphore_mem>>
      %dma_start3A = arith.constant 5120 : i32
      %dma_start3A_71 = tpu.memref_slice %arg5[%dma_start3A] : memref<8192xf32, #tpu.memory_space<vmem>> -> memref<512xf32, #tpu.memory_space<vmem>>
      %dma_start3A_72 = tpu.memref_slice %arg2[%add3A_24] : memref<262144xf32, #tpu.memory_space<hbm>> -> memref<512xf32, #tpu.memory_space<hbm>>
      %dma_start3A_73 = arith.constant 5120 : i32
      %dma_start3A_74 = tpu.memref_slice %arg5[%dma_start3A_73] : memref<8192xf32, #tpu.memory_space<vmem>> -> memref<512xf32, #tpu.memory_space<vmem>>
      %dma_start3A_75 = tpu.memref_slice %arg2[%add3A_24] : memref<262144xf32, #tpu.memory_space<hbm>> -> memref<512xf32, #tpu.memory_space<hbm>>
      tpu.enqueue_dma source(%dma_start3A_75 : memref<512xf32, #tpu.memory_space<hbm>>) target(%dma_start3A_74 : memref<512xf32, #tpu.memory_space<vmem>>) target_semaphore(%run_scoped3A : memref<!tpu.dma_semaphore, #tpu.memory_space<semaphore_mem>>)
      %dma_wait3A = arith.constant 5120 : i32
      %dma_wait3A_76 = tpu.memref_slice %arg5[%dma_wait3A] : memref<8192xf32, #tpu.memory_space<vmem>> -> memref<512xf32, #tpu.memory_space<vmem>>
      %dma_wait3A_77 = tpu.memref_slice %arg2[%add3A_24] : memref<262144xf32, #tpu.memory_space<hbm>> -> memref<512xf32, #tpu.memory_space<hbm>>
      %dma_wait3A_78 = arith.constant 5120 : i32
      %dma_wait3A_79 = tpu.memref_slice %arg5[%dma_wait3A_78] : memref<8192xf32, #tpu.memory_space<vmem>> -> memref<512xf32, #tpu.memory_space<vmem>>
      %dma_wait3A_80 = tpu.memref_slice %arg2[%add3A_24] : memref<262144xf32, #tpu.memory_space<hbm>> -> memref<512xf32, #tpu.memory_space<hbm>>
      tpu.wait_dma2 semaphore(%run_scoped3A : memref<!tpu.dma_semaphore, #tpu.memory_space<semaphore_mem>>) src(%dma_wait3A_80 : memref<512xf32, #tpu.memory_space<hbm>>) dst(%dma_wait3A_79 : memref<512xf32, #tpu.memory_space<vmem>>)
      tpu.yield
    }) : () -> ()
    %add3A_25 = arith.constant 180224 : i32
    %add3A_26 = arith.addi %add3A_25, %mul3A_2 : i32
    "tpu.region"() ({
      %run_scoped3A = tpu.sem_alloc : memref<!tpu.dma_semaphore, #tpu.memory_space<semaphore_mem>>
      %dma_start3A = arith.constant 5632 : i32
      %dma_start3A_71 = tpu.memref_slice %arg5[%dma_start3A] : memref<8192xf32, #tpu.memory_space<vmem>> -> memref<512xf32, #tpu.memory_space<vmem>>
      %dma_start3A_72 = tpu.memref_slice %arg2[%add3A_26] : memref<262144xf32, #tpu.memory_space<hbm>> -> memref<512xf32, #tpu.memory_space<hbm>>
      %dma_start3A_73 = arith.constant 5632 : i32
      %dma_start3A_74 = tpu.memref_slice %arg5[%dma_start3A_73] : memref<8192xf32, #tpu.memory_space<vmem>> -> memref<512xf32, #tpu.memory_space<vmem>>
      %dma_start3A_75 = tpu.memref_slice %arg2[%add3A_26] : memref<262144xf32, #tpu.memory_space<hbm>> -> memref<512xf32, #tpu.memory_space<hbm>>
      tpu.enqueue_dma source(%dma_start3A_75 : memref<512xf32, #tpu.memory_space<hbm>>) target(%dma_start3A_74 : memref<512xf32, #tpu.memory_space<vmem>>) target_semaphore(%run_scoped3A : memref<!tpu.dma_semaphore, #tpu.memory_space<semaphore_mem>>)
      %dma_wait3A = arith.constant 5632 : i32
      %dma_wait3A_76 = tpu.memref_slice %arg5[%dma_wait3A] : memref<8192xf32, #tpu.memory_space<vmem>> -> memref<512xf32, #tpu.memory_space<vmem>>
      %dma_wait3A_77 = tpu.memref_slice %arg2[%add3A_26] : memref<262144xf32, #tpu.memory_space<hbm>> -> memref<512xf32, #tpu.memory_space<hbm>>
      %dma_wait3A_78 = arith.constant 5632 : i32
      %dma_wait3A_79 = tpu.memref_slice %arg5[%dma_wait3A_78] : memref<8192xf32, #tpu.memory_space<vmem>> -> memref<512xf32, #tpu.memory_space<vmem>>
      %dma_wait3A_80 = tpu.memref_slice %arg2[%add3A_26] : memref<262144xf32, #tpu.memory_space<hbm>> -> memref<512xf32, #tpu.memory_space<hbm>>
      tpu.wait_dma2 semaphore(%run_scoped3A : memref<!tpu.dma_semaphore, #tpu.memory_space<semaphore_mem>>) src(%dma_wait3A_80 : memref<512xf32, #tpu.memory_space<hbm>>) dst(%dma_wait3A_79 : memref<512xf32, #tpu.memory_space<vmem>>)
      tpu.yield
    }) : () -> ()
    %add3A_27 = arith.constant 196608 : i32
    %add3A_28 = arith.addi %add3A_27, %mul3A_2 : i32
    "tpu.region"() ({
      %run_scoped3A = tpu.sem_alloc : memref<!tpu.dma_semaphore, #tpu.memory_space<semaphore_mem>>
      %dma_start3A = arith.constant 6144 : i32
      %dma_start3A_71 = tpu.memref_slice %arg5[%dma_start3A] : memref<8192xf32, #tpu.memory_space<vmem>> -> memref<512xf32, #tpu.memory_space<vmem>>
      %dma_start3A_72 = tpu.memref_slice %arg2[%add3A_28] : memref<262144xf32, #tpu.memory_space<hbm>> -> memref<512xf32, #tpu.memory_space<hbm>>
      %dma_start3A_73 = arith.constant 6144 : i32
      %dma_start3A_74 = tpu.memref_slice %arg5[%dma_start3A_73] : memref<8192xf32, #tpu.memory_space<vmem>> -> memref<512xf32, #tpu.memory_space<vmem>>
      %dma_start3A_75 = tpu.memref_slice %arg2[%add3A_28] : memref<262144xf32, #tpu.memory_space<hbm>> -> memref<512xf32, #tpu.memory_space<hbm>>
      tpu.enqueue_dma source(%dma_start3A_75 : memref<512xf32, #tpu.memory_space<hbm>>) target(%dma_start3A_74 : memref<512xf32, #tpu.memory_space<vmem>>) target_semaphore(%run_scoped3A : memref<!tpu.dma_semaphore, #tpu.memory_space<semaphore_mem>>)
      %dma_wait3A = arith.constant 6144 : i32
      %dma_wait3A_76 = tpu.memref_slice %arg5[%dma_wait3A] : memref<8192xf32, #tpu.memory_space<vmem>> -> memref<512xf32, #tpu.memory_space<vmem>>
      %dma_wait3A_77 = tpu.memref_slice %arg2[%add3A_28] : memref<262144xf32, #tpu.memory_space<hbm>> -> memref<512xf32, #tpu.memory_space<hbm>>
      %dma_wait3A_78 = arith.constant 6144 : i32
      %dma_wait3A_79 = tpu.memref_slice %arg5[%dma_wait3A_78] : memref<8192xf32, #tpu.memory_space<vmem>> -> memref<512xf32, #tpu.memory_space<vmem>>
      %dma_wait3A_80 = tpu.memref_slice %arg2[%add3A_28] : memref<262144xf32, #tpu.memory_space<hbm>> -> memref<512xf32, #tpu.memory_space<hbm>>
      tpu.wait_dma2 semaphore(%run_scoped3A : memref<!tpu.dma_semaphore, #tpu.memory_space<semaphore_mem>>) src(%dma_wait3A_80 : memref<512xf32, #tpu.memory_space<hbm>>) dst(%dma_wait3A_79 : memref<512xf32, #tpu.memory_space<vmem>>)
      tpu.yield
    }) : () -> ()
    %add3A_29 = arith.constant 212992 : i32
    %add3A_30 = arith.addi %add3A_29, %mul3A_2 : i32
    "tpu.region"() ({
      %run_scoped3A = tpu.sem_alloc : memref<!tpu.dma_semaphore, #tpu.memory_space<semaphore_mem>>
      %dma_start3A = arith.constant 6656 : i32
      %dma_start3A_71 = tpu.memref_slice %arg5[%dma_start3A] : memref<8192xf32, #tpu.memory_space<vmem>> -> memref<512xf32, #tpu.memory_space<vmem>>
      %dma_start3A_72 = tpu.memref_slice %arg2[%add3A_30] : memref<262144xf32, #tpu.memory_space<hbm>> -> memref<512xf32, #tpu.memory_space<hbm>>
      %dma_start3A_73 = arith.constant 6656 : i32
      %dma_start3A_74 = tpu.memref_slice %arg5[%dma_start3A_73] : memref<8192xf32, #tpu.memory_space<vmem>> -> memref<512xf32, #tpu.memory_space<vmem>>
      %dma_start3A_75 = tpu.memref_slice %arg2[%add3A_30] : memref<262144xf32, #tpu.memory_space<hbm>> -> memref<512xf32, #tpu.memory_space<hbm>>
      tpu.enqueue_dma source(%dma_start3A_75 : memref<512xf32, #tpu.memory_space<hbm>>) target(%dma_start3A_74 : memref<512xf32, #tpu.memory_space<vmem>>) target_semaphore(%run_scoped3A : memref<!tpu.dma_semaphore, #tpu.memory_space<semaphore_mem>>)
      %dma_wait3A = arith.constant 6656 : i32
      %dma_wait3A_76 = tpu.memref_slice %arg5[%dma_wait3A] : memref<8192xf32, #tpu.memory_space<vmem>> -> memref<512xf32, #tpu.memory_space<vmem>>
      %dma_wait3A_77 = tpu.memref_slice %arg2[%add3A_30] : memref<262144xf32, #tpu.memory_space<hbm>> -> memref<512xf32, #tpu.memory_space<hbm>>
      %dma_wait3A_78 = arith.constant 6656 : i32
      %dma_wait3A_79 = tpu.memref_slice %arg5[%dma_wait3A_78] : memref<8192xf32, #tpu.memory_space<vmem>> -> memref<512xf32, #tpu.memory_space<vmem>>
      %dma_wait3A_80 = tpu.memref_slice %arg2[%add3A_30] : memref<262144xf32, #tpu.memory_space<hbm>> -> memref<512xf32, #tpu.memory_space<hbm>>
      tpu.wait_dma2 semaphore(%run_scoped3A : memref<!tpu.dma_semaphore, #tpu.memory_space<semaphore_mem>>) src(%dma_wait3A_80 : memref<512xf32, #tpu.memory_space<hbm>>) dst(%dma_wait3A_79 : memref<512xf32, #tpu.memory_space<vmem>>)
      tpu.yield
    }) : () -> ()
    %add3A_31 = arith.constant 229376 : i32
    %add3A_32 = arith.addi %add3A_31, %mul3A_2 : i32
    "tpu.region"() ({
      %run_scoped3A = tpu.sem_alloc : memref<!tpu.dma_semaphore, #tpu.memory_space<semaphore_mem>>
      %dma_start3A = arith.constant 7168 : i32
      %dma_start3A_71 = tpu.memref_slice %arg5[%dma_start3A] : memref<8192xf32, #tpu.memory_space<vmem>> -> memref<512xf32, #tpu.memory_space<vmem>>
      %dma_start3A_72 = tpu.memref_slice %arg2[%add3A_32] : memref<262144xf32, #tpu.memory_space<hbm>> -> memref<512xf32, #tpu.memory_space<hbm>>
      %dma_start3A_73 = arith.constant 7168 : i32
      %dma_start3A_74 = tpu.memref_slice %arg5[%dma_start3A_73] : memref<8192xf32, #tpu.memory_space<vmem>> -> memref<512xf32, #tpu.memory_space<vmem>>
      %dma_start3A_75 = tpu.memref_slice %arg2[%add3A_32] : memref<262144xf32, #tpu.memory_space<hbm>> -> memref<512xf32, #tpu.memory_space<hbm>>
      tpu.enqueue_dma source(%dma_start3A_75 : memref<512xf32, #tpu.memory_space<hbm>>) target(%dma_start3A_74 : memref<512xf32, #tpu.memory_space<vmem>>) target_semaphore(%run_scoped3A : memref<!tpu.dma_semaphore, #tpu.memory_space<semaphore_mem>>)
      %dma_wait3A = arith.constant 7168 : i32
      %dma_wait3A_76 = tpu.memref_slice %arg5[%dma_wait3A] : memref<8192xf32, #tpu.memory_space<vmem>> -> memref<512xf32, #tpu.memory_space<vmem>>
      %dma_wait3A_77 = tpu.memref_slice %arg2[%add3A_32] : memref<262144xf32, #tpu.memory_space<hbm>> -> memref<512xf32, #tpu.memory_space<hbm>>
      %dma_wait3A_78 = arith.constant 7168 : i32
      %dma_wait3A_79 = tpu.memref_slice %arg5[%dma_wait3A_78] : memref<8192xf32, #tpu.memory_space<vmem>> -> memref<512xf32, #tpu.memory_space<vmem>>
      %dma_wait3A_80 = tpu.memref_slice %arg2[%add3A_32] : memref<262144xf32, #tpu.memory_space<hbm>> -> memref<512xf32, #tpu.memory_space<hbm>>
      tpu.wait_dma2 semaphore(%run_scoped3A : memref<!tpu.dma_semaphore, #tpu.memory_space<semaphore_mem>>) src(%dma_wait3A_80 : memref<512xf32, #tpu.memory_space<hbm>>) dst(%dma_wait3A_79 : memref<512xf32, #tpu.memory_space<vmem>>)
      tpu.yield
    }) : () -> ()
    %add3A_33 = arith.constant 245760 : i32
    %add3A_34 = arith.addi %add3A_33, %mul3A_2 : i32
    "tpu.region"() ({
      %run_scoped3A = tpu.sem_alloc : memref<!tpu.dma_semaphore, #tpu.memory_space<semaphore_mem>>
      %dma_start3A = arith.constant 7680 : i32
      %dma_start3A_71 = tpu.memref_slice %arg5[%dma_start3A] : memref<8192xf32, #tpu.memory_space<vmem>> -> memref<512xf32, #tpu.memory_space<vmem>>
      %dma_start3A_72 = tpu.memref_slice %arg2[%add3A_34] : memref<262144xf32, #tpu.memory_space<hbm>> -> memref<512xf32, #tpu.memory_space<hbm>>
      %dma_start3A_73 = arith.constant 7680 : i32
      %dma_start3A_74 = tpu.memref_slice %arg5[%dma_start3A_73] : memref<8192xf32, #tpu.memory_space<vmem>> -> memref<512xf32, #tpu.memory_space<vmem>>
      %dma_start3A_75 = tpu.memref_slice %arg2[%add3A_34] : memref<262144xf32, #tpu.memory_space<hbm>> -> memref<512xf32, #tpu.memory_space<hbm>>
      tpu.enqueue_dma source(%dma_start3A_75 : memref<512xf32, #tpu.memory_space<hbm>>) target(%dma_start3A_74 : memref<512xf32, #tpu.memory_space<vmem>>) target_semaphore(%run_scoped3A : memref<!tpu.dma_semaphore, #tpu.memory_space<semaphore_mem>>)
      %dma_wait3A = arith.constant 7680 : i32
      %dma_wait3A_76 = tpu.memref_slice %arg5[%dma_wait3A] : memref<8192xf32, #tpu.memory_space<vmem>> -> memref<512xf32, #tpu.memory_space<vmem>>
      %dma_wait3A_77 = tpu.memref_slice %arg2[%add3A_34] : memref<262144xf32, #tpu.memory_space<hbm>> -> memref<512xf32, #tpu.memory_space<hbm>>
      %dma_wait3A_78 = arith.constant 7680 : i32
      %dma_wait3A_79 = tpu.memref_slice %arg5[%dma_wait3A_78] : memref<8192xf32, #tpu.memory_space<vmem>> -> memref<512xf32, #tpu.memory_space<vmem>>
      %dma_wait3A_80 = tpu.memref_slice %arg2[%add3A_34] : memref<262144xf32, #tpu.memory_space<hbm>> -> memref<512xf32, #tpu.memory_space<hbm>>
      tpu.wait_dma2 semaphore(%run_scoped3A : memref<!tpu.dma_semaphore, #tpu.memory_space<semaphore_mem>>) src(%dma_wait3A_80 : memref<512xf32, #tpu.memory_space<hbm>>) dst(%dma_wait3A_79 : memref<512xf32, #tpu.memory_space<vmem>>)
      tpu.yield
    }) : () -> ()
    %scan3A = arith.constant 0 : i32
    %scan3A_35 = arith.constant 32 : i32
    %scan3A_36 = arith.addi %scan3A, %scan3A_35 : i32
    %scan3A_37 = arith.constant 1 : i32
    scf.for %scan3A_71 = %scan3A to %scan3A_36 step %scan3A_37  : i32 {
      %mul3A_72 = arith.constant 16 : i32
      %mul3A_73 = arith.muli %scan3A_71, %mul3A_72 : i32
      %add3A_74 = arith.constant 0 : i32
      %add3A_75 = arith.addi %add3A_74, %mul3A_73 : i32
      %get3A = arith.index_cast %add3A_75 : i32 to index
      %get3A_76 = tpu.vector_load %arg5[%get3A] {strides = array<i32>} : memref<8192xf32, #tpu.memory_space<vmem>>, vector<16xf32>,
      %get3A_77 = vector.shape_cast %get3A_76 : vector<16xf32> to vector<16xf32>
      %add3A_78 = arith.constant 512 : i32
      %add3A_79 = arith.addi %add3A_78, %mul3A_73 : i32
      %get3A_80 = arith.index_cast %add3A_79 : i32 to index
      %get3A_81 = tpu.vector_load %arg5[%get3A_80] {strides = array<i32>} : memref<8192xf32, #tpu.memory_space<vmem>>, vector<16xf32>,
      %get3A_82 = vector.shape_cast %get3A_81 : vector<16xf32> to vector<16xf32>
      %add3A_83 = arith.constant 1024 : i32
      %add3A_84 = arith.addi %add3A_83, %mul3A_73 : i32
      %get3A_85 = arith.index_cast %add3A_84 : i32 to index
      %get3A_86 = tpu.vector_load %arg5[%get3A_85] {strides = array<i32>} : memref<8192xf32, #tpu.memory_space<vmem>>, vector<16xf32>,
      %get3A_87 = vector.shape_cast %get3A_86 : vector<16xf32> to vector<16xf32>
      %add3A_88 = arith.constant 1536 : i32
      %add3A_89 = arith.addi %add3A_88, %mul3A_73 : i32
      %get3A_90 = arith.index_cast %add3A_89 : i32 to index
      %get3A_91 = tpu.vector_load %arg5[%get3A_90] {strides = array<i32>} : memref<8192xf32, #tpu.memory_space<vmem>>, vector<16xf32>,
      %get3A_92 = vector.shape_cast %get3A_91 : vector<16xf32> to vector<16xf32>
      %add3A_93 = arith.constant 2048 : i32
      %add3A_94 = arith.addi %add3A_93, %mul3A_73 : i32
      %get3A_95 = arith.index_cast %add3A_94 : i32 to index
      %get3A_96 = tpu.vector_load %arg5[%get3A_95] {strides = array<i32>} : memref<8192xf32, #tpu.memory_space<vmem>>, vector<16xf32>,
      %get3A_97 = vector.shape_cast %get3A_96 : vector<16xf32> to vector<16xf32>
      %add3A_98 = arith.constant 2560 : i32
      %add3A_99 = arith.addi %add3A_98, %mul3A_73 : i32
      %get3A_100 = arith.index_cast %add3A_99 : i32 to index
      %get3A_101 = tpu.vector_load %arg5[%get3A_100] {strides = array<i32>} : memref<8192xf32, #tpu.memory_space<vmem>>, vector<16xf32>,
      %get3A_102 = vector.shape_cast %get3A_101 : vector<16xf32> to vector<16xf32>
      %add3A_103 = arith.constant 3072 : i32
      %add3A_104 = arith.addi %add3A_103, %mul3A_73 : i32
      %get3A_105 = arith.index_cast %add3A_104 : i32 to index
      %get3A_106 = tpu.vector_load %arg5[%get3A_105] {strides = array<i32>} : memref<8192xf32, #tpu.memory_space<vmem>>, vector<16xf32>,
      %get3A_107 = vector.shape_cast %get3A_106 : vector<16xf32> to vector<16xf32>
      %add3A_108 = arith.constant 3584 : i32
      %add3A_109 = arith.addi %add3A_108, %mul3A_73 : i32
      %get3A_110 = arith.index_cast %add3A_109 : i32 to index
      %get3A_111 = tpu.vector_load %arg5[%get3A_110] {strides = array<i32>} : memref<8192xf32, #tpu.memory_space<vmem>>, vector<16xf32>,
      %get3A_112 = vector.shape_cast %get3A_111 : vector<16xf32> to vector<16xf32>
      %add3A_113 = arith.constant 4096 : i32
      %add3A_114 = arith.addi %add3A_113, %mul3A_73 : i32
      %get3A_115 = arith.index_cast %add3A_114 : i32 to index
      %get3A_116 = tpu.vector_load %arg5[%get3A_115] {strides = array<i32>} : memref<8192xf32, #tpu.memory_space<vmem>>, vector<16xf32>,
      %get3A_117 = vector.shape_cast %get3A_116 : vector<16xf32> to vector<16xf32>
      %add3A_118 = arith.constant 4608 : i32
      %add3A_119 = arith.addi %add3A_118, %mul3A_73 : i32
      %get3A_120 = arith.index_cast %add3A_119 : i32 to index
      %get3A_121 = tpu.vector_load %arg5[%get3A_120] {strides = array<i32>} : memref<8192xf32, #tpu.memory_space<vmem>>, vector<16xf32>,
      %get3A_122 = vector.shape_cast %get3A_121 : vector<16xf32> to vector<16xf32>
      %add3A_123 = arith.constant 5120 : i32
      %add3A_124 = arith.addi %add3A_123, %mul3A_73 : i32
      %get3A_125 = arith.index_cast %add3A_124 : i32 to index
      %get3A_126 = tpu.vector_load %arg5[%get3A_125] {strides = array<i32>} : memref<8192xf32, #tpu.memory_space<vmem>>, vector<16xf32>,
      %get3A_127 = vector.shape_cast %get3A_126 : vector<16xf32> to vector<16xf32>
      %add3A_128 = arith.constant 5632 : i32
      %add3A_129 = arith.addi %add3A_128, %mul3A_73 : i32
      %get3A_130 = arith.index_cast %add3A_129 : i32 to index
      %get3A_131 = tpu.vector_load %arg5[%get3A_130] {strides = array<i32>} : memref<8192xf32, #tpu.memory_space<vmem>>, vector<16xf32>,
      %get3A_132 = vector.shape_cast %get3A_131 : vector<16xf32> to vector<16xf32>
      %add3A_133 = arith.constant 6144 : i32
      %add3A_134 = arith.addi %add3A_133, %mul3A_73 : i32
      %get3A_135 = arith.index_cast %add3A_134 : i32 to index
      %get3A_136 = tpu.vector_load %arg5[%get3A_135] {strides = array<i32>} : memref<8192xf32, #tpu.memory_space<vmem>>, vector<16xf32>,
      %get3A_137 = vector.shape_cast %get3A_136 : vector<16xf32> to vector<16xf32>
      %add3A_138 = arith.constant 6656 : i32
      %add3A_139 = arith.addi %add3A_138, %mul3A_73 : i32
      %get3A_140 = arith.index_cast %add3A_139 : i32 to index
      %get3A_141 = tpu.vector_load %arg5[%get3A_140] {strides = array<i32>} : memref<8192xf32, #tpu.memory_space<vmem>>, vector<16xf32>,
      %get3A_142 = vector.shape_cast %get3A_141 : vector<16xf32> to vector<16xf32>
      %add3A_143 = arith.constant 7168 : i32
      %add3A_144 = arith.addi %add3A_143, %mul3A_73 : i32
      %get3A_145 = arith.index_cast %add3A_144 : i32 to index
      %get3A_146 = tpu.vector_load %arg5[%get3A_145] {strides = array<i32>} : memref<8192xf32, #tpu.memory_space<vmem>>, vector<16xf32>,
      %get3A_147 = vector.shape_cast %get3A_146 : vector<16xf32> to vector<16xf32>
      %add3A_148 = arith.constant 7680 : i32
      %add3A_149 = arith.addi %add3A_148, %mul3A_73 : i32
      %get3A_150 = arith.index_cast %add3A_149 : i32 to index
      %get3A_151 = tpu.vector_load %arg5[%get3A_150] {strides = array<i32>} : memref<8192xf32, #tpu.memory_space<vmem>>, vector<16xf32>,
      %get3A_152 = vector.shape_cast %get3A_151 : vector<16xf32> to vector<16xf32>
      %broadcast_in_dim3A = arith.constant 0xFF800000 : f32
      %broadcast_in_dim3A_153 = vector.broadcast %broadcast_in_dim3A : f32 to vector<16xf32>
      %max3A = arith.maximumf %get3A_77, %get3A_82 : vector<16xf32>
      %max3A_154 = arith.maximumf %max3A, %get3A_87 : vector<16xf32>
      %max3A_155 = arith.maximumf %max3A_154, %get3A_92 : vector<16xf32>
      %max3A_156 = arith.maximumf %max3A_155, %get3A_97 : vector<16xf32>
      %max3A_157 = arith.maximumf %max3A_156, %get3A_102 : vector<16xf32>
      %max3A_158 = arith.maximumf %max3A_157, %get3A_107 : vector<16xf32>
      %max3A_159 = arith.maximumf %max3A_158, %get3A_112 : vector<16xf32>
      %max3A_160 = arith.maximumf %max3A_159, %get3A_117 : vector<16xf32>
      %max3A_161 = arith.maximumf %max3A_160, %get3A_122 : vector<16xf32>
      %max3A_162 = arith.maximumf %max3A_161, %get3A_127 : vector<16xf32>
      %max3A_163 = arith.maximumf %max3A_162, %get3A_132 : vector<16xf32>
      %max3A_164 = arith.maximumf %max3A_163, %get3A_137 : vector<16xf32>
      %max3A_165 = arith.maximumf %max3A_164, %get3A_142 : vector<16xf32>
      %max3A_166 = arith.maximumf %max3A_165, %get3A_147 : vector<16xf32>
      %max3A_167 = arith.maximumf %max3A_166, %get3A_152 : vector<16xf32>
      %broadcast_in_dim3A_168 = arith.constant 15 : i32
      %broadcast_in_dim3A_169 = vector.broadcast %broadcast_in_dim3A_168 : i32 to vector<16xi32>
      %eq3A = arith.cmpf oeq, %get3A_152, %max3A_167 : vector<16xf32>
      %broadcast_in_dim3A_170 = arith.constant 15 : i32
      %broadcast_in_dim3A_171 = vector.broadcast %broadcast_in_dim3A_170 : i32 to vector<16xi32>
      %select_n3A = arith.select %eq3A, %broadcast_in_dim3A_171, %broadcast_in_dim3A_169 : vector<16xi1>, vector<16xi32>
      %eq3A_172 = arith.cmpf oeq, %get3A_147, %max3A_167 : vector<16xf32>
      %broadcast_in_dim3A_173 = arith.constant 14 : i32
      %broadcast_in_dim3A_174 = vector.broadcast %broadcast_in_dim3A_173 : i32 to vector<16xi32>
      %select_n3A_175 = arith.select %eq3A_172, %broadcast_in_dim3A_174, %select_n3A : vector<16xi1>, vector<16xi32>
      %eq3A_176 = arith.cmpf oeq, %get3A_142, %max3A_167 : vector<16xf32>
      %broadcast_in_dim3A_177 = arith.constant 13 : i32
      %broadcast_in_dim3A_178 = vector.broadcast %broadcast_in_dim3A_177 : i32 to vector<16xi32>
      %select_n3A_179 = arith.select %eq3A_176, %broadcast_in_dim3A_178, %select_n3A_175 : vector<16xi1>, vector<16xi32>
      %eq3A_180 = arith.cmpf oeq, %get3A_137, %max3A_167 : vector<16xf32>
      %broadcast_in_dim3A_181 = arith.constant 12 : i32
      %broadcast_in_dim3A_182 = vector.broadcast %broadcast_in_dim3A_181 : i32 to vector<16xi32>
      %select_n3A_183 = arith.select %eq3A_180, %broadcast_in_dim3A_182, %select_n3A_179 : vector<16xi1>, vector<16xi32>
      %eq3A_184 = arith.cmpf oeq, %get3A_132, %max3A_167 : vector<16xf32>
      %broadcast_in_dim3A_185 = arith.constant 11 : i32
      %broadcast_in_dim3A_186 = vector.broadcast %broadcast_in_dim3A_185 : i32 to vector<16xi32>
      %select_n3A_187 = arith.select %eq3A_184, %broadcast_in_dim3A_186, %select_n3A_183 : vector<16xi1>, vector<16xi32>
      %eq3A_188 = arith.cmpf oeq, %get3A_127, %max3A_167 : vector<16xf32>
      %broadcast_in_dim3A_189 = arith.constant 10 : i32
      %broadcast_in_dim3A_190 = vector.broadcast %broadcast_in_dim3A_189 : i32 to vector<16xi32>
      %select_n3A_191 = arith.select %eq3A_188, %broadcast_in_dim3A_190, %select_n3A_187 : vector<16xi1>, vector<16xi32>
      %eq3A_192 = arith.cmpf oeq, %get3A_122, %max3A_167 : vector<16xf32>
      %broadcast_in_dim3A_193 = arith.constant 9 : i32
      %broadcast_in_dim3A_194 = vector.broadcast %broadcast_in_dim3A_193 : i32 to vector<16xi32>
      %select_n3A_195 = arith.select %eq3A_192, %broadcast_in_dim3A_194, %select_n3A_191 : vector<16xi1>, vector<16xi32>
      %eq3A_196 = arith.cmpf oeq, %get3A_117, %max3A_167 : vector<16xf32>
      %broadcast_in_dim3A_197 = arith.constant 8 : i32
      %broadcast_in_dim3A_198 = vector.broadcast %broadcast_in_dim3A_197 : i32 to vector<16xi32>
      %select_n3A_199 = arith.select %eq3A_196, %broadcast_in_dim3A_198, %select_n3A_195 : vector<16xi1>, vector<16xi32>
      %eq3A_200 = arith.cmpf oeq, %get3A_112, %max3A_167 : vector<16xf32>
      %broadcast_in_dim3A_201 = arith.constant 7 : i32
      %broadcast_in_dim3A_202 = vector.broadcast %broadcast_in_dim3A_201 : i32 to vector<16xi32>
      %select_n3A_203 = arith.select %eq3A_200, %broadcast_in_dim3A_202, %select_n3A_199 : vector<16xi1>, vector<16xi32>
      %eq3A_204 = arith.cmpf oeq, %get3A_107, %max3A_167 : vector<16xf32>
      %broadcast_in_dim3A_205 = arith.constant 6 : i32
      %broadcast_in_dim3A_206 = vector.broadcast %broadcast_in_dim3A_205 : i32 to vector<16xi32>
      %select_n3A_207 = arith.select %eq3A_204, %broadcast_in_dim3A_206, %select_n3A_203 : vector<16xi1>, vector<16xi32>
      %eq3A_208 = arith.cmpf oeq, %get3A_102, %max3A_167 : vector<16xf32>
      %broadcast_in_dim3A_209 = arith.constant 5 : i32
      %broadcast_in_dim3A_210 = vector.broadcast %broadcast_in_dim3A_209 : i32 to vector<16xi32>
      %select_n3A_211 = arith.select %eq3A_208, %broadcast_in_dim3A_210, %select_n3A_207 : vector<16xi1>, vector<16xi32>
      %eq3A_212 = arith.cmpf oeq, %get3A_97, %max3A_167 : vector<16xf32>
      %broadcast_in_dim3A_213 = arith.constant 4 : i32
      %broadcast_in_dim3A_214 = vector.broadcast %broadcast_in_dim3A_213 : i32 to vector<16xi32>
      %select_n3A_215 = arith.select %eq3A_212, %broadcast_in_dim3A_214, %select_n3A_211 : vector<16xi1>, vector<16xi32>
      %eq3A_216 = arith.cmpf oeq, %get3A_92, %max3A_167 : vector<16xf32>
      %broadcast_in_dim3A_217 = arith.constant 3 : i32
      %broadcast_in_dim3A_218 = vector.broadcast %broadcast_in_dim3A_217 : i32 to vector<16xi32>
      %select_n3A_219 = arith.select %eq3A_216, %broadcast_in_dim3A_218, %select_n3A_215 : vector<16xi1>, vector<16xi32>
      %eq3A_220 = arith.cmpf oeq, %get3A_87, %max3A_167 : vector<16xf32>
      %broadcast_in_dim3A_221 = arith.constant 2 : i32
      %broadcast_in_dim3A_222 = vector.broadcast %broadcast_in_dim3A_221 : i32 to vector<16xi32>
      %select_n3A_223 = arith.select %eq3A_220, %broadcast_in_dim3A_222, %select_n3A_219 : vector<16xi1>, vector<16xi32>
      %eq3A_224 = arith.cmpf oeq, %get3A_82, %max3A_167 : vector<16xf32>
      %broadcast_in_dim3A_225 = arith.constant 1 : i32
      %broadcast_in_dim3A_226 = vector.broadcast %broadcast_in_dim3A_225 : i32 to vector<16xi32>
      %select_n3A_227 = arith.select %eq3A_224, %broadcast_in_dim3A_226, %select_n3A_223 : vector<16xi1>, vector<16xi32>
      %eq3A_228 = arith.cmpf oeq, %get3A_77, %max3A_167 : vector<16xf32>
      %broadcast_in_dim3A_229 = arith.constant 0 : i32
      %broadcast_in_dim3A_230 = vector.broadcast %broadcast_in_dim3A_229 : i32 to vector<16xi32>
      %select_n3A_231 = arith.select %eq3A_228, %broadcast_in_dim3A_230, %select_n3A_227 : vector<16xi1>, vector<16xi32>
      %broadcast_in_dim3A_232 = arith.constant 0 : i32
      %broadcast_in_dim3A_233 = vector.broadcast %broadcast_in_dim3A_232 : i32 to vector<16xi32>
      %eq3A_234 = arith.cmpi eq, %select_n3A_231, %broadcast_in_dim3A_233 : vector<16xi32>
      %select_n3A_235 = arith.select %eq3A_234, %broadcast_in_dim3A_153, %get3A_77 : vector<16xi1>, vector<16xf32>
      %broadcast_in_dim3A_236 = arith.constant 1 : i32
      %broadcast_in_dim3A_237 = vector.broadcast %broadcast_in_dim3A_236 : i32 to vector<16xi32>
      %eq3A_238 = arith.cmpi eq, %select_n3A_231, %broadcast_in_dim3A_237 : vector<16xi32>
      %select_n3A_239 = arith.select %eq3A_238, %broadcast_in_dim3A_153, %get3A_82 : vector<16xi1>, vector<16xf32>
      %broadcast_in_dim3A_240 = arith.constant 2 : i32
      %broadcast_in_dim3A_241 = vector.broadcast %broadcast_in_dim3A_240 : i32 to vector<16xi32>
      %eq3A_242 = arith.cmpi eq, %select_n3A_231, %broadcast_in_dim3A_241 : vector<16xi32>
      %select_n3A_243 = arith.select %eq3A_242, %broadcast_in_dim3A_153, %get3A_87 : vector<16xi1>, vector<16xf32>
      %broadcast_in_dim3A_244 = arith.constant 3 : i32
      %broadcast_in_dim3A_245 = vector.broadcast %broadcast_in_dim3A_244 : i32 to vector<16xi32>
      %eq3A_246 = arith.cmpi eq, %select_n3A_231, %broadcast_in_dim3A_245 : vector<16xi32>
      %select_n3A_247 = arith.select %eq3A_246, %broadcast_in_dim3A_153, %get3A_92 : vector<16xi1>, vector<16xf32>
      %broadcast_in_dim3A_248 = arith.constant 4 : i32
      %broadcast_in_dim3A_249 = vector.broadcast %broadcast_in_dim3A_248 : i32 to vector<16xi32>
      %eq3A_250 = arith.cmpi eq, %select_n3A_231, %broadcast_in_dim3A_249 : vector<16xi32>
      %select_n3A_251 = arith.select %eq3A_250, %broadcast_in_dim3A_153, %get3A_97 : vector<16xi1>, vector<16xf32>
      %broadcast_in_dim3A_252 = arith.constant 5 : i32
      %broadcast_in_dim3A_253 = vector.broadcast %broadcast_in_dim3A_252 : i32 to vector<16xi32>
      %eq3A_254 = arith.cmpi eq, %select_n3A_231, %broadcast_in_dim3A_253 : vector<16xi32>
      %select_n3A_255 = arith.select %eq3A_254, %broadcast_in_dim3A_153, %get3A_102 : vector<16xi1>, vector<16xf32>
      %broadcast_in_dim3A_256 = arith.constant 6 : i32
      %broadcast_in_dim3A_257 = vector.broadcast %broadcast_in_dim3A_256 : i32 to vector<16xi32>
      %eq3A_258 = arith.cmpi eq, %select_n3A_231, %broadcast_in_dim3A_257 : vector<16xi32>
      %select_n3A_259 = arith.select %eq3A_258, %broadcast_in_dim3A_153, %get3A_107 : vector<16xi1>, vector<16xf32>
      %broadcast_in_dim3A_260 = arith.constant 7 : i32
      %broadcast_in_dim3A_261 = vector.broadcast %broadcast_in_dim3A_260 : i32 to vector<16xi32>
      %eq3A_262 = arith.cmpi eq, %select_n3A_231, %broadcast_in_dim3A_261 : vector<16xi32>
      %select_n3A_263 = arith.select %eq3A_262, %broadcast_in_dim3A_153, %get3A_112 : vector<16xi1>, vector<16xf32>
      %broadcast_in_dim3A_264 = arith.constant 8 : i32
      %broadcast_in_dim3A_265 = vector.broadcast %broadcast_in_dim3A_264 : i32 to vector<16xi32>
      %eq3A_266 = arith.cmpi eq, %select_n3A_231, %broadcast_in_dim3A_265 : vector<16xi32>
      %select_n3A_267 = arith.select %eq3A_266, %broadcast_in_dim3A_153, %get3A_117 : vector<16xi1>, vector<16xf32>
      %broadcast_in_dim3A_268 = arith.constant 9 : i32
      %broadcast_in_dim3A_269 = vector.broadcast %broadcast_in_dim3A_268 : i32 to vector<16xi32>
      %eq3A_270 = arith.cmpi eq, %select_n3A_231, %broadcast_in_dim3A_269 : vector<16xi32>
      %select_n3A_271 = arith.select %eq3A_270, %broadcast_in_dim3A_153, %get3A_122 : vector<16xi1>, vector<16xf32>
      %broadcast_in_dim3A_272 = arith.constant 10 : i32
      %broadcast_in_dim3A_273 = vector.broadcast %broadcast_in_dim3A_272 : i32 to vector<16xi32>
      %eq3A_274 = arith.cmpi eq, %select_n3A_231, %broadcast_in_dim3A_273 : vector<16xi32>
      %select_n3A_275 = arith.select %eq3A_274, %broadcast_in_dim3A_153, %get3A_127 : vector<16xi1>, vector<16xf32>
      %broadcast_in_dim3A_276 = arith.constant 11 : i32
      %broadcast_in_dim3A_277 = vector.broadcast %broadcast_in_dim3A_276 : i32 to vector<16xi32>
      %eq3A_278 = arith.cmpi eq, %select_n3A_231, %broadcast_in_dim3A_277 : vector<16xi32>
      %select_n3A_279 = arith.select %eq3A_278, %broadcast_in_dim3A_153, %get3A_132 : vector<16xi1>, vector<16xf32>
      %broadcast_in_dim3A_280 = arith.constant 12 : i32
      %broadcast_in_dim3A_281 = vector.broadcast %broadcast_in_dim3A_280 : i32 to vector<16xi32>
      %eq3A_282 = arith.cmpi eq, %select_n3A_231, %broadcast_in_dim3A_281 : vector<16xi32>
      %select_n3A_283 = arith.select %eq3A_282, %broadcast_in_dim3A_153, %get3A_137 : vector<16xi1>, vector<16xf32>
      %broadcast_in_dim3A_284 = arith.constant 13 : i32
      %broadcast_in_dim3A_285 = vector.broadcast %broadcast_in_dim3A_284 : i32 to vector<16xi32>
      %eq3A_286 = arith.cmpi eq, %select_n3A_231, %broadcast_in_dim3A_285 : vector<16xi32>
      %select_n3A_287 = arith.select %eq3A_286, %broadcast_in_dim3A_153, %get3A_142 : vector<16xi1>, vector<16xf32>
      %broadcast_in_dim3A_288 = arith.constant 14 : i32
      %broadcast_in_dim3A_289 = vector.broadcast %broadcast_in_dim3A_288 : i32 to vector<16xi32>
      %eq3A_290 = arith.cmpi eq, %select_n3A_231, %broadcast_in_dim3A_289 : vector<16xi32>
      %select_n3A_291 = arith.select %eq3A_290, %broadcast_in_dim3A_153, %get3A_147 : vector<16xi1>, vector<16xf32>
      %broadcast_in_dim3A_292 = arith.constant 15 : i32
      %broadcast_in_dim3A_293 = vector.broadcast %broadcast_in_dim3A_292 : i32 to vector<16xi32>
      %eq3A_294 = arith.cmpi eq, %select_n3A_231, %broadcast_in_dim3A_293 : vector<16xi32>
      %select_n3A_295 = arith.select %eq3A_294, %broadcast_in_dim3A_153, %get3A_152 : vector<16xi1>, vector<16xf32>
      %max3A_296 = arith.maximumf %select_n3A_235, %select_n3A_239 : vector<16xf32>
      %max3A_297 = arith.maximumf %max3A_296, %select_n3A_243 : vector<16xf32>
      %max3A_298 = arith.maximumf %max3A_297, %select_n3A_247 : vector<16xf32>
      %max3A_299 = arith.maximumf %max3A_298, %select_n3A_251 : vector<16xf32>
      %max3A_300 = arith.maximumf %max3A_299, %select_n3A_255 : vector<16xf32>
      %max3A_301 = arith.maximumf %max3A_300, %select_n3A_259 : vector<16xf32>
      %max3A_302 = arith.maximumf %max3A_301, %select_n3A_263 : vector<16xf32>
      %max3A_303 = arith.maximumf %max3A_302, %select_n3A_267 : vector<16xf32>
      %max3A_304 = arith.maximumf %max3A_303, %select_n3A_271 : vector<16xf32>
      %max3A_305 = arith.maximumf %max3A_304, %select_n3A_275 : vector<16xf32>
      %max3A_306 = arith.maximumf %max3A_305, %select_n3A_279 : vector<16xf32>
      %max3A_307 = arith.maximumf %max3A_306, %select_n3A_283 : vector<16xf32>
      %max3A_308 = arith.maximumf %max3A_307, %select_n3A_287 : vector<16xf32>
      %max3A_309 = arith.maximumf %max3A_308, %select_n3A_291 : vector<16xf32>
      %max3A_310 = arith.maximumf %max3A_309, %select_n3A_295 : vector<16xf32>
      %broadcast_in_dim3A_311 = arith.constant 15 : i32
      %broadcast_in_dim3A_312 = vector.broadcast %broadcast_in_dim3A_311 : i32 to vector<16xi32>
      %eq3A_313 = arith.cmpf oeq, %select_n3A_295, %max3A_310 : vector<16xf32>
      %broadcast_in_dim3A_314 = arith.constant 15 : i32
      %broadcast_in_dim3A_315 = vector.broadcast %broadcast_in_dim3A_314 : i32 to vector<16xi32>
      %select_n3A_316 = arith.select %eq3A_313, %broadcast_in_dim3A_315, %broadcast_in_dim3A_312 : vector<16xi1>, vector<16xi32>
      %eq3A_317 = arith.cmpf oeq, %select_n3A_291, %max3A_310 : vector<16xf32>
      %broadcast_in_dim3A_318 = arith.constant 14 : i32
      %broadcast_in_dim3A_319 = vector.broadcast %broadcast_in_dim3A_318 : i32 to vector<16xi32>
      %select_n3A_320 = arith.select %eq3A_317, %broadcast_in_dim3A_319, %select_n3A_316 : vector<16xi1>, vector<16xi32>
      %eq3A_321 = arith.cmpf oeq, %select_n3A_287, %max3A_310 : vector<16xf32>
      %broadcast_in_dim3A_322 = arith.constant 13 : i32
      %broadcast_in_dim3A_323 = vector.broadcast %broadcast_in_dim3A_322 : i32 to vector<16xi32>
      %select_n3A_324 = arith.select %eq3A_321, %broadcast_in_dim3A_323, %select_n3A_320 : vector<16xi1>, vector<16xi32>
      %eq3A_325 = arith.cmpf oeq, %select_n3A_283, %max3A_310 : vector<16xf32>
      %broadcast_in_dim3A_326 = arith.constant 12 : i32
      %broadcast_in_dim3A_327 = vector.broadcast %broadcast_in_dim3A_326 : i32 to vector<16xi32>
      %select_n3A_328 = arith.select %eq3A_325, %broadcast_in_dim3A_327, %select_n3A_324 : vector<16xi1>, vector<16xi32>
      %eq3A_329 = arith.cmpf oeq, %select_n3A_279, %max3A_310 : vector<16xf32>
      %broadcast_in_dim3A_330 = arith.constant 11 : i32
      %broadcast_in_dim3A_331 = vector.broadcast %broadcast_in_dim3A_330 : i32 to vector<16xi32>
      %select_n3A_332 = arith.select %eq3A_329, %broadcast_in_dim3A_331, %select_n3A_328 : vector<16xi1>, vector<16xi32>
      %eq3A_333 = arith.cmpf oeq, %select_n3A_275, %max3A_310 : vector<16xf32>
      %broadcast_in_dim3A_334 = arith.constant 10 : i32
      %broadcast_in_dim3A_335 = vector.broadcast %broadcast_in_dim3A_334 : i32 to vector<16xi32>
      %select_n3A_336 = arith.select %eq3A_333, %broadcast_in_dim3A_335, %select_n3A_332 : vector<16xi1>, vector<16xi32>
      %eq3A_337 = arith.cmpf oeq, %select_n3A_271, %max3A_310 : vector<16xf32>
      %broadcast_in_dim3A_338 = arith.constant 9 : i32
      %broadcast_in_dim3A_339 = vector.broadcast %broadcast_in_dim3A_338 : i32 to vector<16xi32>
      %select_n3A_340 = arith.select %eq3A_337, %broadcast_in_dim3A_339, %select_n3A_336 : vector<16xi1>, vector<16xi32>
      %eq3A_341 = arith.cmpf oeq, %select_n3A_267, %max3A_310 : vector<16xf32>
      %broadcast_in_dim3A_342 = arith.constant 8 : i32
      %broadcast_in_dim3A_343 = vector.broadcast %broadcast_in_dim3A_342 : i32 to vector<16xi32>
      %select_n3A_344 = arith.select %eq3A_341, %broadcast_in_dim3A_343, %select_n3A_340 : vector<16xi1>, vector<16xi32>
      %eq3A_345 = arith.cmpf oeq, %select_n3A_263, %max3A_310 : vector<16xf32>
      %broadcast_in_dim3A_346 = arith.constant 7 : i32
      %broadcast_in_dim3A_347 = vector.broadcast %broadcast_in_dim3A_346 : i32 to vector<16xi32>
      %select_n3A_348 = arith.select %eq3A_345, %broadcast_in_dim3A_347, %select_n3A_344 : vector<16xi1>, vector<16xi32>
      %eq3A_349 = arith.cmpf oeq, %select_n3A_259, %max3A_310 : vector<16xf32>
      %broadcast_in_dim3A_350 = arith.constant 6 : i32
      %broadcast_in_dim3A_351 = vector.broadcast %broadcast_in_dim3A_350 : i32 to vector<16xi32>
      %select_n3A_352 = arith.select %eq3A_349, %broadcast_in_dim3A_351, %select_n3A_348 : vector<16xi1>, vector<16xi32>
      %eq3A_353 = arith.cmpf oeq, %select_n3A_255, %max3A_310 : vector<16xf32>
      %broadcast_in_dim3A_354 = arith.constant 5 : i32
      %broadcast_in_dim3A_355 = vector.broadcast %broadcast_in_dim3A_354 : i32 to vector<16xi32>
      %select_n3A_356 = arith.select %eq3A_353, %broadcast_in_dim3A_355, %select_n3A_352 : vector<16xi1>, vector<16xi32>
      %eq3A_357 = arith.cmpf oeq, %select_n3A_251, %max3A_310 : vector<16xf32>
      %broadcast_in_dim3A_358 = arith.constant 4 : i32
      %broadcast_in_dim3A_359 = vector.broadcast %broadcast_in_dim3A_358 : i32 to vector<16xi32>
      %select_n3A_360 = arith.select %eq3A_357, %broadcast_in_dim3A_359, %select_n3A_356 : vector<16xi1>, vector<16xi32>
      %eq3A_361 = arith.cmpf oeq, %select_n3A_247, %max3A_310 : vector<16xf32>
      %broadcast_in_dim3A_362 = arith.constant 3 : i32
      %broadcast_in_dim3A_363 = vector.broadcast %broadcast_in_dim3A_362 : i32 to vector<16xi32>
      %select_n3A_364 = arith.select %eq3A_361, %broadcast_in_dim3A_363, %select_n3A_360 : vector<16xi1>, vector<16xi32>
      %eq3A_365 = arith.cmpf oeq, %select_n3A_243, %max3A_310 : vector<16xf32>
      %broadcast_in_dim3A_366 = arith.constant 2 : i32
      %broadcast_in_dim3A_367 = vector.broadcast %broadcast_in_dim3A_366 : i32 to vector<16xi32>
      %select_n3A_368 = arith.select %eq3A_365, %broadcast_in_dim3A_367, %select_n3A_364 : vector<16xi1>, vector<16xi32>
      %eq3A_369 = arith.cmpf oeq, %select_n3A_239, %max3A_310 : vector<16xf32>
      %broadcast_in_dim3A_370 = arith.constant 1 : i32
      %broadcast_in_dim3A_371 = vector.broadcast %broadcast_in_dim3A_370 : i32 to vector<16xi32>
      %select_n3A_372 = arith.select %eq3A_369, %broadcast_in_dim3A_371, %select_n3A_368 : vector<16xi1>, vector<16xi32>
      %eq3A_373 = arith.cmpf oeq, %select_n3A_235, %max3A_310 : vector<16xf32>
      %broadcast_in_dim3A_374 = arith.constant 0 : i32
      %broadcast_in_dim3A_375 = vector.broadcast %broadcast_in_dim3A_374 : i32 to vector<16xi32>
      %select_n3A_376 = arith.select %eq3A_373, %broadcast_in_dim3A_375, %select_n3A_372 : vector<16xi1>, vector<16xi32>
      %broadcast_in_dim3A_377 = arith.constant 0 : i32
      %broadcast_in_dim3A_378 = vector.broadcast %broadcast_in_dim3A_377 : i32 to vector<16xi32>
      %eq3A_379 = arith.cmpi eq, %select_n3A_376, %broadcast_in_dim3A_378 : vector<16xi32>
      %select_n3A_380 = arith.select %eq3A_379, %broadcast_in_dim3A_153, %select_n3A_235 : vector<16xi1>, vector<16xf32>
      %broadcast_in_dim3A_381 = arith.constant 1 : i32
      %broadcast_in_dim3A_382 = vector.broadcast %broadcast_in_dim3A_381 : i32 to vector<16xi32>
      %eq3A_383 = arith.cmpi eq, %select_n3A_376, %broadcast_in_dim3A_382 : vector<16xi32>
      %select_n3A_384 = arith.select %eq3A_383, %broadcast_in_dim3A_153, %select_n3A_239 : vector<16xi1>, vector<16xf32>
      %broadcast_in_dim3A_385 = arith.constant 2 : i32
      %broadcast_in_dim3A_386 = vector.broadcast %broadcast_in_dim3A_385 : i32 to vector<16xi32>
      %eq3A_387 = arith.cmpi eq, %select_n3A_376, %broadcast_in_dim3A_386 : vector<16xi32>
      %select_n3A_388 = arith.select %eq3A_387, %broadcast_in_dim3A_153, %select_n3A_243 : vector<16xi1>, vector<16xf32>
      %broadcast_in_dim3A_389 = arith.constant 3 : i32
      %broadcast_in_dim3A_390 = vector.broadcast %broadcast_in_dim3A_389 : i32 to vector<16xi32>
      %eq3A_391 = arith.cmpi eq, %select_n3A_376, %broadcast_in_dim3A_390 : vector<16xi32>
      %select_n3A_392 = arith.select %eq3A_391, %broadcast_in_dim3A_153, %select_n3A_247 : vector<16xi1>, vector<16xf32>
      %broadcast_in_dim3A_393 = arith.constant 4 : i32
      %broadcast_in_dim3A_394 = vector.broadcast %broadcast_in_dim3A_393 : i32 to vector<16xi32>
      %eq3A_395 = arith.cmpi eq, %select_n3A_376, %broadcast_in_dim3A_394 : vector<16xi32>
      %select_n3A_396 = arith.select %eq3A_395, %broadcast_in_dim3A_153, %select_n3A_251 : vector<16xi1>, vector<16xf32>
      %broadcast_in_dim3A_397 = arith.constant 5 : i32
      %broadcast_in_dim3A_398 = vector.broadcast %broadcast_in_dim3A_397 : i32 to vector<16xi32>
      %eq3A_399 = arith.cmpi eq, %select_n3A_376, %broadcast_in_dim3A_398 : vector<16xi32>
      %select_n3A_400 = arith.select %eq3A_399, %broadcast_in_dim3A_153, %select_n3A_255 : vector<16xi1>, vector<16xf32>
      %broadcast_in_dim3A_401 = arith.constant 6 : i32
      %broadcast_in_dim3A_402 = vector.broadcast %broadcast_in_dim3A_401 : i32 to vector<16xi32>
      %eq3A_403 = arith.cmpi eq, %select_n3A_376, %broadcast_in_dim3A_402 : vector<16xi32>
      %select_n3A_404 = arith.select %eq3A_403, %broadcast_in_dim3A_153, %select_n3A_259 : vector<16xi1>, vector<16xf32>
      %broadcast_in_dim3A_405 = arith.constant 7 : i32
      %broadcast_in_dim3A_406 = vector.broadcast %broadcast_in_dim3A_405 : i32 to vector<16xi32>
      %eq3A_407 = arith.cmpi eq, %select_n3A_376, %broadcast_in_dim3A_406 : vector<16xi32>
      %select_n3A_408 = arith.select %eq3A_407, %broadcast_in_dim3A_153, %select_n3A_263 : vector<16xi1>, vector<16xf32>
      %broadcast_in_dim3A_409 = arith.constant 8 : i32
      %broadcast_in_dim3A_410 = vector.broadcast %broadcast_in_dim3A_409 : i32 to vector<16xi32>
      %eq3A_411 = arith.cmpi eq, %select_n3A_376, %broadcast_in_dim3A_410 : vector<16xi32>
      %select_n3A_412 = arith.select %eq3A_411, %broadcast_in_dim3A_153, %select_n3A_267 : vector<16xi1>, vector<16xf32>
      %broadcast_in_dim3A_413 = arith.constant 9 : i32
      %broadcast_in_dim3A_414 = vector.broadcast %broadcast_in_dim3A_413 : i32 to vector<16xi32>
      %eq3A_415 = arith.cmpi eq, %select_n3A_376, %broadcast_in_dim3A_414 : vector<16xi32>
      %select_n3A_416 = arith.select %eq3A_415, %broadcast_in_dim3A_153, %select_n3A_271 : vector<16xi1>, vector<16xf32>
      %broadcast_in_dim3A_417 = arith.constant 10 : i32
      %broadcast_in_dim3A_418 = vector.broadcast %broadcast_in_dim3A_417 : i32 to vector<16xi32>
      %eq3A_419 = arith.cmpi eq, %select_n3A_376, %broadcast_in_dim3A_418 : vector<16xi32>
      %select_n3A_420 = arith.select %eq3A_419, %broadcast_in_dim3A_153, %select_n3A_275 : vector<16xi1>, vector<16xf32>
      %broadcast_in_dim3A_421 = arith.constant 11 : i32
      %broadcast_in_dim3A_422 = vector.broadcast %broadcast_in_dim3A_421 : i32 to vector<16xi32>
      %eq3A_423 = arith.cmpi eq, %select_n3A_376, %broadcast_in_dim3A_422 : vector<16xi32>
      %select_n3A_424 = arith.select %eq3A_423, %broadcast_in_dim3A_153, %select_n3A_279 : vector<16xi1>, vector<16xf32>
      %broadcast_in_dim3A_425 = arith.constant 12 : i32
      %broadcast_in_dim3A_426 = vector.broadcast %broadcast_in_dim3A_425 : i32 to vector<16xi32>
      %eq3A_427 = arith.cmpi eq, %select_n3A_376, %broadcast_in_dim3A_426 : vector<16xi32>
      %select_n3A_428 = arith.select %eq3A_427, %broadcast_in_dim3A_153, %select_n3A_283 : vector<16xi1>, vector<16xf32>
      %broadcast_in_dim3A_429 = arith.constant 13 : i32
      %broadcast_in_dim3A_430 = vector.broadcast %broadcast_in_dim3A_429 : i32 to vector<16xi32>
      %eq3A_431 = arith.cmpi eq, %select_n3A_376, %broadcast_in_dim3A_430 : vector<16xi32>
      %select_n3A_432 = arith.select %eq3A_431, %broadcast_in_dim3A_153, %select_n3A_287 : vector<16xi1>, vector<16xf32>
      %broadcast_in_dim3A_433 = arith.constant 14 : i32
      %broadcast_in_dim3A_434 = vector.broadcast %broadcast_in_dim3A_433 : i32 to vector<16xi32>
      %eq3A_435 = arith.cmpi eq, %select_n3A_376, %broadcast_in_dim3A_434 : vector<16xi32>
      %select_n3A_436 = arith.select %eq3A_435, %broadcast_in_dim3A_153, %select_n3A_291 : vector<16xi1>, vector<16xf32>
      %broadcast_in_dim3A_437 = arith.constant 15 : i32
      %broadcast_in_dim3A_438 = vector.broadcast %broadcast_in_dim3A_437 : i32 to vector<16xi32>
      %eq3A_439 = arith.cmpi eq, %select_n3A_376, %broadcast_in_dim3A_438 : vector<16xi32>
      %select_n3A_440 = arith.select %eq3A_439, %broadcast_in_dim3A_153, %select_n3A_295 : vector<16xi1>, vector<16xf32>
      %max3A_441 = arith.maximumf %select_n3A_380, %select_n3A_384 : vector<16xf32>
      %max3A_442 = arith.maximumf %max3A_441, %select_n3A_388 : vector<16xf32>
      %max3A_443 = arith.maximumf %max3A_442, %select_n3A_392 : vector<16xf32>
      %max3A_444 = arith.maximumf %max3A_443, %select_n3A_396 : vector<16xf32>
      %max3A_445 = arith.maximumf %max3A_444, %select_n3A_400 : vector<16xf32>
      %max3A_446 = arith.maximumf %max3A_445, %select_n3A_404 : vector<16xf32>
      %max3A_447 = arith.maximumf %max3A_446, %select_n3A_408 : vector<16xf32>
      %max3A_448 = arith.maximumf %max3A_447, %select_n3A_412 : vector<16xf32>
      %max3A_449 = arith.maximumf %max3A_448, %select_n3A_416 : vector<16xf32>
      %max3A_450 = arith.maximumf %max3A_449, %select_n3A_420 : vector<16xf32>
      %max3A_451 = arith.maximumf %max3A_450, %select_n3A_424 : vector<16xf32>
      %max3A_452 = arith.maximumf %max3A_451, %select_n3A_428 : vector<16xf32>
      %max3A_453 = arith.maximumf %max3A_452, %select_n3A_432 : vector<16xf32>
      %max3A_454 = arith.maximumf %max3A_453, %select_n3A_436 : vector<16xf32>
      %max3A_455 = arith.maximumf %max3A_454, %select_n3A_440 : vector<16xf32>
      %broadcast_in_dim3A_456 = arith.constant 15 : i32
      %broadcast_in_dim3A_457 = vector.broadcast %broadcast_in_dim3A_456 : i32 to vector<16xi32>
      %eq3A_458 = arith.cmpf oeq, %select_n3A_440, %max3A_455 : vector<16xf32>
      %broadcast_in_dim3A_459 = arith.constant 15 : i32
      %broadcast_in_dim3A_460 = vector.broadcast %broadcast_in_dim3A_459 : i32 to vector<16xi32>
      %select_n3A_461 = arith.select %eq3A_458, %broadcast_in_dim3A_460, %broadcast_in_dim3A_457 : vector<16xi1>, vector<16xi32>
      %eq3A_462 = arith.cmpf oeq, %select_n3A_436, %max3A_455 : vector<16xf32>
      %broadcast_in_dim3A_463 = arith.constant 14 : i32
      %broadcast_in_dim3A_464 = vector.broadcast %broadcast_in_dim3A_463 : i32 to vector<16xi32>
      %select_n3A_465 = arith.select %eq3A_462, %broadcast_in_dim3A_464, %select_n3A_461 : vector<16xi1>, vector<16xi32>
      %eq3A_466 = arith.cmpf oeq, %select_n3A_432, %max3A_455 : vector<16xf32>
      %broadcast_in_dim3A_467 = arith.constant 13 : i32
      %broadcast_in_dim3A_468 = vector.broadcast %broadcast_in_dim3A_467 : i32 to vector<16xi32>
      %select_n3A_469 = arith.select %eq3A_466, %broadcast_in_dim3A_468, %select_n3A_465 : vector<16xi1>, vector<16xi32>
      %eq3A_470 = arith.cmpf oeq, %select_n3A_428, %max3A_455 : vector<16xf32>
      %broadcast_in_dim3A_471 = arith.constant 12 : i32
      %broadcast_in_dim3A_472 = vector.broadcast %broadcast_in_dim3A_471 : i32 to vector<16xi32>
      %select_n3A_473 = arith.select %eq3A_470, %broadcast_in_dim3A_472, %select_n3A_469 : vector<16xi1>, vector<16xi32>
      %eq3A_474 = arith.cmpf oeq, %select_n3A_424, %max3A_455 : vector<16xf32>
      %broadcast_in_dim3A_475 = arith.constant 11 : i32
      %broadcast_in_dim3A_476 = vector.broadcast %broadcast_in_dim3A_475 : i32 to vector<16xi32>
      %select_n3A_477 = arith.select %eq3A_474, %broadcast_in_dim3A_476, %select_n3A_473 : vector<16xi1>, vector<16xi32>
      %eq3A_478 = arith.cmpf oeq, %select_n3A_420, %max3A_455 : vector<16xf32>
      %broadcast_in_dim3A_479 = arith.constant 10 : i32
      %broadcast_in_dim3A_480 = vector.broadcast %broadcast_in_dim3A_479 : i32 to vector<16xi32>
      %select_n3A_481 = arith.select %eq3A_478, %broadcast_in_dim3A_480, %select_n3A_477 : vector<16xi1>, vector<16xi32>
      %eq3A_482 = arith.cmpf oeq, %select_n3A_416, %max3A_455 : vector<16xf32>
      %broadcast_in_dim3A_483 = arith.constant 9 : i32
      %broadcast_in_dim3A_484 = vector.broadcast %broadcast_in_dim3A_483 : i32 to vector<16xi32>
      %select_n3A_485 = arith.select %eq3A_482, %broadcast_in_dim3A_484, %select_n3A_481 : vector<16xi1>, vector<16xi32>
      %eq3A_486 = arith.cmpf oeq, %select_n3A_412, %max3A_455 : vector<16xf32>
      %broadcast_in_dim3A_487 = arith.constant 8 : i32
      %broadcast_in_dim3A_488 = vector.broadcast %broadcast_in_dim3A_487 : i32 to vector<16xi32>
      %select_n3A_489 = arith.select %eq3A_486, %broadcast_in_dim3A_488, %select_n3A_485 : vector<16xi1>, vector<16xi32>
      %eq3A_490 = arith.cmpf oeq, %select_n3A_408, %max3A_455 : vector<16xf32>
      %broadcast_in_dim3A_491 = arith.constant 7 : i32
      %broadcast_in_dim3A_492 = vector.broadcast %broadcast_in_dim3A_491 : i32 to vector<16xi32>
      %select_n3A_493 = arith.select %eq3A_490, %broadcast_in_dim3A_492, %select_n3A_489 : vector<16xi1>, vector<16xi32>
      %eq3A_494 = arith.cmpf oeq, %select_n3A_404, %max3A_455 : vector<16xf32>
      %broadcast_in_dim3A_495 = arith.constant 6 : i32
      %broadcast_in_dim3A_496 = vector.broadcast %broadcast_in_dim3A_495 : i32 to vector<16xi32>
      %select_n3A_497 = arith.select %eq3A_494, %broadcast_in_dim3A_496, %select_n3A_493 : vector<16xi1>, vector<16xi32>
      %eq3A_498 = arith.cmpf oeq, %select_n3A_400, %max3A_455 : vector<16xf32>
      %broadcast_in_dim3A_499 = arith.constant 5 : i32
      %broadcast_in_dim3A_500 = vector.broadcast %broadcast_in_dim3A_499 : i32 to vector<16xi32>
      %select_n3A_501 = arith.select %eq3A_498, %broadcast_in_dim3A_500, %select_n3A_497 : vector<16xi1>, vector<16xi32>
      %eq3A_502 = arith.cmpf oeq, %select_n3A_396, %max3A_455 : vector<16xf32>
      %broadcast_in_dim3A_503 = arith.constant 4 : i32
      %broadcast_in_dim3A_504 = vector.broadcast %broadcast_in_dim3A_503 : i32 to vector<16xi32>
      %select_n3A_505 = arith.select %eq3A_502, %broadcast_in_dim3A_504, %select_n3A_501 : vector<16xi1>, vector<16xi32>
      %eq3A_506 = arith.cmpf oeq, %select_n3A_392, %max3A_455 : vector<16xf32>
      %broadcast_in_dim3A_507 = arith.constant 3 : i32
      %broadcast_in_dim3A_508 = vector.broadcast %broadcast_in_dim3A_507 : i32 to vector<16xi32>
      %select_n3A_509 = arith.select %eq3A_506, %broadcast_in_dim3A_508, %select_n3A_505 : vector<16xi1>, vector<16xi32>
      %eq3A_510 = arith.cmpf oeq, %select_n3A_388, %max3A_455 : vector<16xf32>
      %broadcast_in_dim3A_511 = arith.constant 2 : i32
      %broadcast_in_dim3A_512 = vector.broadcast %broadcast_in_dim3A_511 : i32 to vector<16xi32>
      %select_n3A_513 = arith.select %eq3A_510, %broadcast_in_dim3A_512, %select_n3A_509 : vector<16xi1>, vector<16xi32>
      %eq3A_514 = arith.cmpf oeq, %select_n3A_384, %max3A_455 : vector<16xf32>
      %broadcast_in_dim3A_515 = arith.constant 1 : i32
      %broadcast_in_dim3A_516 = vector.broadcast %broadcast_in_dim3A_515 : i32 to vector<16xi32>
      %select_n3A_517 = arith.select %eq3A_514, %broadcast_in_dim3A_516, %select_n3A_513 : vector<16xi1>, vector<16xi32>
      %eq3A_518 = arith.cmpf oeq, %select_n3A_380, %max3A_455 : vector<16xf32>
      %broadcast_in_dim3A_519 = arith.constant 0 : i32
      %broadcast_in_dim3A_520 = vector.broadcast %broadcast_in_dim3A_519 : i32 to vector<16xi32>
      %select_n3A_521 = arith.select %eq3A_518, %broadcast_in_dim3A_520, %select_n3A_517 : vector<16xi1>, vector<16xi32>
      %broadcast_in_dim3A_522 = arith.constant 0 : i32
      %broadcast_in_dim3A_523 = vector.broadcast %broadcast_in_dim3A_522 : i32 to vector<16xi32>
      %eq3A_524 = arith.cmpi eq, %select_n3A_521, %broadcast_in_dim3A_523 : vector<16xi32>
      %select_n3A_525 = arith.select %eq3A_524, %broadcast_in_dim3A_153, %select_n3A_380 : vector<16xi1>, vector<16xf32>
      %broadcast_in_dim3A_526 = arith.constant 1 : i32
      %broadcast_in_dim3A_527 = vector.broadcast %broadcast_in_dim3A_526 : i32 to vector<16xi32>
      %eq3A_528 = arith.cmpi eq, %select_n3A_521, %broadcast_in_dim3A_527 : vector<16xi32>
      %select_n3A_529 = arith.select %eq3A_528, %broadcast_in_dim3A_153, %select_n3A_384 : vector<16xi1>, vector<16xf32>
      %broadcast_in_dim3A_530 = arith.constant 2 : i32
      %broadcast_in_dim3A_531 = vector.broadcast %broadcast_in_dim3A_530 : i32 to vector<16xi32>
      %eq3A_532 = arith.cmpi eq, %select_n3A_521, %broadcast_in_dim3A_531 : vector<16xi32>
      %select_n3A_533 = arith.select %eq3A_532, %broadcast_in_dim3A_153, %select_n3A_388 : vector<16xi1>, vector<16xf32>
      %broadcast_in_dim3A_534 = arith.constant 3 : i32
      %broadcast_in_dim3A_535 = vector.broadcast %broadcast_in_dim3A_534 : i32 to vector<16xi32>
      %eq3A_536 = arith.cmpi eq, %select_n3A_521, %broadcast_in_dim3A_535 : vector<16xi32>
      %select_n3A_537 = arith.select %eq3A_536, %broadcast_in_dim3A_153, %select_n3A_392 : vector<16xi1>, vector<16xf32>
      %broadcast_in_dim3A_538 = arith.constant 4 : i32
      %broadcast_in_dim3A_539 = vector.broadcast %broadcast_in_dim3A_538 : i32 to vector<16xi32>
      %eq3A_540 = arith.cmpi eq, %select_n3A_521, %broadcast_in_dim3A_539 : vector<16xi32>
      %select_n3A_541 = arith.select %eq3A_540, %broadcast_in_dim3A_153, %select_n3A_396 : vector<16xi1>, vector<16xf32>
      %broadcast_in_dim3A_542 = arith.constant 5 : i32
      %broadcast_in_dim3A_543 = vector.broadcast %broadcast_in_dim3A_542 : i32 to vector<16xi32>
      %eq3A_544 = arith.cmpi eq, %select_n3A_521, %broadcast_in_dim3A_543 : vector<16xi32>
      %select_n3A_545 = arith.select %eq3A_544, %broadcast_in_dim3A_153, %select_n3A_400 : vector<16xi1>, vector<16xf32>
      %broadcast_in_dim3A_546 = arith.constant 6 : i32
      %broadcast_in_dim3A_547 = vector.broadcast %broadcast_in_dim3A_546 : i32 to vector<16xi32>
      %eq3A_548 = arith.cmpi eq, %select_n3A_521, %broadcast_in_dim3A_547 : vector<16xi32>
      %select_n3A_549 = arith.select %eq3A_548, %broadcast_in_dim3A_153, %select_n3A_404 : vector<16xi1>, vector<16xf32>
      %broadcast_in_dim3A_550 = arith.constant 7 : i32
      %broadcast_in_dim3A_551 = vector.broadcast %broadcast_in_dim3A_550 : i32 to vector<16xi32>
      %eq3A_552 = arith.cmpi eq, %select_n3A_521, %broadcast_in_dim3A_551 : vector<16xi32>
      %select_n3A_553 = arith.select %eq3A_552, %broadcast_in_dim3A_153, %select_n3A_408 : vector<16xi1>, vector<16xf32>
      %broadcast_in_dim3A_554 = arith.constant 8 : i32
      %broadcast_in_dim3A_555 = vector.broadcast %broadcast_in_dim3A_554 : i32 to vector<16xi32>
      %eq3A_556 = arith.cmpi eq, %select_n3A_521, %broadcast_in_dim3A_555 : vector<16xi32>
      %select_n3A_557 = arith.select %eq3A_556, %broadcast_in_dim3A_153, %select_n3A_412 : vector<16xi1>, vector<16xf32>
      %broadcast_in_dim3A_558 = arith.constant 9 : i32
      %broadcast_in_dim3A_559 = vector.broadcast %broadcast_in_dim3A_558 : i32 to vector<16xi32>
      %eq3A_560 = arith.cmpi eq, %select_n3A_521, %broadcast_in_dim3A_559 : vector<16xi32>
      %select_n3A_561 = arith.select %eq3A_560, %broadcast_in_dim3A_153, %select_n3A_416 : vector<16xi1>, vector<16xf32>
      %broadcast_in_dim3A_562 = arith.constant 10 : i32
      %broadcast_in_dim3A_563 = vector.broadcast %broadcast_in_dim3A_562 : i32 to vector<16xi32>
      %eq3A_564 = arith.cmpi eq, %select_n3A_521, %broadcast_in_dim3A_563 : vector<16xi32>
      %select_n3A_565 = arith.select %eq3A_564, %broadcast_in_dim3A_153, %select_n3A_420 : vector<16xi1>, vector<16xf32>
      %broadcast_in_dim3A_566 = arith.constant 11 : i32
      %broadcast_in_dim3A_567 = vector.broadcast %broadcast_in_dim3A_566 : i32 to vector<16xi32>
      %eq3A_568 = arith.cmpi eq, %select_n3A_521, %broadcast_in_dim3A_567 : vector<16xi32>
      %select_n3A_569 = arith.select %eq3A_568, %broadcast_in_dim3A_153, %select_n3A_424 : vector<16xi1>, vector<16xf32>
      %broadcast_in_dim3A_570 = arith.constant 12 : i32
      %broadcast_in_dim3A_571 = vector.broadcast %broadcast_in_dim3A_570 : i32 to vector<16xi32>
      %eq3A_572 = arith.cmpi eq, %select_n3A_521, %broadcast_in_dim3A_571 : vector<16xi32>
      %select_n3A_573 = arith.select %eq3A_572, %broadcast_in_dim3A_153, %select_n3A_428 : vector<16xi1>, vector<16xf32>
      %broadcast_in_dim3A_574 = arith.constant 13 : i32
      %broadcast_in_dim3A_575 = vector.broadcast %broadcast_in_dim3A_574 : i32 to vector<16xi32>
      %eq3A_576 = arith.cmpi eq, %select_n3A_521, %broadcast_in_dim3A_575 : vector<16xi32>
      %select_n3A_577 = arith.select %eq3A_576, %broadcast_in_dim3A_153, %select_n3A_432 : vector<16xi1>, vector<16xf32>
      %broadcast_in_dim3A_578 = arith.constant 14 : i32
      %broadcast_in_dim3A_579 = vector.broadcast %broadcast_in_dim3A_578 : i32 to vector<16xi32>
      %eq3A_580 = arith.cmpi eq, %select_n3A_521, %broadcast_in_dim3A_579 : vector<16xi32>
      %select_n3A_581 = arith.select %eq3A_580, %broadcast_in_dim3A_153, %select_n3A_436 : vector<16xi1>, vector<16xf32>
      %broadcast_in_dim3A_582 = arith.constant 15 : i32
      %broadcast_in_dim3A_583 = vector.broadcast %broadcast_in_dim3A_582 : i32 to vector<16xi32>
      %eq3A_584 = arith.cmpi eq, %select_n3A_521, %broadcast_in_dim3A_583 : vector<16xi32>
      %select_n3A_585 = arith.select %eq3A_584, %broadcast_in_dim3A_153, %select_n3A_440 : vector<16xi1>, vector<16xf32>
      %max3A_586 = arith.maximumf %select_n3A_525, %select_n3A_529 : vector<16xf32>
      %max3A_587 = arith.maximumf %max3A_586, %select_n3A_533 : vector<16xf32>
      %max3A_588 = arith.maximumf %max3A_587, %select_n3A_537 : vector<16xf32>
      %max3A_589 = arith.maximumf %max3A_588, %select_n3A_541 : vector<16xf32>
      %max3A_590 = arith.maximumf %max3A_589, %select_n3A_545 : vector<16xf32>
      %max3A_591 = arith.maximumf %max3A_590, %select_n3A_549 : vector<16xf32>
      %max3A_592 = arith.maximumf %max3A_591, %select_n3A_553 : vector<16xf32>
      %max3A_593 = arith.maximumf %max3A_592, %select_n3A_557 : vector<16xf32>
      %max3A_594 = arith.maximumf %max3A_593, %select_n3A_561 : vector<16xf32>
      %max3A_595 = arith.maximumf %max3A_594, %select_n3A_565 : vector<16xf32>
      %max3A_596 = arith.maximumf %max3A_595, %select_n3A_569 : vector<16xf32>
      %max3A_597 = arith.maximumf %max3A_596, %select_n3A_573 : vector<16xf32>
      %max3A_598 = arith.maximumf %max3A_597, %select_n3A_577 : vector<16xf32>
      %max3A_599 = arith.maximumf %max3A_598, %select_n3A_581 : vector<16xf32>
      %max3A_600 = arith.maximumf %max3A_599, %select_n3A_585 : vector<16xf32>
      %broadcast_in_dim3A_601 = arith.constant 15 : i32
      %broadcast_in_dim3A_602 = vector.broadcast %broadcast_in_dim3A_601 : i32 to vector<16xi32>
      %eq3A_603 = arith.cmpf oeq, %select_n3A_585, %max3A_600 : vector<16xf32>
      %broadcast_in_dim3A_604 = arith.constant 15 : i32
      %broadcast_in_dim3A_605 = vector.broadcast %broadcast_in_dim3A_604 : i32 to vector<16xi32>
      %select_n3A_606 = arith.select %eq3A_603, %broadcast_in_dim3A_605, %broadcast_in_dim3A_602 : vector<16xi1>, vector<16xi32>
      %eq3A_607 = arith.cmpf oeq, %select_n3A_581, %max3A_600 : vector<16xf32>
      %broadcast_in_dim3A_608 = arith.constant 14 : i32
      %broadcast_in_dim3A_609 = vector.broadcast %broadcast_in_dim3A_608 : i32 to vector<16xi32>
      %select_n3A_610 = arith.select %eq3A_607, %broadcast_in_dim3A_609, %select_n3A_606 : vector<16xi1>, vector<16xi32>
      %eq3A_611 = arith.cmpf oeq, %select_n3A_577, %max3A_600 : vector<16xf32>
      %broadcast_in_dim3A_612 = arith.constant 13 : i32
      %broadcast_in_dim3A_613 = vector.broadcast %broadcast_in_dim3A_612 : i32 to vector<16xi32>
      %select_n3A_614 = arith.select %eq3A_611, %broadcast_in_dim3A_613, %select_n3A_610 : vector<16xi1>, vector<16xi32>
      %eq3A_615 = arith.cmpf oeq, %select_n3A_573, %max3A_600 : vector<16xf32>
      %broadcast_in_dim3A_616 = arith.constant 12 : i32
      %broadcast_in_dim3A_617 = vector.broadcast %broadcast_in_dim3A_616 : i32 to vector<16xi32>
      %select_n3A_618 = arith.select %eq3A_615, %broadcast_in_dim3A_617, %select_n3A_614 : vector<16xi1>, vector<16xi32>
      %eq3A_619 = arith.cmpf oeq, %select_n3A_569, %max3A_600 : vector<16xf32>
      %broadcast_in_dim3A_620 = arith.constant 11 : i32
      %broadcast_in_dim3A_621 = vector.broadcast %broadcast_in_dim3A_620 : i32 to vector<16xi32>
      %select_n3A_622 = arith.select %eq3A_619, %broadcast_in_dim3A_621, %select_n3A_618 : vector<16xi1>, vector<16xi32>
      %eq3A_623 = arith.cmpf oeq, %select_n3A_565, %max3A_600 : vector<16xf32>
      %broadcast_in_dim3A_624 = arith.constant 10 : i32
      %broadcast_in_dim3A_625 = vector.broadcast %broadcast_in_dim3A_624 : i32 to vector<16xi32>
      %select_n3A_626 = arith.select %eq3A_623, %broadcast_in_dim3A_625, %select_n3A_622 : vector<16xi1>, vector<16xi32>
      %eq3A_627 = arith.cmpf oeq, %select_n3A_561, %max3A_600 : vector<16xf32>
      %broadcast_in_dim3A_628 = arith.constant 9 : i32
      %broadcast_in_dim3A_629 = vector.broadcast %broadcast_in_dim3A_628 : i32 to vector<16xi32>
      %select_n3A_630 = arith.select %eq3A_627, %broadcast_in_dim3A_629, %select_n3A_626 : vector<16xi1>, vector<16xi32>
      %eq3A_631 = arith.cmpf oeq, %select_n3A_557, %max3A_600 : vector<16xf32>
      %broadcast_in_dim3A_632 = arith.constant 8 : i32
      %broadcast_in_dim3A_633 = vector.broadcast %broadcast_in_dim3A_632 : i32 to vector<16xi32>
      %select_n3A_634 = arith.select %eq3A_631, %broadcast_in_dim3A_633, %select_n3A_630 : vector<16xi1>, vector<16xi32>
      %eq3A_635 = arith.cmpf oeq, %select_n3A_553, %max3A_600 : vector<16xf32>
      %broadcast_in_dim3A_636 = arith.constant 7 : i32
      %broadcast_in_dim3A_637 = vector.broadcast %broadcast_in_dim3A_636 : i32 to vector<16xi32>
      %select_n3A_638 = arith.select %eq3A_635, %broadcast_in_dim3A_637, %select_n3A_634 : vector<16xi1>, vector<16xi32>
      %eq3A_639 = arith.cmpf oeq, %select_n3A_549, %max3A_600 : vector<16xf32>
      %broadcast_in_dim3A_640 = arith.constant 6 : i32
      %broadcast_in_dim3A_641 = vector.broadcast %broadcast_in_dim3A_640 : i32 to vector<16xi32>
      %select_n3A_642 = arith.select %eq3A_639, %broadcast_in_dim3A_641, %select_n3A_638 : vector<16xi1>, vector<16xi32>
      %eq3A_643 = arith.cmpf oeq, %select_n3A_545, %max3A_600 : vector<16xf32>
      %broadcast_in_dim3A_644 = arith.constant 5 : i32
      %broadcast_in_dim3A_645 = vector.broadcast %broadcast_in_dim3A_644 : i32 to vector<16xi32>
      %select_n3A_646 = arith.select %eq3A_643, %broadcast_in_dim3A_645, %select_n3A_642 : vector<16xi1>, vector<16xi32>
      %eq3A_647 = arith.cmpf oeq, %select_n3A_541, %max3A_600 : vector<16xf32>
      %broadcast_in_dim3A_648 = arith.constant 4 : i32
      %broadcast_in_dim3A_649 = vector.broadcast %broadcast_in_dim3A_648 : i32 to vector<16xi32>
      %select_n3A_650 = arith.select %eq3A_647, %broadcast_in_dim3A_649, %select_n3A_646 : vector<16xi1>, vector<16xi32>
      %eq3A_651 = arith.cmpf oeq, %select_n3A_537, %max3A_600 : vector<16xf32>
      %broadcast_in_dim3A_652 = arith.constant 3 : i32
      %broadcast_in_dim3A_653 = vector.broadcast %broadcast_in_dim3A_652 : i32 to vector<16xi32>
      %select_n3A_654 = arith.select %eq3A_651, %broadcast_in_dim3A_653, %select_n3A_650 : vector<16xi1>, vector<16xi32>
      %eq3A_655 = arith.cmpf oeq, %select_n3A_533, %max3A_600 : vector<16xf32>
      %broadcast_in_dim3A_656 = arith.constant 2 : i32
      %broadcast_in_dim3A_657 = vector.broadcast %broadcast_in_dim3A_656 : i32 to vector<16xi32>
      %select_n3A_658 = arith.select %eq3A_655, %broadcast_in_dim3A_657, %select_n3A_654 : vector<16xi1>, vector<16xi32>
      %eq3A_659 = arith.cmpf oeq, %select_n3A_529, %max3A_600 : vector<16xf32>
      %broadcast_in_dim3A_660 = arith.constant 1 : i32
      %broadcast_in_dim3A_661 = vector.broadcast %broadcast_in_dim3A_660 : i32 to vector<16xi32>
      %select_n3A_662 = arith.select %eq3A_659, %broadcast_in_dim3A_661, %select_n3A_658 : vector<16xi1>, vector<16xi32>
      %eq3A_663 = arith.cmpf oeq, %select_n3A_525, %max3A_600 : vector<16xf32>
      %broadcast_in_dim3A_664 = arith.constant 0 : i32
      %broadcast_in_dim3A_665 = vector.broadcast %broadcast_in_dim3A_664 : i32 to vector<16xi32>
      %select_n3A_666 = arith.select %eq3A_663, %broadcast_in_dim3A_665, %select_n3A_662 : vector<16xi1>, vector<16xi32>
      %broadcast_in_dim3A_667 = arith.constant 0 : i32
      %broadcast_in_dim3A_668 = vector.broadcast %broadcast_in_dim3A_667 : i32 to vector<16xi32>
      %eq3A_669 = arith.cmpi eq, %select_n3A_666, %broadcast_in_dim3A_668 : vector<16xi32>
      %select_n3A_670 = arith.select %eq3A_669, %broadcast_in_dim3A_153, %select_n3A_525 : vector<16xi1>, vector<16xf32>
      %broadcast_in_dim3A_671 = arith.constant 1 : i32
      %broadcast_in_dim3A_672 = vector.broadcast %broadcast_in_dim3A_671 : i32 to vector<16xi32>
      %eq3A_673 = arith.cmpi eq, %select_n3A_666, %broadcast_in_dim3A_672 : vector<16xi32>
      %select_n3A_674 = arith.select %eq3A_673, %broadcast_in_dim3A_153, %select_n3A_529 : vector<16xi1>, vector<16xf32>
      %broadcast_in_dim3A_675 = arith.constant 2 : i32
      %broadcast_in_dim3A_676 = vector.broadcast %broadcast_in_dim3A_675 : i32 to vector<16xi32>
      %eq3A_677 = arith.cmpi eq, %select_n3A_666, %broadcast_in_dim3A_676 : vector<16xi32>
      %select_n3A_678 = arith.select %eq3A_677, %broadcast_in_dim3A_153, %select_n3A_533 : vector<16xi1>, vector<16xf32>
      %broadcast_in_dim3A_679 = arith.constant 3 : i32
      %broadcast_in_dim3A_680 = vector.broadcast %broadcast_in_dim3A_679 : i32 to vector<16xi32>
      %eq3A_681 = arith.cmpi eq, %select_n3A_666, %broadcast_in_dim3A_680 : vector<16xi32>
      %select_n3A_682 = arith.select %eq3A_681, %broadcast_in_dim3A_153, %select_n3A_537 : vector<16xi1>, vector<16xf32>
      %broadcast_in_dim3A_683 = arith.constant 4 : i32
      %broadcast_in_dim3A_684 = vector.broadcast %broadcast_in_dim3A_683 : i32 to vector<16xi32>
      %eq3A_685 = arith.cmpi eq, %select_n3A_666, %broadcast_in_dim3A_684 : vector<16xi32>
      %select_n3A_686 = arith.select %eq3A_685, %broadcast_in_dim3A_153, %select_n3A_541 : vector<16xi1>, vector<16xf32>
      %broadcast_in_dim3A_687 = arith.constant 5 : i32
      %broadcast_in_dim3A_688 = vector.broadcast %broadcast_in_dim3A_687 : i32 to vector<16xi32>
      %eq3A_689 = arith.cmpi eq, %select_n3A_666, %broadcast_in_dim3A_688 : vector<16xi32>
      %select_n3A_690 = arith.select %eq3A_689, %broadcast_in_dim3A_153, %select_n3A_545 : vector<16xi1>, vector<16xf32>
      %broadcast_in_dim3A_691 = arith.constant 6 : i32
      %broadcast_in_dim3A_692 = vector.broadcast %broadcast_in_dim3A_691 : i32 to vector<16xi32>
      %eq3A_693 = arith.cmpi eq, %select_n3A_666, %broadcast_in_dim3A_692 : vector<16xi32>
      %select_n3A_694 = arith.select %eq3A_693, %broadcast_in_dim3A_153, %select_n3A_549 : vector<16xi1>, vector<16xf32>
      %broadcast_in_dim3A_695 = arith.constant 7 : i32
      %broadcast_in_dim3A_696 = vector.broadcast %broadcast_in_dim3A_695 : i32 to vector<16xi32>
      %eq3A_697 = arith.cmpi eq, %select_n3A_666, %broadcast_in_dim3A_696 : vector<16xi32>
      %select_n3A_698 = arith.select %eq3A_697, %broadcast_in_dim3A_153, %select_n3A_553 : vector<16xi1>, vector<16xf32>
      %broadcast_in_dim3A_699 = arith.constant 8 : i32
      %broadcast_in_dim3A_700 = vector.broadcast %broadcast_in_dim3A_699 : i32 to vector<16xi32>
      %eq3A_701 = arith.cmpi eq, %select_n3A_666, %broadcast_in_dim3A_700 : vector<16xi32>
      %select_n3A_702 = arith.select %eq3A_701, %broadcast_in_dim3A_153, %select_n3A_557 : vector<16xi1>, vector<16xf32>
      %broadcast_in_dim3A_703 = arith.constant 9 : i32
      %broadcast_in_dim3A_704 = vector.broadcast %broadcast_in_dim3A_703 : i32 to vector<16xi32>
      %eq3A_705 = arith.cmpi eq, %select_n3A_666, %broadcast_in_dim3A_704 : vector<16xi32>
      %select_n3A_706 = arith.select %eq3A_705, %broadcast_in_dim3A_153, %select_n3A_561 : vector<16xi1>, vector<16xf32>
      %broadcast_in_dim3A_707 = arith.constant 10 : i32
      %broadcast_in_dim3A_708 = vector.broadcast %broadcast_in_dim3A_707 : i32 to vector<16xi32>
      %eq3A_709 = arith.cmpi eq, %select_n3A_666, %broadcast_in_dim3A_708 : vector<16xi32>
      %select_n3A_710 = arith.select %eq3A_709, %broadcast_in_dim3A_153, %select_n3A_565 : vector<16xi1>, vector<16xf32>
      %broadcast_in_dim3A_711 = arith.constant 11 : i32
      %broadcast_in_dim3A_712 = vector.broadcast %broadcast_in_dim3A_711 : i32 to vector<16xi32>
      %eq3A_713 = arith.cmpi eq, %select_n3A_666, %broadcast_in_dim3A_712 : vector<16xi32>
      %select_n3A_714 = arith.select %eq3A_713, %broadcast_in_dim3A_153, %select_n3A_569 : vector<16xi1>, vector<16xf32>
      %broadcast_in_dim3A_715 = arith.constant 12 : i32
      %broadcast_in_dim3A_716 = vector.broadcast %broadcast_in_dim3A_715 : i32 to vector<16xi32>
      %eq3A_717 = arith.cmpi eq, %select_n3A_666, %broadcast_in_dim3A_716 : vector<16xi32>
      %select_n3A_718 = arith.select %eq3A_717, %broadcast_in_dim3A_153, %select_n3A_573 : vector<16xi1>, vector<16xf32>
      %broadcast_in_dim3A_719 = arith.constant 13 : i32
      %broadcast_in_dim3A_720 = vector.broadcast %broadcast_in_dim3A_719 : i32 to vector<16xi32>
      %eq3A_721 = arith.cmpi eq, %select_n3A_666, %broadcast_in_dim3A_720 : vector<16xi32>
      %select_n3A_722 = arith.select %eq3A_721, %broadcast_in_dim3A_153, %select_n3A_577 : vector<16xi1>, vector<16xf32>
      %broadcast_in_dim3A_723 = arith.constant 14 : i32
      %broadcast_in_dim3A_724 = vector.broadcast %broadcast_in_dim3A_723 : i32 to vector<16xi32>
      %eq3A_725 = arith.cmpi eq, %select_n3A_666, %broadcast_in_dim3A_724 : vector<16xi32>
      %select_n3A_726 = arith.select %eq3A_725, %broadcast_in_dim3A_153, %select_n3A_581 : vector<16xi1>, vector<16xf32>
      %broadcast_in_dim3A_727 = arith.constant 15 : i32
      %broadcast_in_dim3A_728 = vector.broadcast %broadcast_in_dim3A_727 : i32 to vector<16xi32>
      %eq3A_729 = arith.cmpi eq, %select_n3A_666, %broadcast_in_dim3A_728 : vector<16xi32>
      %select_n3A_730 = arith.select %eq3A_729, %broadcast_in_dim3A_153, %select_n3A_585 : vector<16xi1>, vector<16xf32>
      %max3A_731 = arith.maximumf %select_n3A_670, %select_n3A_674 : vector<16xf32>
      %max3A_732 = arith.maximumf %max3A_731, %select_n3A_678 : vector<16xf32>
      %max3A_733 = arith.maximumf %max3A_732, %select_n3A_682 : vector<16xf32>
      %max3A_734 = arith.maximumf %max3A_733, %select_n3A_686 : vector<16xf32>
      %max3A_735 = arith.maximumf %max3A_734, %select_n3A_690 : vector<16xf32>
      %max3A_736 = arith.maximumf %max3A_735, %select_n3A_694 : vector<16xf32>
      %max3A_737 = arith.maximumf %max3A_736, %select_n3A_698 : vector<16xf32>
      %max3A_738 = arith.maximumf %max3A_737, %select_n3A_702 : vector<16xf32>
      %max3A_739 = arith.maximumf %max3A_738, %select_n3A_706 : vector<16xf32>
      %max3A_740 = arith.maximumf %max3A_739, %select_n3A_710 : vector<16xf32>
      %max3A_741 = arith.maximumf %max3A_740, %select_n3A_714 : vector<16xf32>
      %max3A_742 = arith.maximumf %max3A_741, %select_n3A_718 : vector<16xf32>
      %max3A_743 = arith.maximumf %max3A_742, %select_n3A_722 : vector<16xf32>
      %max3A_744 = arith.maximumf %max3A_743, %select_n3A_726 : vector<16xf32>
      %max3A_745 = arith.maximumf %max3A_744, %select_n3A_730 : vector<16xf32>
      %broadcast_in_dim3A_746 = arith.constant 15 : i32
      %broadcast_in_dim3A_747 = vector.broadcast %broadcast_in_dim3A_746 : i32 to vector<16xi32>
      %eq3A_748 = arith.cmpf oeq, %select_n3A_730, %max3A_745 : vector<16xf32>
      %broadcast_in_dim3A_749 = arith.constant 15 : i32
      %broadcast_in_dim3A_750 = vector.broadcast %broadcast_in_dim3A_749 : i32 to vector<16xi32>
      %select_n3A_751 = arith.select %eq3A_748, %broadcast_in_dim3A_750, %broadcast_in_dim3A_747 : vector<16xi1>, vector<16xi32>
      %eq3A_752 = arith.cmpf oeq, %select_n3A_726, %max3A_745 : vector<16xf32>
      %broadcast_in_dim3A_753 = arith.constant 14 : i32
      %broadcast_in_dim3A_754 = vector.broadcast %broadcast_in_dim3A_753 : i32 to vector<16xi32>
      %select_n3A_755 = arith.select %eq3A_752, %broadcast_in_dim3A_754, %select_n3A_751 : vector<16xi1>, vector<16xi32>
      %eq3A_756 = arith.cmpf oeq, %select_n3A_722, %max3A_745 : vector<16xf32>
      %broadcast_in_dim3A_757 = arith.constant 13 : i32
      %broadcast_in_dim3A_758 = vector.broadcast %broadcast_in_dim3A_757 : i32 to vector<16xi32>
      %select_n3A_759 = arith.select %eq3A_756, %broadcast_in_dim3A_758, %select_n3A_755 : vector<16xi1>, vector<16xi32>
      %eq3A_760 = arith.cmpf oeq, %select_n3A_718, %max3A_745 : vector<16xf32>
      %broadcast_in_dim3A_761 = arith.constant 12 : i32
      %broadcast_in_dim3A_762 = vector.broadcast %broadcast_in_dim3A_761 : i32 to vector<16xi32>
      %select_n3A_763 = arith.select %eq3A_760, %broadcast_in_dim3A_762, %select_n3A_759 : vector<16xi1>, vector<16xi32>
      %eq3A_764 = arith.cmpf oeq, %select_n3A_714, %max3A_745 : vector<16xf32>
      %broadcast_in_dim3A_765 = arith.constant 11 : i32
      %broadcast_in_dim3A_766 = vector.broadcast %broadcast_in_dim3A_765 : i32 to vector<16xi32>
      %select_n3A_767 = arith.select %eq3A_764, %broadcast_in_dim3A_766, %select_n3A_763 : vector<16xi1>, vector<16xi32>
      %eq3A_768 = arith.cmpf oeq, %select_n3A_710, %max3A_745 : vector<16xf32>
      %broadcast_in_dim3A_769 = arith.constant 10 : i32
      %broadcast_in_dim3A_770 = vector.broadcast %broadcast_in_dim3A_769 : i32 to vector<16xi32>
      %select_n3A_771 = arith.select %eq3A_768, %broadcast_in_dim3A_770, %select_n3A_767 : vector<16xi1>, vector<16xi32>
      %eq3A_772 = arith.cmpf oeq, %select_n3A_706, %max3A_745 : vector<16xf32>
      %broadcast_in_dim3A_773 = arith.constant 9 : i32
      %broadcast_in_dim3A_774 = vector.broadcast %broadcast_in_dim3A_773 : i32 to vector<16xi32>
      %select_n3A_775 = arith.select %eq3A_772, %broadcast_in_dim3A_774, %select_n3A_771 : vector<16xi1>, vector<16xi32>
      %eq3A_776 = arith.cmpf oeq, %select_n3A_702, %max3A_745 : vector<16xf32>
      %broadcast_in_dim3A_777 = arith.constant 8 : i32
      %broadcast_in_dim3A_778 = vector.broadcast %broadcast_in_dim3A_777 : i32 to vector<16xi32>
      %select_n3A_779 = arith.select %eq3A_776, %broadcast_in_dim3A_778, %select_n3A_775 : vector<16xi1>, vector<16xi32>
      %eq3A_780 = arith.cmpf oeq, %select_n3A_698, %max3A_745 : vector<16xf32>
      %broadcast_in_dim3A_781 = arith.constant 7 : i32
      %broadcast_in_dim3A_782 = vector.broadcast %broadcast_in_dim3A_781 : i32 to vector<16xi32>
      %select_n3A_783 = arith.select %eq3A_780, %broadcast_in_dim3A_782, %select_n3A_779 : vector<16xi1>, vector<16xi32>
      %eq3A_784 = arith.cmpf oeq, %select_n3A_694, %max3A_745 : vector<16xf32>
      %broadcast_in_dim3A_785 = arith.constant 6 : i32
      %broadcast_in_dim3A_786 = vector.broadcast %broadcast_in_dim3A_785 : i32 to vector<16xi32>
      %select_n3A_787 = arith.select %eq3A_784, %broadcast_in_dim3A_786, %select_n3A_783 : vector<16xi1>, vector<16xi32>
      %eq3A_788 = arith.cmpf oeq, %select_n3A_690, %max3A_745 : vector<16xf32>
      %broadcast_in_dim3A_789 = arith.constant 5 : i32
      %broadcast_in_dim3A_790 = vector.broadcast %broadcast_in_dim3A_789 : i32 to vector<16xi32>
      %select_n3A_791 = arith.select %eq3A_788, %broadcast_in_dim3A_790, %select_n3A_787 : vector<16xi1>, vector<16xi32>
      %eq3A_792 = arith.cmpf oeq, %select_n3A_686, %max3A_745 : vector<16xf32>
      %broadcast_in_dim3A_793 = arith.constant 4 : i32
      %broadcast_in_dim3A_794 = vector.broadcast %broadcast_in_dim3A_793 : i32 to vector<16xi32>
      %select_n3A_795 = arith.select %eq3A_792, %broadcast_in_dim3A_794, %select_n3A_791 : vector<16xi1>, vector<16xi32>
      %eq3A_796 = arith.cmpf oeq, %select_n3A_682, %max3A_745 : vector<16xf32>
      %broadcast_in_dim3A_797 = arith.constant 3 : i32
      %broadcast_in_dim3A_798 = vector.broadcast %broadcast_in_dim3A_797 : i32 to vector<16xi32>
      %select_n3A_799 = arith.select %eq3A_796, %broadcast_in_dim3A_798, %select_n3A_795 : vector<16xi1>, vector<16xi32>
      %eq3A_800 = arith.cmpf oeq, %select_n3A_678, %max3A_745 : vector<16xf32>
      %broadcast_in_dim3A_801 = arith.constant 2 : i32
      %broadcast_in_dim3A_802 = vector.broadcast %broadcast_in_dim3A_801 : i32 to vector<16xi32>
      %select_n3A_803 = arith.select %eq3A_800, %broadcast_in_dim3A_802, %select_n3A_799 : vector<16xi1>, vector<16xi32>
      %eq3A_804 = arith.cmpf oeq, %select_n3A_674, %max3A_745 : vector<16xf32>
      %broadcast_in_dim3A_805 = arith.constant 1 : i32
      %broadcast_in_dim3A_806 = vector.broadcast %broadcast_in_dim3A_805 : i32 to vector<16xi32>
      %select_n3A_807 = arith.select %eq3A_804, %broadcast_in_dim3A_806, %select_n3A_803 : vector<16xi1>, vector<16xi32>
      %eq3A_808 = arith.cmpf oeq, %select_n3A_670, %max3A_745 : vector<16xf32>
      %broadcast_in_dim3A_809 = arith.constant 0 : i32
      %broadcast_in_dim3A_810 = vector.broadcast %broadcast_in_dim3A_809 : i32 to vector<16xi32>
      %select_n3A_811 = arith.select %eq3A_808, %broadcast_in_dim3A_810, %select_n3A_807 : vector<16xi1>, vector<16xi32>
      %broadcast_in_dim3A_812 = arith.constant 0 : i32
      %broadcast_in_dim3A_813 = vector.broadcast %broadcast_in_dim3A_812 : i32 to vector<16xi32>
      %eq3A_814 = arith.cmpi eq, %select_n3A_811, %broadcast_in_dim3A_813 : vector<16xi32>
      %select_n3A_815 = arith.select %eq3A_814, %broadcast_in_dim3A_153, %select_n3A_670 : vector<16xi1>, vector<16xf32>
      %broadcast_in_dim3A_816 = arith.constant 1 : i32
      %broadcast_in_dim3A_817 = vector.broadcast %broadcast_in_dim3A_816 : i32 to vector<16xi32>
      %eq3A_818 = arith.cmpi eq, %select_n3A_811, %broadcast_in_dim3A_817 : vector<16xi32>
      %select_n3A_819 = arith.select %eq3A_818, %broadcast_in_dim3A_153, %select_n3A_674 : vector<16xi1>, vector<16xf32>
      %broadcast_in_dim3A_820 = arith.constant 2 : i32
      %broadcast_in_dim3A_821 = vector.broadcast %broadcast_in_dim3A_820 : i32 to vector<16xi32>
      %eq3A_822 = arith.cmpi eq, %select_n3A_811, %broadcast_in_dim3A_821 : vector<16xi32>
      %select_n3A_823 = arith.select %eq3A_822, %broadcast_in_dim3A_153, %select_n3A_678 : vector<16xi1>, vector<16xf32>
      %broadcast_in_dim3A_824 = arith.constant 3 : i32
      %broadcast_in_dim3A_825 = vector.broadcast %broadcast_in_dim3A_824 : i32 to vector<16xi32>
      %eq3A_826 = arith.cmpi eq, %select_n3A_811, %broadcast_in_dim3A_825 : vector<16xi32>
      %select_n3A_827 = arith.select %eq3A_826, %broadcast_in_dim3A_153, %select_n3A_682 : vector<16xi1>, vector<16xf32>
      %broadcast_in_dim3A_828 = arith.constant 4 : i32
      %broadcast_in_dim3A_829 = vector.broadcast %broadcast_in_dim3A_828 : i32 to vector<16xi32>
      %eq3A_830 = arith.cmpi eq, %select_n3A_811, %broadcast_in_dim3A_829 : vector<16xi32>
      %select_n3A_831 = arith.select %eq3A_830, %broadcast_in_dim3A_153, %select_n3A_686 : vector<16xi1>, vector<16xf32>
      %broadcast_in_dim3A_832 = arith.constant 5 : i32
      %broadcast_in_dim3A_833 = vector.broadcast %broadcast_in_dim3A_832 : i32 to vector<16xi32>
      %eq3A_834 = arith.cmpi eq, %select_n3A_811, %broadcast_in_dim3A_833 : vector<16xi32>
      %select_n3A_835 = arith.select %eq3A_834, %broadcast_in_dim3A_153, %select_n3A_690 : vector<16xi1>, vector<16xf32>
      %broadcast_in_dim3A_836 = arith.constant 6 : i32
      %broadcast_in_dim3A_837 = vector.broadcast %broadcast_in_dim3A_836 : i32 to vector<16xi32>
      %eq3A_838 = arith.cmpi eq, %select_n3A_811, %broadcast_in_dim3A_837 : vector<16xi32>
      %select_n3A_839 = arith.select %eq3A_838, %broadcast_in_dim3A_153, %select_n3A_694 : vector<16xi1>, vector<16xf32>
      %broadcast_in_dim3A_840 = arith.constant 7 : i32
      %broadcast_in_dim3A_841 = vector.broadcast %broadcast_in_dim3A_840 : i32 to vector<16xi32>
      %eq3A_842 = arith.cmpi eq, %select_n3A_811, %broadcast_in_dim3A_841 : vector<16xi32>
      %select_n3A_843 = arith.select %eq3A_842, %broadcast_in_dim3A_153, %select_n3A_698 : vector<16xi1>, vector<16xf32>
      %broadcast_in_dim3A_844 = arith.constant 8 : i32
      %broadcast_in_dim3A_845 = vector.broadcast %broadcast_in_dim3A_844 : i32 to vector<16xi32>
      %eq3A_846 = arith.cmpi eq, %select_n3A_811, %broadcast_in_dim3A_845 : vector<16xi32>
      %select_n3A_847 = arith.select %eq3A_846, %broadcast_in_dim3A_153, %select_n3A_702 : vector<16xi1>, vector<16xf32>
      %broadcast_in_dim3A_848 = arith.constant 9 : i32
      %broadcast_in_dim3A_849 = vector.broadcast %broadcast_in_dim3A_848 : i32 to vector<16xi32>
      %eq3A_850 = arith.cmpi eq, %select_n3A_811, %broadcast_in_dim3A_849 : vector<16xi32>
      %select_n3A_851 = arith.select %eq3A_850, %broadcast_in_dim3A_153, %select_n3A_706 : vector<16xi1>, vector<16xf32>
      %broadcast_in_dim3A_852 = arith.constant 10 : i32
      %broadcast_in_dim3A_853 = vector.broadcast %broadcast_in_dim3A_852 : i32 to vector<16xi32>
      %eq3A_854 = arith.cmpi eq, %select_n3A_811, %broadcast_in_dim3A_853 : vector<16xi32>
      %select_n3A_855 = arith.select %eq3A_854, %broadcast_in_dim3A_153, %select_n3A_710 : vector<16xi1>, vector<16xf32>
      %broadcast_in_dim3A_856 = arith.constant 11 : i32
      %broadcast_in_dim3A_857 = vector.broadcast %broadcast_in_dim3A_856 : i32 to vector<16xi32>
      %eq3A_858 = arith.cmpi eq, %select_n3A_811, %broadcast_in_dim3A_857 : vector<16xi32>
      %select_n3A_859 = arith.select %eq3A_858, %broadcast_in_dim3A_153, %select_n3A_714 : vector<16xi1>, vector<16xf32>
      %broadcast_in_dim3A_860 = arith.constant 12 : i32
      %broadcast_in_dim3A_861 = vector.broadcast %broadcast_in_dim3A_860 : i32 to vector<16xi32>
      %eq3A_862 = arith.cmpi eq, %select_n3A_811, %broadcast_in_dim3A_861 : vector<16xi32>
      %select_n3A_863 = arith.select %eq3A_862, %broadcast_in_dim3A_153, %select_n3A_718 : vector<16xi1>, vector<16xf32>
      %broadcast_in_dim3A_864 = arith.constant 13 : i32
      %broadcast_in_dim3A_865 = vector.broadcast %broadcast_in_dim3A_864 : i32 to vector<16xi32>
      %eq3A_866 = arith.cmpi eq, %select_n3A_811, %broadcast_in_dim3A_865 : vector<16xi32>
      %select_n3A_867 = arith.select %eq3A_866, %broadcast_in_dim3A_153, %select_n3A_722 : vector<16xi1>, vector<16xf32>
      %broadcast_in_dim3A_868 = arith.constant 14 : i32
      %broadcast_in_dim3A_869 = vector.broadcast %broadcast_in_dim3A_868 : i32 to vector<16xi32>
      %eq3A_870 = arith.cmpi eq, %select_n3A_811, %broadcast_in_dim3A_869 : vector<16xi32>
      %select_n3A_871 = arith.select %eq3A_870, %broadcast_in_dim3A_153, %select_n3A_726 : vector<16xi1>, vector<16xf32>
      %broadcast_in_dim3A_872 = arith.constant 15 : i32
      %broadcast_in_dim3A_873 = vector.broadcast %broadcast_in_dim3A_872 : i32 to vector<16xi32>
      %eq3A_874 = arith.cmpi eq, %select_n3A_811, %broadcast_in_dim3A_873 : vector<16xi32>
      %select_n3A_875 = arith.select %eq3A_874, %broadcast_in_dim3A_153, %select_n3A_730 : vector<16xi1>, vector<16xf32>
      %max3A_876 = arith.maximumf %select_n3A_815, %select_n3A_819 : vector<16xf32>
      %max3A_877 = arith.maximumf %max3A_876, %select_n3A_823 : vector<16xf32>
      %max3A_878 = arith.maximumf %max3A_877, %select_n3A_827 : vector<16xf32>
      %max3A_879 = arith.maximumf %max3A_878, %select_n3A_831 : vector<16xf32>
      %max3A_880 = arith.maximumf %max3A_879, %select_n3A_835 : vector<16xf32>
      %max3A_881 = arith.maximumf %max3A_880, %select_n3A_839 : vector<16xf32>
      %max3A_882 = arith.maximumf %max3A_881, %select_n3A_843 : vector<16xf32>
      %max3A_883 = arith.maximumf %max3A_882, %select_n3A_847 : vector<16xf32>
      %max3A_884 = arith.maximumf %max3A_883, %select_n3A_851 : vector<16xf32>
      %max3A_885 = arith.maximumf %max3A_884, %select_n3A_855 : vector<16xf32>
      %max3A_886 = arith.maximumf %max3A_885, %select_n3A_859 : vector<16xf32>
      %max3A_887 = arith.maximumf %max3A_886, %select_n3A_863 : vector<16xf32>
      %max3A_888 = arith.maximumf %max3A_887, %select_n3A_867 : vector<16xf32>
      %max3A_889 = arith.maximumf %max3A_888, %select_n3A_871 : vector<16xf32>
      %max3A_890 = arith.maximumf %max3A_889, %select_n3A_875 : vector<16xf32>
      %broadcast_in_dim3A_891 = arith.constant 15 : i32
      %broadcast_in_dim3A_892 = vector.broadcast %broadcast_in_dim3A_891 : i32 to vector<16xi32>
      %eq3A_893 = arith.cmpf oeq, %select_n3A_875, %max3A_890 : vector<16xf32>
      %broadcast_in_dim3A_894 = arith.constant 15 : i32
      %broadcast_in_dim3A_895 = vector.broadcast %broadcast_in_dim3A_894 : i32 to vector<16xi32>
      %select_n3A_896 = arith.select %eq3A_893, %broadcast_in_dim3A_895, %broadcast_in_dim3A_892 : vector<16xi1>, vector<16xi32>
      %eq3A_897 = arith.cmpf oeq, %select_n3A_871, %max3A_890 : vector<16xf32>
      %broadcast_in_dim3A_898 = arith.constant 14 : i32
      %broadcast_in_dim3A_899 = vector.broadcast %broadcast_in_dim3A_898 : i32 to vector<16xi32>
      %select_n3A_900 = arith.select %eq3A_897, %broadcast_in_dim3A_899, %select_n3A_896 : vector<16xi1>, vector<16xi32>
      %eq3A_901 = arith.cmpf oeq, %select_n3A_867, %max3A_890 : vector<16xf32>
      %broadcast_in_dim3A_902 = arith.constant 13 : i32
      %broadcast_in_dim3A_903 = vector.broadcast %broadcast_in_dim3A_902 : i32 to vector<16xi32>
      %select_n3A_904 = arith.select %eq3A_901, %broadcast_in_dim3A_903, %select_n3A_900 : vector<16xi1>, vector<16xi32>
      %eq3A_905 = arith.cmpf oeq, %select_n3A_863, %max3A_890 : vector<16xf32>
      %broadcast_in_dim3A_906 = arith.constant 12 : i32
      %broadcast_in_dim3A_907 = vector.broadcast %broadcast_in_dim3A_906 : i32 to vector<16xi32>
      %select_n3A_908 = arith.select %eq3A_905, %broadcast_in_dim3A_907, %select_n3A_904 : vector<16xi1>, vector<16xi32>
      %eq3A_909 = arith.cmpf oeq, %select_n3A_859, %max3A_890 : vector<16xf32>
      %broadcast_in_dim3A_910 = arith.constant 11 : i32
      %broadcast_in_dim3A_911 = vector.broadcast %broadcast_in_dim3A_910 : i32 to vector<16xi32>
      %select_n3A_912 = arith.select %eq3A_909, %broadcast_in_dim3A_911, %select_n3A_908 : vector<16xi1>, vector<16xi32>
      %eq3A_913 = arith.cmpf oeq, %select_n3A_855, %max3A_890 : vector<16xf32>
      %broadcast_in_dim3A_914 = arith.constant 10 : i32
      %broadcast_in_dim3A_915 = vector.broadcast %broadcast_in_dim3A_914 : i32 to vector<16xi32>
      %select_n3A_916 = arith.select %eq3A_913, %broadcast_in_dim3A_915, %select_n3A_912 : vector<16xi1>, vector<16xi32>
      %eq3A_917 = arith.cmpf oeq, %select_n3A_851, %max3A_890 : vector<16xf32>
      %broadcast_in_dim3A_918 = arith.constant 9 : i32
      %broadcast_in_dim3A_919 = vector.broadcast %broadcast_in_dim3A_918 : i32 to vector<16xi32>
      %select_n3A_920 = arith.select %eq3A_917, %broadcast_in_dim3A_919, %select_n3A_916 : vector<16xi1>, vector<16xi32>
      %eq3A_921 = arith.cmpf oeq, %select_n3A_847, %max3A_890 : vector<16xf32>
      %broadcast_in_dim3A_922 = arith.constant 8 : i32
      %broadcast_in_dim3A_923 = vector.broadcast %broadcast_in_dim3A_922 : i32 to vector<16xi32>
      %select_n3A_924 = arith.select %eq3A_921, %broadcast_in_dim3A_923, %select_n3A_920 : vector<16xi1>, vector<16xi32>
      %eq3A_925 = arith.cmpf oeq, %select_n3A_843, %max3A_890 : vector<16xf32>
      %broadcast_in_dim3A_926 = arith.constant 7 : i32
      %broadcast_in_dim3A_927 = vector.broadcast %broadcast_in_dim3A_926 : i32 to vector<16xi32>
      %select_n3A_928 = arith.select %eq3A_925, %broadcast_in_dim3A_927, %select_n3A_924 : vector<16xi1>, vector<16xi32>
      %eq3A_929 = arith.cmpf oeq, %select_n3A_839, %max3A_890 : vector<16xf32>
      %broadcast_in_dim3A_930 = arith.constant 6 : i32
      %broadcast_in_dim3A_931 = vector.broadcast %broadcast_in_dim3A_930 : i32 to vector<16xi32>
      %select_n3A_932 = arith.select %eq3A_929, %broadcast_in_dim3A_931, %select_n3A_928 : vector<16xi1>, vector<16xi32>
      %eq3A_933 = arith.cmpf oeq, %select_n3A_835, %max3A_890 : vector<16xf32>
      %broadcast_in_dim3A_934 = arith.constant 5 : i32
      %broadcast_in_dim3A_935 = vector.broadcast %broadcast_in_dim3A_934 : i32 to vector<16xi32>
      %select_n3A_936 = arith.select %eq3A_933, %broadcast_in_dim3A_935, %select_n3A_932 : vector<16xi1>, vector<16xi32>
      %eq3A_937 = arith.cmpf oeq, %select_n3A_831, %max3A_890 : vector<16xf32>
      %broadcast_in_dim3A_938 = arith.constant 4 : i32
      %broadcast_in_dim3A_939 = vector.broadcast %broadcast_in_dim3A_938 : i32 to vector<16xi32>
      %select_n3A_940 = arith.select %eq3A_937, %broadcast_in_dim3A_939, %select_n3A_936 : vector<16xi1>, vector<16xi32>
      %eq3A_941 = arith.cmpf oeq, %select_n3A_827, %max3A_890 : vector<16xf32>
      %broadcast_in_dim3A_942 = arith.constant 3 : i32
      %broadcast_in_dim3A_943 = vector.broadcast %broadcast_in_dim3A_942 : i32 to vector<16xi32>
      %select_n3A_944 = arith.select %eq3A_941, %broadcast_in_dim3A_943, %select_n3A_940 : vector<16xi1>, vector<16xi32>
      %eq3A_945 = arith.cmpf oeq, %select_n3A_823, %max3A_890 : vector<16xf32>
      %broadcast_in_dim3A_946 = arith.constant 2 : i32
      %broadcast_in_dim3A_947 = vector.broadcast %broadcast_in_dim3A_946 : i32 to vector<16xi32>
      %select_n3A_948 = arith.select %eq3A_945, %broadcast_in_dim3A_947, %select_n3A_944 : vector<16xi1>, vector<16xi32>
      %eq3A_949 = arith.cmpf oeq, %select_n3A_819, %max3A_890 : vector<16xf32>
      %broadcast_in_dim3A_950 = arith.constant 1 : i32
      %broadcast_in_dim3A_951 = vector.broadcast %broadcast_in_dim3A_950 : i32 to vector<16xi32>
      %select_n3A_952 = arith.select %eq3A_949, %broadcast_in_dim3A_951, %select_n3A_948 : vector<16xi1>, vector<16xi32>
      %eq3A_953 = arith.cmpf oeq, %select_n3A_815, %max3A_890 : vector<16xf32>
      %broadcast_in_dim3A_954 = arith.constant 0 : i32
      %broadcast_in_dim3A_955 = vector.broadcast %broadcast_in_dim3A_954 : i32 to vector<16xi32>
      %select_n3A_956 = arith.select %eq3A_953, %broadcast_in_dim3A_955, %select_n3A_952 : vector<16xi1>, vector<16xi32>
      %broadcast_in_dim3A_957 = arith.constant 0 : i32
      %broadcast_in_dim3A_958 = vector.broadcast %broadcast_in_dim3A_957 : i32 to vector<16xi32>
      %eq3A_959 = arith.cmpi eq, %select_n3A_956, %broadcast_in_dim3A_958 : vector<16xi32>
      %select_n3A_960 = arith.select %eq3A_959, %broadcast_in_dim3A_153, %select_n3A_815 : vector<16xi1>, vector<16xf32>
      %broadcast_in_dim3A_961 = arith.constant 1 : i32
      %broadcast_in_dim3A_962 = vector.broadcast %broadcast_in_dim3A_961 : i32 to vector<16xi32>
      %eq3A_963 = arith.cmpi eq, %select_n3A_956, %broadcast_in_dim3A_962 : vector<16xi32>
      %select_n3A_964 = arith.select %eq3A_963, %broadcast_in_dim3A_153, %select_n3A_819 : vector<16xi1>, vector<16xf32>
      %broadcast_in_dim3A_965 = arith.constant 2 : i32
      %broadcast_in_dim3A_966 = vector.broadcast %broadcast_in_dim3A_965 : i32 to vector<16xi32>
      %eq3A_967 = arith.cmpi eq, %select_n3A_956, %broadcast_in_dim3A_966 : vector<16xi32>
      %select_n3A_968 = arith.select %eq3A_967, %broadcast_in_dim3A_153, %select_n3A_823 : vector<16xi1>, vector<16xf32>
      %broadcast_in_dim3A_969 = arith.constant 3 : i32
      %broadcast_in_dim3A_970 = vector.broadcast %broadcast_in_dim3A_969 : i32 to vector<16xi32>
      %eq3A_971 = arith.cmpi eq, %select_n3A_956, %broadcast_in_dim3A_970 : vector<16xi32>
      %select_n3A_972 = arith.select %eq3A_971, %broadcast_in_dim3A_153, %select_n3A_827 : vector<16xi1>, vector<16xf32>
      %broadcast_in_dim3A_973 = arith.constant 4 : i32
      %broadcast_in_dim3A_974 = vector.broadcast %broadcast_in_dim3A_973 : i32 to vector<16xi32>
      %eq3A_975 = arith.cmpi eq, %select_n3A_956, %broadcast_in_dim3A_974 : vector<16xi32>
      %select_n3A_976 = arith.select %eq3A_975, %broadcast_in_dim3A_153, %select_n3A_831 : vector<16xi1>, vector<16xf32>
      %broadcast_in_dim3A_977 = arith.constant 5 : i32
      %broadcast_in_dim3A_978 = vector.broadcast %broadcast_in_dim3A_977 : i32 to vector<16xi32>
      %eq3A_979 = arith.cmpi eq, %select_n3A_956, %broadcast_in_dim3A_978 : vector<16xi32>
      %select_n3A_980 = arith.select %eq3A_979, %broadcast_in_dim3A_153, %select_n3A_835 : vector<16xi1>, vector<16xf32>
      %broadcast_in_dim3A_981 = arith.constant 6 : i32
      %broadcast_in_dim3A_982 = vector.broadcast %broadcast_in_dim3A_981 : i32 to vector<16xi32>
      %eq3A_983 = arith.cmpi eq, %select_n3A_956, %broadcast_in_dim3A_982 : vector<16xi32>
      %select_n3A_984 = arith.select %eq3A_983, %broadcast_in_dim3A_153, %select_n3A_839 : vector<16xi1>, vector<16xf32>
      %broadcast_in_dim3A_985 = arith.constant 7 : i32
      %broadcast_in_dim3A_986 = vector.broadcast %broadcast_in_dim3A_985 : i32 to vector<16xi32>
      %eq3A_987 = arith.cmpi eq, %select_n3A_956, %broadcast_in_dim3A_986 : vector<16xi32>
      %select_n3A_988 = arith.select %eq3A_987, %broadcast_in_dim3A_153, %select_n3A_843 : vector<16xi1>, vector<16xf32>
      %broadcast_in_dim3A_989 = arith.constant 8 : i32
      %broadcast_in_dim3A_990 = vector.broadcast %broadcast_in_dim3A_989 : i32 to vector<16xi32>
      %eq3A_991 = arith.cmpi eq, %select_n3A_956, %broadcast_in_dim3A_990 : vector<16xi32>
      %select_n3A_992 = arith.select %eq3A_991, %broadcast_in_dim3A_153, %select_n3A_847 : vector<16xi1>, vector<16xf32>
      %broadcast_in_dim3A_993 = arith.constant 9 : i32
      %broadcast_in_dim3A_994 = vector.broadcast %broadcast_in_dim3A_993 : i32 to vector<16xi32>
      %eq3A_995 = arith.cmpi eq, %select_n3A_956, %broadcast_in_dim3A_994 : vector<16xi32>
      %select_n3A_996 = arith.select %eq3A_995, %broadcast_in_dim3A_153, %select_n3A_851 : vector<16xi1>, vector<16xf32>
      %broadcast_in_dim3A_997 = arith.constant 10 : i32
      %broadcast_in_dim3A_998 = vector.broadcast %broadcast_in_dim3A_997 : i32 to vector<16xi32>
      %eq3A_999 = arith.cmpi eq, %select_n3A_956, %broadcast_in_dim3A_998 : vector<16xi32>
      %select_n3A_1000 = arith.select %eq3A_999, %broadcast_in_dim3A_153, %select_n3A_855 : vector<16xi1>, vector<16xf32>
      %broadcast_in_dim3A_1001 = arith.constant 11 : i32
      %broadcast_in_dim3A_1002 = vector.broadcast %broadcast_in_dim3A_1001 : i32 to vector<16xi32>
      %eq3A_1003 = arith.cmpi eq, %select_n3A_956, %broadcast_in_dim3A_1002 : vector<16xi32>
      %select_n3A_1004 = arith.select %eq3A_1003, %broadcast_in_dim3A_153, %select_n3A_859 : vector<16xi1>, vector<16xf32>
      %broadcast_in_dim3A_1005 = arith.constant 12 : i32
      %broadcast_in_dim3A_1006 = vector.broadcast %broadcast_in_dim3A_1005 : i32 to vector<16xi32>
      %eq3A_1007 = arith.cmpi eq, %select_n3A_956, %broadcast_in_dim3A_1006 : vector<16xi32>
      %select_n3A_1008 = arith.select %eq3A_1007, %broadcast_in_dim3A_153, %select_n3A_863 : vector<16xi1>, vector<16xf32>
      %broadcast_in_dim3A_1009 = arith.constant 13 : i32
      %broadcast_in_dim3A_1010 = vector.broadcast %broadcast_in_dim3A_1009 : i32 to vector<16xi32>
      %eq3A_1011 = arith.cmpi eq, %select_n3A_956, %broadcast_in_dim3A_1010 : vector<16xi32>
      %select_n3A_1012 = arith.select %eq3A_1011, %broadcast_in_dim3A_153, %select_n3A_867 : vector<16xi1>, vector<16xf32>
      %broadcast_in_dim3A_1013 = arith.constant 14 : i32
      %broadcast_in_dim3A_1014 = vector.broadcast %broadcast_in_dim3A_1013 : i32 to vector<16xi32>
      %eq3A_1015 = arith.cmpi eq, %select_n3A_956, %broadcast_in_dim3A_1014 : vector<16xi32>
      %select_n3A_1016 = arith.select %eq3A_1015, %broadcast_in_dim3A_153, %select_n3A_871 : vector<16xi1>, vector<16xf32>
      %broadcast_in_dim3A_1017 = arith.constant 15 : i32
      %broadcast_in_dim3A_1018 = vector.broadcast %broadcast_in_dim3A_1017 : i32 to vector<16xi32>
      %eq3A_1019 = arith.cmpi eq, %select_n3A_956, %broadcast_in_dim3A_1018 : vector<16xi32>
      %select_n3A_1020 = arith.select %eq3A_1019, %broadcast_in_dim3A_153, %select_n3A_875 : vector<16xi1>, vector<16xf32>
      %max3A_1021 = arith.maximumf %select_n3A_960, %select_n3A_964 : vector<16xf32>
      %max3A_1022 = arith.maximumf %max3A_1021, %select_n3A_968 : vector<16xf32>
      %max3A_1023 = arith.maximumf %max3A_1022, %select_n3A_972 : vector<16xf32>
      %max3A_1024 = arith.maximumf %max3A_1023, %select_n3A_976 : vector<16xf32>
      %max3A_1025 = arith.maximumf %max3A_1024, %select_n3A_980 : vector<16xf32>
      %max3A_1026 = arith.maximumf %max3A_1025, %select_n3A_984 : vector<16xf32>
      %max3A_1027 = arith.maximumf %max3A_1026, %select_n3A_988 : vector<16xf32>
      %max3A_1028 = arith.maximumf %max3A_1027, %select_n3A_992 : vector<16xf32>
      %max3A_1029 = arith.maximumf %max3A_1028, %select_n3A_996 : vector<16xf32>
      %max3A_1030 = arith.maximumf %max3A_1029, %select_n3A_1000 : vector<16xf32>
      %max3A_1031 = arith.maximumf %max3A_1030, %select_n3A_1004 : vector<16xf32>
      %max3A_1032 = arith.maximumf %max3A_1031, %select_n3A_1008 : vector<16xf32>
      %max3A_1033 = arith.maximumf %max3A_1032, %select_n3A_1012 : vector<16xf32>
      %max3A_1034 = arith.maximumf %max3A_1033, %select_n3A_1016 : vector<16xf32>
      %max3A_1035 = arith.maximumf %max3A_1034, %select_n3A_1020 : vector<16xf32>
      %broadcast_in_dim3A_1036 = arith.constant 15 : i32
      %broadcast_in_dim3A_1037 = vector.broadcast %broadcast_in_dim3A_1036 : i32 to vector<16xi32>
      %eq3A_1038 = arith.cmpf oeq, %select_n3A_1020, %max3A_1035 : vector<16xf32>
      %broadcast_in_dim3A_1039 = arith.constant 15 : i32
      %broadcast_in_dim3A_1040 = vector.broadcast %broadcast_in_dim3A_1039 : i32 to vector<16xi32>
      %select_n3A_1041 = arith.select %eq3A_1038, %broadcast_in_dim3A_1040, %broadcast_in_dim3A_1037 : vector<16xi1>, vector<16xi32>
      %eq3A_1042 = arith.cmpf oeq, %select_n3A_1016, %max3A_1035 : vector<16xf32>
      %broadcast_in_dim3A_1043 = arith.constant 14 : i32
      %broadcast_in_dim3A_1044 = vector.broadcast %broadcast_in_dim3A_1043 : i32 to vector<16xi32>
      %select_n3A_1045 = arith.select %eq3A_1042, %broadcast_in_dim3A_1044, %select_n3A_1041 : vector<16xi1>, vector<16xi32>
      %eq3A_1046 = arith.cmpf oeq, %select_n3A_1012, %max3A_1035 : vector<16xf32>
      %broadcast_in_dim3A_1047 = arith.constant 13 : i32
      %broadcast_in_dim3A_1048 = vector.broadcast %broadcast_in_dim3A_1047 : i32 to vector<16xi32>
      %select_n3A_1049 = arith.select %eq3A_1046, %broadcast_in_dim3A_1048, %select_n3A_1045 : vector<16xi1>, vector<16xi32>
      %eq3A_1050 = arith.cmpf oeq, %select_n3A_1008, %max3A_1035 : vector<16xf32>
      %broadcast_in_dim3A_1051 = arith.constant 12 : i32
      %broadcast_in_dim3A_1052 = vector.broadcast %broadcast_in_dim3A_1051 : i32 to vector<16xi32>
      %select_n3A_1053 = arith.select %eq3A_1050, %broadcast_in_dim3A_1052, %select_n3A_1049 : vector<16xi1>, vector<16xi32>
      %eq3A_1054 = arith.cmpf oeq, %select_n3A_1004, %max3A_1035 : vector<16xf32>
      %broadcast_in_dim3A_1055 = arith.constant 11 : i32
      %broadcast_in_dim3A_1056 = vector.broadcast %broadcast_in_dim3A_1055 : i32 to vector<16xi32>
      %select_n3A_1057 = arith.select %eq3A_1054, %broadcast_in_dim3A_1056, %select_n3A_1053 : vector<16xi1>, vector<16xi32>
      %eq3A_1058 = arith.cmpf oeq, %select_n3A_1000, %max3A_1035 : vector<16xf32>
      %broadcast_in_dim3A_1059 = arith.constant 10 : i32
      %broadcast_in_dim3A_1060 = vector.broadcast %broadcast_in_dim3A_1059 : i32 to vector<16xi32>
      %select_n3A_1061 = arith.select %eq3A_1058, %broadcast_in_dim3A_1060, %select_n3A_1057 : vector<16xi1>, vector<16xi32>
      %eq3A_1062 = arith.cmpf oeq, %select_n3A_996, %max3A_1035 : vector<16xf32>
      %broadcast_in_dim3A_1063 = arith.constant 9 : i32
      %broadcast_in_dim3A_1064 = vector.broadcast %broadcast_in_dim3A_1063 : i32 to vector<16xi32>
      %select_n3A_1065 = arith.select %eq3A_1062, %broadcast_in_dim3A_1064, %select_n3A_1061 : vector<16xi1>, vector<16xi32>
      %eq3A_1066 = arith.cmpf oeq, %select_n3A_992, %max3A_1035 : vector<16xf32>
      %broadcast_in_dim3A_1067 = arith.constant 8 : i32
      %broadcast_in_dim3A_1068 = vector.broadcast %broadcast_in_dim3A_1067 : i32 to vector<16xi32>
      %select_n3A_1069 = arith.select %eq3A_1066, %broadcast_in_dim3A_1068, %select_n3A_1065 : vector<16xi1>, vector<16xi32>
      %eq3A_1070 = arith.cmpf oeq, %select_n3A_988, %max3A_1035 : vector<16xf32>
      %broadcast_in_dim3A_1071 = arith.constant 7 : i32
      %broadcast_in_dim3A_1072 = vector.broadcast %broadcast_in_dim3A_1071 : i32 to vector<16xi32>
      %select_n3A_1073 = arith.select %eq3A_1070, %broadcast_in_dim3A_1072, %select_n3A_1069 : vector<16xi1>, vector<16xi32>
      %eq3A_1074 = arith.cmpf oeq, %select_n3A_984, %max3A_1035 : vector<16xf32>
      %broadcast_in_dim3A_1075 = arith.constant 6 : i32
      %broadcast_in_dim3A_1076 = vector.broadcast %broadcast_in_dim3A_1075 : i32 to vector<16xi32>
      %select_n3A_1077 = arith.select %eq3A_1074, %broadcast_in_dim3A_1076, %select_n3A_1073 : vector<16xi1>, vector<16xi32>
      %eq3A_1078 = arith.cmpf oeq, %select_n3A_980, %max3A_1035 : vector<16xf32>
      %broadcast_in_dim3A_1079 = arith.constant 5 : i32
      %broadcast_in_dim3A_1080 = vector.broadcast %broadcast_in_dim3A_1079 : i32 to vector<16xi32>
      %select_n3A_1081 = arith.select %eq3A_1078, %broadcast_in_dim3A_1080, %select_n3A_1077 : vector<16xi1>, vector<16xi32>
      %eq3A_1082 = arith.cmpf oeq, %select_n3A_976, %max3A_1035 : vector<16xf32>
      %broadcast_in_dim3A_1083 = arith.constant 4 : i32
      %broadcast_in_dim3A_1084 = vector.broadcast %broadcast_in_dim3A_1083 : i32 to vector<16xi32>
      %select_n3A_1085 = arith.select %eq3A_1082, %broadcast_in_dim3A_1084, %select_n3A_1081 : vector<16xi1>, vector<16xi32>
      %eq3A_1086 = arith.cmpf oeq, %select_n3A_972, %max3A_1035 : vector<16xf32>
      %broadcast_in_dim3A_1087 = arith.constant 3 : i32
      %broadcast_in_dim3A_1088 = vector.broadcast %broadcast_in_dim3A_1087 : i32 to vector<16xi32>
      %select_n3A_1089 = arith.select %eq3A_1086, %broadcast_in_dim3A_1088, %select_n3A_1085 : vector<16xi1>, vector<16xi32>
      %eq3A_1090 = arith.cmpf oeq, %select_n3A_968, %max3A_1035 : vector<16xf32>
      %broadcast_in_dim3A_1091 = arith.constant 2 : i32
      %broadcast_in_dim3A_1092 = vector.broadcast %broadcast_in_dim3A_1091 : i32 to vector<16xi32>
      %select_n3A_1093 = arith.select %eq3A_1090, %broadcast_in_dim3A_1092, %select_n3A_1089 : vector<16xi1>, vector<16xi32>
      %eq3A_1094 = arith.cmpf oeq, %select_n3A_964, %max3A_1035 : vector<16xf32>
      %broadcast_in_dim3A_1095 = arith.constant 1 : i32
      %broadcast_in_dim3A_1096 = vector.broadcast %broadcast_in_dim3A_1095 : i32 to vector<16xi32>
      %select_n3A_1097 = arith.select %eq3A_1094, %broadcast_in_dim3A_1096, %select_n3A_1093 : vector<16xi1>, vector<16xi32>
      %eq3A_1098 = arith.cmpf oeq, %select_n3A_960, %max3A_1035 : vector<16xf32>
      %broadcast_in_dim3A_1099 = arith.constant 0 : i32
      %broadcast_in_dim3A_1100 = vector.broadcast %broadcast_in_dim3A_1099 : i32 to vector<16xi32>
      %select_n3A_1101 = arith.select %eq3A_1098, %broadcast_in_dim3A_1100, %select_n3A_1097 : vector<16xi1>, vector<16xi32>
      %broadcast_in_dim3A_1102 = arith.constant 0 : i32
      %broadcast_in_dim3A_1103 = vector.broadcast %broadcast_in_dim3A_1102 : i32 to vector<16xi32>
      %eq3A_1104 = arith.cmpi eq, %select_n3A_1101, %broadcast_in_dim3A_1103 : vector<16xi32>
      %select_n3A_1105 = arith.select %eq3A_1104, %broadcast_in_dim3A_153, %select_n3A_960 : vector<16xi1>, vector<16xf32>
      %broadcast_in_dim3A_1106 = arith.constant 1 : i32
      %broadcast_in_dim3A_1107 = vector.broadcast %broadcast_in_dim3A_1106 : i32 to vector<16xi32>
      %eq3A_1108 = arith.cmpi eq, %select_n3A_1101, %broadcast_in_dim3A_1107 : vector<16xi32>
      %select_n3A_1109 = arith.select %eq3A_1108, %broadcast_in_dim3A_153, %select_n3A_964 : vector<16xi1>, vector<16xf32>
      %broadcast_in_dim3A_1110 = arith.constant 2 : i32
      %broadcast_in_dim3A_1111 = vector.broadcast %broadcast_in_dim3A_1110 : i32 to vector<16xi32>
      %eq3A_1112 = arith.cmpi eq, %select_n3A_1101, %broadcast_in_dim3A_1111 : vector<16xi32>
      %select_n3A_1113 = arith.select %eq3A_1112, %broadcast_in_dim3A_153, %select_n3A_968 : vector<16xi1>, vector<16xf32>
      %broadcast_in_dim3A_1114 = arith.constant 3 : i32
      %broadcast_in_dim3A_1115 = vector.broadcast %broadcast_in_dim3A_1114 : i32 to vector<16xi32>
      %eq3A_1116 = arith.cmpi eq, %select_n3A_1101, %broadcast_in_dim3A_1115 : vector<16xi32>
      %select_n3A_1117 = arith.select %eq3A_1116, %broadcast_in_dim3A_153, %select_n3A_972 : vector<16xi1>, vector<16xf32>
      %broadcast_in_dim3A_1118 = arith.constant 4 : i32
      %broadcast_in_dim3A_1119 = vector.broadcast %broadcast_in_dim3A_1118 : i32 to vector<16xi32>
      %eq3A_1120 = arith.cmpi eq, %select_n3A_1101, %broadcast_in_dim3A_1119 : vector<16xi32>
      %select_n3A_1121 = arith.select %eq3A_1120, %broadcast_in_dim3A_153, %select_n3A_976 : vector<16xi1>, vector<16xf32>
      %broadcast_in_dim3A_1122 = arith.constant 5 : i32
      %broadcast_in_dim3A_1123 = vector.broadcast %broadcast_in_dim3A_1122 : i32 to vector<16xi32>
      %eq3A_1124 = arith.cmpi eq, %select_n3A_1101, %broadcast_in_dim3A_1123 : vector<16xi32>
      %select_n3A_1125 = arith.select %eq3A_1124, %broadcast_in_dim3A_153, %select_n3A_980 : vector<16xi1>, vector<16xf32>
      %broadcast_in_dim3A_1126 = arith.constant 6 : i32
      %broadcast_in_dim3A_1127 = vector.broadcast %broadcast_in_dim3A_1126 : i32 to vector<16xi32>
      %eq3A_1128 = arith.cmpi eq, %select_n3A_1101, %broadcast_in_dim3A_1127 : vector<16xi32>
      %select_n3A_1129 = arith.select %eq3A_1128, %broadcast_in_dim3A_153, %select_n3A_984 : vector<16xi1>, vector<16xf32>
      %broadcast_in_dim3A_1130 = arith.constant 7 : i32
      %broadcast_in_dim3A_1131 = vector.broadcast %broadcast_in_dim3A_1130 : i32 to vector<16xi32>
      %eq3A_1132 = arith.cmpi eq, %select_n3A_1101, %broadcast_in_dim3A_1131 : vector<16xi32>
      %select_n3A_1133 = arith.select %eq3A_1132, %broadcast_in_dim3A_153, %select_n3A_988 : vector<16xi1>, vector<16xf32>
      %broadcast_in_dim3A_1134 = arith.constant 8 : i32
      %broadcast_in_dim3A_1135 = vector.broadcast %broadcast_in_dim3A_1134 : i32 to vector<16xi32>
      %eq3A_1136 = arith.cmpi eq, %select_n3A_1101, %broadcast_in_dim3A_1135 : vector<16xi32>
      %select_n3A_1137 = arith.select %eq3A_1136, %broadcast_in_dim3A_153, %select_n3A_992 : vector<16xi1>, vector<16xf32>
      %broadcast_in_dim3A_1138 = arith.constant 9 : i32
      %broadcast_in_dim3A_1139 = vector.broadcast %broadcast_in_dim3A_1138 : i32 to vector<16xi32>
      %eq3A_1140 = arith.cmpi eq, %select_n3A_1101, %broadcast_in_dim3A_1139 : vector<16xi32>
      %select_n3A_1141 = arith.select %eq3A_1140, %broadcast_in_dim3A_153, %select_n3A_996 : vector<16xi1>, vector<16xf32>
      %broadcast_in_dim3A_1142 = arith.constant 10 : i32
      %broadcast_in_dim3A_1143 = vector.broadcast %broadcast_in_dim3A_1142 : i32 to vector<16xi32>
      %eq3A_1144 = arith.cmpi eq, %select_n3A_1101, %broadcast_in_dim3A_1143 : vector<16xi32>
      %select_n3A_1145 = arith.select %eq3A_1144, %broadcast_in_dim3A_153, %select_n3A_1000 : vector<16xi1>, vector<16xf32>
      %broadcast_in_dim3A_1146 = arith.constant 11 : i32
      %broadcast_in_dim3A_1147 = vector.broadcast %broadcast_in_dim3A_1146 : i32 to vector<16xi32>
      %eq3A_1148 = arith.cmpi eq, %select_n3A_1101, %broadcast_in_dim3A_1147 : vector<16xi32>
      %select_n3A_1149 = arith.select %eq3A_1148, %broadcast_in_dim3A_153, %select_n3A_1004 : vector<16xi1>, vector<16xf32>
      %broadcast_in_dim3A_1150 = arith.constant 12 : i32
      %broadcast_in_dim3A_1151 = vector.broadcast %broadcast_in_dim3A_1150 : i32 to vector<16xi32>
      %eq3A_1152 = arith.cmpi eq, %select_n3A_1101, %broadcast_in_dim3A_1151 : vector<16xi32>
      %select_n3A_1153 = arith.select %eq3A_1152, %broadcast_in_dim3A_153, %select_n3A_1008 : vector<16xi1>, vector<16xf32>
      %broadcast_in_dim3A_1154 = arith.constant 13 : i32
      %broadcast_in_dim3A_1155 = vector.broadcast %broadcast_in_dim3A_1154 : i32 to vector<16xi32>
      %eq3A_1156 = arith.cmpi eq, %select_n3A_1101, %broadcast_in_dim3A_1155 : vector<16xi32>
      %select_n3A_1157 = arith.select %eq3A_1156, %broadcast_in_dim3A_153, %select_n3A_1012 : vector<16xi1>, vector<16xf32>
      %broadcast_in_dim3A_1158 = arith.constant 14 : i32
      %broadcast_in_dim3A_1159 = vector.broadcast %broadcast_in_dim3A_1158 : i32 to vector<16xi32>
      %eq3A_1160 = arith.cmpi eq, %select_n3A_1101, %broadcast_in_dim3A_1159 : vector<16xi32>
      %select_n3A_1161 = arith.select %eq3A_1160, %broadcast_in_dim3A_153, %select_n3A_1016 : vector<16xi1>, vector<16xf32>
      %broadcast_in_dim3A_1162 = arith.constant 15 : i32
      %broadcast_in_dim3A_1163 = vector.broadcast %broadcast_in_dim3A_1162 : i32 to vector<16xi32>
      %eq3A_1164 = arith.cmpi eq, %select_n3A_1101, %broadcast_in_dim3A_1163 : vector<16xi32>
      %select_n3A_1165 = arith.select %eq3A_1164, %broadcast_in_dim3A_153, %select_n3A_1020 : vector<16xi1>, vector<16xf32>
      %max3A_1166 = arith.maximumf %select_n3A_1105, %select_n3A_1109 : vector<16xf32>
      %max3A_1167 = arith.maximumf %max3A_1166, %select_n3A_1113 : vector<16xf32>
      %max3A_1168 = arith.maximumf %max3A_1167, %select_n3A_1117 : vector<16xf32>
      %max3A_1169 = arith.maximumf %max3A_1168, %select_n3A_1121 : vector<16xf32>
      %max3A_1170 = arith.maximumf %max3A_1169, %select_n3A_1125 : vector<16xf32>
      %max3A_1171 = arith.maximumf %max3A_1170, %select_n3A_1129 : vector<16xf32>
      %max3A_1172 = arith.maximumf %max3A_1171, %select_n3A_1133 : vector<16xf32>
      %max3A_1173 = arith.maximumf %max3A_1172, %select_n3A_1137 : vector<16xf32>
      %max3A_1174 = arith.maximumf %max3A_1173, %select_n3A_1141 : vector<16xf32>
      %max3A_1175 = arith.maximumf %max3A_1174, %select_n3A_1145 : vector<16xf32>
      %max3A_1176 = arith.maximumf %max3A_1175, %select_n3A_1149 : vector<16xf32>
      %max3A_1177 = arith.maximumf %max3A_1176, %select_n3A_1153 : vector<16xf32>
      %max3A_1178 = arith.maximumf %max3A_1177, %select_n3A_1157 : vector<16xf32>
      %max3A_1179 = arith.maximumf %max3A_1178, %select_n3A_1161 : vector<16xf32>
      %max3A_1180 = arith.maximumf %max3A_1179, %select_n3A_1165 : vector<16xf32>
      %broadcast_in_dim3A_1181 = arith.constant 15 : i32
      %broadcast_in_dim3A_1182 = vector.broadcast %broadcast_in_dim3A_1181 : i32 to vector<16xi32>
      %eq3A_1183 = arith.cmpf oeq, %select_n3A_1165, %max3A_1180 : vector<16xf32>
      %broadcast_in_dim3A_1184 = arith.constant 15 : i32
      %broadcast_in_dim3A_1185 = vector.broadcast %broadcast_in_dim3A_1184 : i32 to vector<16xi32>
      %select_n3A_1186 = arith.select %eq3A_1183, %broadcast_in_dim3A_1185, %broadcast_in_dim3A_1182 : vector<16xi1>, vector<16xi32>
      %eq3A_1187 = arith.cmpf oeq, %select_n3A_1161, %max3A_1180 : vector<16xf32>
      %broadcast_in_dim3A_1188 = arith.constant 14 : i32
      %broadcast_in_dim3A_1189 = vector.broadcast %broadcast_in_dim3A_1188 : i32 to vector<16xi32>
      %select_n3A_1190 = arith.select %eq3A_1187, %broadcast_in_dim3A_1189, %select_n3A_1186 : vector<16xi1>, vector<16xi32>
      %eq3A_1191 = arith.cmpf oeq, %select_n3A_1157, %max3A_1180 : vector<16xf32>
      %broadcast_in_dim3A_1192 = arith.constant 13 : i32
      %broadcast_in_dim3A_1193 = vector.broadcast %broadcast_in_dim3A_1192 : i32 to vector<16xi32>
      %select_n3A_1194 = arith.select %eq3A_1191, %broadcast_in_dim3A_1193, %select_n3A_1190 : vector<16xi1>, vector<16xi32>
      %eq3A_1195 = arith.cmpf oeq, %select_n3A_1153, %max3A_1180 : vector<16xf32>
      %broadcast_in_dim3A_1196 = arith.constant 12 : i32
      %broadcast_in_dim3A_1197 = vector.broadcast %broadcast_in_dim3A_1196 : i32 to vector<16xi32>
      %select_n3A_1198 = arith.select %eq3A_1195, %broadcast_in_dim3A_1197, %select_n3A_1194 : vector<16xi1>, vector<16xi32>
      %eq3A_1199 = arith.cmpf oeq, %select_n3A_1149, %max3A_1180 : vector<16xf32>
      %broadcast_in_dim3A_1200 = arith.constant 11 : i32
      %broadcast_in_dim3A_1201 = vector.broadcast %broadcast_in_dim3A_1200 : i32 to vector<16xi32>
      %select_n3A_1202 = arith.select %eq3A_1199, %broadcast_in_dim3A_1201, %select_n3A_1198 : vector<16xi1>, vector<16xi32>
      %eq3A_1203 = arith.cmpf oeq, %select_n3A_1145, %max3A_1180 : vector<16xf32>
      %broadcast_in_dim3A_1204 = arith.constant 10 : i32
      %broadcast_in_dim3A_1205 = vector.broadcast %broadcast_in_dim3A_1204 : i32 to vector<16xi32>
      %select_n3A_1206 = arith.select %eq3A_1203, %broadcast_in_dim3A_1205, %select_n3A_1202 : vector<16xi1>, vector<16xi32>
      %eq3A_1207 = arith.cmpf oeq, %select_n3A_1141, %max3A_1180 : vector<16xf32>
      %broadcast_in_dim3A_1208 = arith.constant 9 : i32
      %broadcast_in_dim3A_1209 = vector.broadcast %broadcast_in_dim3A_1208 : i32 to vector<16xi32>
      %select_n3A_1210 = arith.select %eq3A_1207, %broadcast_in_dim3A_1209, %select_n3A_1206 : vector<16xi1>, vector<16xi32>
      %eq3A_1211 = arith.cmpf oeq, %select_n3A_1137, %max3A_1180 : vector<16xf32>
      %broadcast_in_dim3A_1212 = arith.constant 8 : i32
      %broadcast_in_dim3A_1213 = vector.broadcast %broadcast_in_dim3A_1212 : i32 to vector<16xi32>
      %select_n3A_1214 = arith.select %eq3A_1211, %broadcast_in_dim3A_1213, %select_n3A_1210 : vector<16xi1>, vector<16xi32>
      %eq3A_1215 = arith.cmpf oeq, %select_n3A_1133, %max3A_1180 : vector<16xf32>
      %broadcast_in_dim3A_1216 = arith.constant 7 : i32
      %broadcast_in_dim3A_1217 = vector.broadcast %broadcast_in_dim3A_1216 : i32 to vector<16xi32>
      %select_n3A_1218 = arith.select %eq3A_1215, %broadcast_in_dim3A_1217, %select_n3A_1214 : vector<16xi1>, vector<16xi32>
      %eq3A_1219 = arith.cmpf oeq, %select_n3A_1129, %max3A_1180 : vector<16xf32>
      %broadcast_in_dim3A_1220 = arith.constant 6 : i32
      %broadcast_in_dim3A_1221 = vector.broadcast %broadcast_in_dim3A_1220 : i32 to vector<16xi32>
      %select_n3A_1222 = arith.select %eq3A_1219, %broadcast_in_dim3A_1221, %select_n3A_1218 : vector<16xi1>, vector<16xi32>
      %eq3A_1223 = arith.cmpf oeq, %select_n3A_1125, %max3A_1180 : vector<16xf32>
      %broadcast_in_dim3A_1224 = arith.constant 5 : i32
      %broadcast_in_dim3A_1225 = vector.broadcast %broadcast_in_dim3A_1224 : i32 to vector<16xi32>
      %select_n3A_1226 = arith.select %eq3A_1223, %broadcast_in_dim3A_1225, %select_n3A_1222 : vector<16xi1>, vector<16xi32>
      %eq3A_1227 = arith.cmpf oeq, %select_n3A_1121, %max3A_1180 : vector<16xf32>
      %broadcast_in_dim3A_1228 = arith.constant 4 : i32
      %broadcast_in_dim3A_1229 = vector.broadcast %broadcast_in_dim3A_1228 : i32 to vector<16xi32>
      %select_n3A_1230 = arith.select %eq3A_1227, %broadcast_in_dim3A_1229, %select_n3A_1226 : vector<16xi1>, vector<16xi32>
      %eq3A_1231 = arith.cmpf oeq, %select_n3A_1117, %max3A_1180 : vector<16xf32>
      %broadcast_in_dim3A_1232 = arith.constant 3 : i32
      %broadcast_in_dim3A_1233 = vector.broadcast %broadcast_in_dim3A_1232 : i32 to vector<16xi32>
      %select_n3A_1234 = arith.select %eq3A_1231, %broadcast_in_dim3A_1233, %select_n3A_1230 : vector<16xi1>, vector<16xi32>
      %eq3A_1235 = arith.cmpf oeq, %select_n3A_1113, %max3A_1180 : vector<16xf32>
      %broadcast_in_dim3A_1236 = arith.constant 2 : i32
      %broadcast_in_dim3A_1237 = vector.broadcast %broadcast_in_dim3A_1236 : i32 to vector<16xi32>
      %select_n3A_1238 = arith.select %eq3A_1235, %broadcast_in_dim3A_1237, %select_n3A_1234 : vector<16xi1>, vector<16xi32>
      %eq3A_1239 = arith.cmpf oeq, %select_n3A_1109, %max3A_1180 : vector<16xf32>
      %broadcast_in_dim3A_1240 = arith.constant 1 : i32
      %broadcast_in_dim3A_1241 = vector.broadcast %broadcast_in_dim3A_1240 : i32 to vector<16xi32>
      %select_n3A_1242 = arith.select %eq3A_1239, %broadcast_in_dim3A_1241, %select_n3A_1238 : vector<16xi1>, vector<16xi32>
      %eq3A_1243 = arith.cmpf oeq, %select_n3A_1105, %max3A_1180 : vector<16xf32>
      %broadcast_in_dim3A_1244 = arith.constant 0 : i32
      %broadcast_in_dim3A_1245 = vector.broadcast %broadcast_in_dim3A_1244 : i32 to vector<16xi32>
      %select_n3A_1246 = arith.select %eq3A_1243, %broadcast_in_dim3A_1245, %select_n3A_1242 : vector<16xi1>, vector<16xi32>
      %broadcast_in_dim3A_1247 = arith.constant 0 : i32
      %broadcast_in_dim3A_1248 = vector.broadcast %broadcast_in_dim3A_1247 : i32 to vector<16xi32>
      %eq3A_1249 = arith.cmpi eq, %select_n3A_1246, %broadcast_in_dim3A_1248 : vector<16xi32>
      %select_n3A_1250 = arith.select %eq3A_1249, %broadcast_in_dim3A_153, %select_n3A_1105 : vector<16xi1>, vector<16xf32>
      %broadcast_in_dim3A_1251 = arith.constant 1 : i32
      %broadcast_in_dim3A_1252 = vector.broadcast %broadcast_in_dim3A_1251 : i32 to vector<16xi32>
      %eq3A_1253 = arith.cmpi eq, %select_n3A_1246, %broadcast_in_dim3A_1252 : vector<16xi32>
      %select_n3A_1254 = arith.select %eq3A_1253, %broadcast_in_dim3A_153, %select_n3A_1109 : vector<16xi1>, vector<16xf32>
      %broadcast_in_dim3A_1255 = arith.constant 2 : i32
      %broadcast_in_dim3A_1256 = vector.broadcast %broadcast_in_dim3A_1255 : i32 to vector<16xi32>
      %eq3A_1257 = arith.cmpi eq, %select_n3A_1246, %broadcast_in_dim3A_1256 : vector<16xi32>
      %select_n3A_1258 = arith.select %eq3A_1257, %broadcast_in_dim3A_153, %select_n3A_1113 : vector<16xi1>, vector<16xf32>
      %broadcast_in_dim3A_1259 = arith.constant 3 : i32
      %broadcast_in_dim3A_1260 = vector.broadcast %broadcast_in_dim3A_1259 : i32 to vector<16xi32>
      %eq3A_1261 = arith.cmpi eq, %select_n3A_1246, %broadcast_in_dim3A_1260 : vector<16xi32>
      %select_n3A_1262 = arith.select %eq3A_1261, %broadcast_in_dim3A_153, %select_n3A_1117 : vector<16xi1>, vector<16xf32>
      %broadcast_in_dim3A_1263 = arith.constant 4 : i32
      %broadcast_in_dim3A_1264 = vector.broadcast %broadcast_in_dim3A_1263 : i32 to vector<16xi32>
      %eq3A_1265 = arith.cmpi eq, %select_n3A_1246, %broadcast_in_dim3A_1264 : vector<16xi32>
      %select_n3A_1266 = arith.select %eq3A_1265, %broadcast_in_dim3A_153, %select_n3A_1121 : vector<16xi1>, vector<16xf32>
      %broadcast_in_dim3A_1267 = arith.constant 5 : i32
      %broadcast_in_dim3A_1268 = vector.broadcast %broadcast_in_dim3A_1267 : i32 to vector<16xi32>
      %eq3A_1269 = arith.cmpi eq, %select_n3A_1246, %broadcast_in_dim3A_1268 : vector<16xi32>
      %select_n3A_1270 = arith.select %eq3A_1269, %broadcast_in_dim3A_153, %select_n3A_1125 : vector<16xi1>, vector<16xf32>
      %broadcast_in_dim3A_1271 = arith.constant 6 : i32
      %broadcast_in_dim3A_1272 = vector.broadcast %broadcast_in_dim3A_1271 : i32 to vector<16xi32>
      %eq3A_1273 = arith.cmpi eq, %select_n3A_1246, %broadcast_in_dim3A_1272 : vector<16xi32>
      %select_n3A_1274 = arith.select %eq3A_1273, %broadcast_in_dim3A_153, %select_n3A_1129 : vector<16xi1>, vector<16xf32>
      %broadcast_in_dim3A_1275 = arith.constant 7 : i32
      %broadcast_in_dim3A_1276 = vector.broadcast %broadcast_in_dim3A_1275 : i32 to vector<16xi32>
      %eq3A_1277 = arith.cmpi eq, %select_n3A_1246, %broadcast_in_dim3A_1276 : vector<16xi32>
      %select_n3A_1278 = arith.select %eq3A_1277, %broadcast_in_dim3A_153, %select_n3A_1133 : vector<16xi1>, vector<16xf32>
      %broadcast_in_dim3A_1279 = arith.constant 8 : i32
      %broadcast_in_dim3A_1280 = vector.broadcast %broadcast_in_dim3A_1279 : i32 to vector<16xi32>
      %eq3A_1281 = arith.cmpi eq, %select_n3A_1246, %broadcast_in_dim3A_1280 : vector<16xi32>
      %select_n3A_1282 = arith.select %eq3A_1281, %broadcast_in_dim3A_153, %select_n3A_1137 : vector<16xi1>, vector<16xf32>
      %broadcast_in_dim3A_1283 = arith.constant 9 : i32
      %broadcast_in_dim3A_1284 = vector.broadcast %broadcast_in_dim3A_1283 : i32 to vector<16xi32>
      %eq3A_1285 = arith.cmpi eq, %select_n3A_1246, %broadcast_in_dim3A_1284 : vector<16xi32>
      %select_n3A_1286 = arith.select %eq3A_1285, %broadcast_in_dim3A_153, %select_n3A_1141 : vector<16xi1>, vector<16xf32>
      %broadcast_in_dim3A_1287 = arith.constant 10 : i32
      %broadcast_in_dim3A_1288 = vector.broadcast %broadcast_in_dim3A_1287 : i32 to vector<16xi32>
      %eq3A_1289 = arith.cmpi eq, %select_n3A_1246, %broadcast_in_dim3A_1288 : vector<16xi32>
      %select_n3A_1290 = arith.select %eq3A_1289, %broadcast_in_dim3A_153, %select_n3A_1145 : vector<16xi1>, vector<16xf32>
      %broadcast_in_dim3A_1291 = arith.constant 11 : i32
      %broadcast_in_dim3A_1292 = vector.broadcast %broadcast_in_dim3A_1291 : i32 to vector<16xi32>
      %eq3A_1293 = arith.cmpi eq, %select_n3A_1246, %broadcast_in_dim3A_1292 : vector<16xi32>
      %select_n3A_1294 = arith.select %eq3A_1293, %broadcast_in_dim3A_153, %select_n3A_1149 : vector<16xi1>, vector<16xf32>
      %broadcast_in_dim3A_1295 = arith.constant 12 : i32
      %broadcast_in_dim3A_1296 = vector.broadcast %broadcast_in_dim3A_1295 : i32 to vector<16xi32>
      %eq3A_1297 = arith.cmpi eq, %select_n3A_1246, %broadcast_in_dim3A_1296 : vector<16xi32>
      %select_n3A_1298 = arith.select %eq3A_1297, %broadcast_in_dim3A_153, %select_n3A_1153 : vector<16xi1>, vector<16xf32>
      %broadcast_in_dim3A_1299 = arith.constant 13 : i32
      %broadcast_in_dim3A_1300 = vector.broadcast %broadcast_in_dim3A_1299 : i32 to vector<16xi32>
      %eq3A_1301 = arith.cmpi eq, %select_n3A_1246, %broadcast_in_dim3A_1300 : vector<16xi32>
      %select_n3A_1302 = arith.select %eq3A_1301, %broadcast_in_dim3A_153, %select_n3A_1157 : vector<16xi1>, vector<16xf32>
      %broadcast_in_dim3A_1303 = arith.constant 14 : i32
      %broadcast_in_dim3A_1304 = vector.broadcast %broadcast_in_dim3A_1303 : i32 to vector<16xi32>
      %eq3A_1305 = arith.cmpi eq, %select_n3A_1246, %broadcast_in_dim3A_1304 : vector<16xi32>
      %select_n3A_1306 = arith.select %eq3A_1305, %broadcast_in_dim3A_153, %select_n3A_1161 : vector<16xi1>, vector<16xf32>
      %broadcast_in_dim3A_1307 = arith.constant 15 : i32
      %broadcast_in_dim3A_1308 = vector.broadcast %broadcast_in_dim3A_1307 : i32 to vector<16xi32>
      %eq3A_1309 = arith.cmpi eq, %select_n3A_1246, %broadcast_in_dim3A_1308 : vector<16xi32>
      %select_n3A_1310 = arith.select %eq3A_1309, %broadcast_in_dim3A_153, %select_n3A_1165 : vector<16xi1>, vector<16xf32>
      %sub3A = arith.subf %max3A_167, %max3A_167 : vector<16xf32>
      %exp3A = math.exp %sub3A : vector<16xf32>
      %sub3A_1311 = arith.subf %max3A_310, %max3A_167 : vector<16xf32>
      %exp3A_1312 = math.exp %sub3A_1311 : vector<16xf32>
      %sub3A_1313 = arith.subf %max3A_455, %max3A_167 : vector<16xf32>
      %exp3A_1314 = math.exp %sub3A_1313 : vector<16xf32>
      %sub3A_1315 = arith.subf %max3A_600, %max3A_167 : vector<16xf32>
      %exp3A_1316 = math.exp %sub3A_1315 : vector<16xf32>
      %sub3A_1317 = arith.subf %max3A_745, %max3A_167 : vector<16xf32>
      %exp3A_1318 = math.exp %sub3A_1317 : vector<16xf32>
      %sub3A_1319 = arith.subf %max3A_890, %max3A_167 : vector<16xf32>
      %exp3A_1320 = math.exp %sub3A_1319 : vector<16xf32>
      %sub3A_1321 = arith.subf %max3A_1035, %max3A_167 : vector<16xf32>
      %exp3A_1322 = math.exp %sub3A_1321 : vector<16xf32>
      %sub3A_1323 = arith.subf %max3A_1180, %max3A_167 : vector<16xf32>
      %exp3A_1324 = math.exp %sub3A_1323 : vector<16xf32>
      %add3A_1325 = arith.addf %exp3A, %exp3A_1312 : vector<16xf32>
      %add3A_1326 = arith.addf %add3A_1325, %exp3A_1314 : vector<16xf32>
      %add3A_1327 = arith.addf %add3A_1326, %exp3A_1316 : vector<16xf32>
      %add3A_1328 = arith.addf %add3A_1327, %exp3A_1318 : vector<16xf32>
      %add3A_1329 = arith.addf %add3A_1328, %exp3A_1320 : vector<16xf32>
      %add3A_1330 = arith.addf %add3A_1329, %exp3A_1322 : vector<16xf32>
      %add3A_1331 = arith.addf %add3A_1330, %exp3A_1324 : vector<16xf32>
      %div3A = arith.divf %exp3A, %add3A_1331 : vector<16xf32>
      %add3A_1332 = arith.constant 0 : i32
      %add3A_1333 = arith.addi %add3A_1332, %mul3A_73 : i32
      %swap3A = arith.index_cast %add3A_1333 : i32 to index
      %swap3A_1334 = tpu.vector_load %arg6[%swap3A] {strides = array<i32>} : memref<4096xf32, #tpu.memory_space<vmem>>, vector<16xf32>,
      %swap3A_1335 = vector.shape_cast %swap3A_1334 : vector<16xf32> to vector<16xf32>
      %swap3A_1336 = vector.shape_cast %div3A : vector<16xf32> to vector<16xf32>
      tpu.vector_store %arg6[%swap3A], %swap3A_1336 {strides = array<i32>} : memref<4096xf32, #tpu.memory_space<vmem>>, vector<16xf32>,
      %add3A_1337 = arith.constant 0 : i32
      %add3A_1338 = arith.addi %add3A_1337, %mul3A_73 : i32
      %swap3A_1339 = arith.index_cast %add3A_1338 : i32 to index
      %swap3A_1340 = tpu.vector_load %arg7[%swap3A_1339] {strides = array<i32>} : memref<4096xi32, #tpu.memory_space<vmem>>, vector<16xi32>,
      %swap3A_1341 = vector.shape_cast %swap3A_1340 : vector<16xi32> to vector<16xi32>
      %swap3A_1342 = vector.shape_cast %select_n3A_231 : vector<16xi32> to vector<16xi32>
      tpu.vector_store %arg7[%swap3A_1339], %swap3A_1342 {strides = array<i32>} : memref<4096xi32, #tpu.memory_space<vmem>>, vector<16xi32>,
      %div3A_1343 = arith.divf %exp3A_1312, %add3A_1331 : vector<16xf32>
      %add3A_1344 = arith.constant 512 : i32
      %add3A_1345 = arith.addi %add3A_1344, %mul3A_73 : i32
      %swap3A_1346 = arith.index_cast %add3A_1345 : i32 to index
      %swap3A_1347 = tpu.vector_load %arg6[%swap3A_1346] {strides = array<i32>} : memref<4096xf32, #tpu.memory_space<vmem>>, vector<16xf32>,
      %swap3A_1348 = vector.shape_cast %swap3A_1347 : vector<16xf32> to vector<16xf32>
      %swap3A_1349 = vector.shape_cast %div3A_1343 : vector<16xf32> to vector<16xf32>
      tpu.vector_store %arg6[%swap3A_1346], %swap3A_1349 {strides = array<i32>} : memref<4096xf32, #tpu.memory_space<vmem>>, vector<16xf32>,
      %add3A_1350 = arith.constant 512 : i32
      %add3A_1351 = arith.addi %add3A_1350, %mul3A_73 : i32
      %swap3A_1352 = arith.index_cast %add3A_1351 : i32 to index
      %swap3A_1353 = tpu.vector_load %arg7[%swap3A_1352] {strides = array<i32>} : memref<4096xi32, #tpu.memory_space<vmem>>, vector<16xi32>,
      %swap3A_1354 = vector.shape_cast %swap3A_1353 : vector<16xi32> to vector<16xi32>
      %swap3A_1355 = vector.shape_cast %select_n3A_376 : vector<16xi32> to vector<16xi32>
      tpu.vector_store %arg7[%swap3A_1352], %swap3A_1355 {strides = array<i32>} : memref<4096xi32, #tpu.memory_space<vmem>>, vector<16xi32>,
      %div3A_1356 = arith.divf %exp3A_1314, %add3A_1331 : vector<16xf32>
      %add3A_1357 = arith.constant 1024 : i32
      %add3A_1358 = arith.addi %add3A_1357, %mul3A_73 : i32
      %swap3A_1359 = arith.index_cast %add3A_1358 : i32 to index
      %swap3A_1360 = tpu.vector_load %arg6[%swap3A_1359] {strides = array<i32>} : memref<4096xf32, #tpu.memory_space<vmem>>, vector<16xf32>,
      %swap3A_1361 = vector.shape_cast %swap3A_1360 : vector<16xf32> to vector<16xf32>
      %swap3A_1362 = vector.shape_cast %div3A_1356 : vector<16xf32> to vector<16xf32>
      tpu.vector_store %arg6[%swap3A_1359], %swap3A_1362 {strides = array<i32>} : memref<4096xf32, #tpu.memory_space<vmem>>, vector<16xf32>,
      %add3A_1363 = arith.constant 1024 : i32
      %add3A_1364 = arith.addi %add3A_1363, %mul3A_73 : i32
      %swap3A_1365 = arith.index_cast %add3A_1364 : i32 to index
      %swap3A_1366 = tpu.vector_load %arg7[%swap3A_1365] {strides = array<i32>} : memref<4096xi32, #tpu.memory_space<vmem>>, vector<16xi32>,
      %swap3A_1367 = vector.shape_cast %swap3A_1366 : vector<16xi32> to vector<16xi32>
      %swap3A_1368 = vector.shape_cast %select_n3A_521 : vector<16xi32> to vector<16xi32>
      tpu.vector_store %arg7[%swap3A_1365], %swap3A_1368 {strides = array<i32>} : memref<4096xi32, #tpu.memory_space<vmem>>, vector<16xi32>,
      %div3A_1369 = arith.divf %exp3A_1316, %add3A_1331 : vector<16xf32>
      %add3A_1370 = arith.constant 1536 : i32
      %add3A_1371 = arith.addi %add3A_1370, %mul3A_73 : i32
      %swap3A_1372 = arith.index_cast %add3A_1371 : i32 to index
      %swap3A_1373 = tpu.vector_load %arg6[%swap3A_1372] {strides = array<i32>} : memref<4096xf32, #tpu.memory_space<vmem>>, vector<16xf32>,
      %swap3A_1374 = vector.shape_cast %swap3A_1373 : vector<16xf32> to vector<16xf32>
      %swap3A_1375 = vector.shape_cast %div3A_1369 : vector<16xf32> to vector<16xf32>
      tpu.vector_store %arg6[%swap3A_1372], %swap3A_1375 {strides = array<i32>} : memref<4096xf32, #tpu.memory_space<vmem>>, vector<16xf32>,
      %add3A_1376 = arith.constant 1536 : i32
      %add3A_1377 = arith.addi %add3A_1376, %mul3A_73 : i32
      %swap3A_1378 = arith.index_cast %add3A_1377 : i32 to index
      %swap3A_1379 = tpu.vector_load %arg7[%swap3A_1378] {strides = array<i32>} : memref<4096xi32, #tpu.memory_space<vmem>>, vector<16xi32>,
      %swap3A_1380 = vector.shape_cast %swap3A_1379 : vector<16xi32> to vector<16xi32>
      %swap3A_1381 = vector.shape_cast %select_n3A_666 : vector<16xi32> to vector<16xi32>
      tpu.vector_store %arg7[%swap3A_1378], %swap3A_1381 {strides = array<i32>} : memref<4096xi32, #tpu.memory_space<vmem>>, vector<16xi32>,
      %div3A_1382 = arith.divf %exp3A_1318, %add3A_1331 : vector<16xf32>
      %add3A_1383 = arith.constant 2048 : i32
      %add3A_1384 = arith.addi %add3A_1383, %mul3A_73 : i32
      %swap3A_1385 = arith.index_cast %add3A_1384 : i32 to index
      %swap3A_1386 = tpu.vector_load %arg6[%swap3A_1385] {strides = array<i32>} : memref<4096xf32, #tpu.memory_space<vmem>>, vector<16xf32>,
      %swap3A_1387 = vector.shape_cast %swap3A_1386 : vector<16xf32> to vector<16xf32>
      %swap3A_1388 = vector.shape_cast %div3A_1382 : vector<16xf32> to vector<16xf32>
      tpu.vector_store %arg6[%swap3A_1385], %swap3A_1388 {strides = array<i32>} : memref<4096xf32, #tpu.memory_space<vmem>>, vector<16xf32>,
      %add3A_1389 = arith.constant 2048 : i32
      %add3A_1390 = arith.addi %add3A_1389, %mul3A_73 : i32
      %swap3A_1391 = arith.index_cast %add3A_1390 : i32 to index
      %swap3A_1392 = tpu.vector_load %arg7[%swap3A_1391] {strides = array<i32>} : memref<4096xi32, #tpu.memory_space<vmem>>, vector<16xi32>,
      %swap3A_1393 = vector.shape_cast %swap3A_1392 : vector<16xi32> to vector<16xi32>
      %swap3A_1394 = vector.shape_cast %select_n3A_811 : vector<16xi32> to vector<16xi32>
      tpu.vector_store %arg7[%swap3A_1391], %swap3A_1394 {strides = array<i32>} : memref<4096xi32, #tpu.memory_space<vmem>>, vector<16xi32>,
      %div3A_1395 = arith.divf %exp3A_1320, %add3A_1331 : vector<16xf32>
      %add3A_1396 = arith.constant 2560 : i32
      %add3A_1397 = arith.addi %add3A_1396, %mul3A_73 : i32
      %swap3A_1398 = arith.index_cast %add3A_1397 : i32 to index
      %swap3A_1399 = tpu.vector_load %arg6[%swap3A_1398] {strides = array<i32>} : memref<4096xf32, #tpu.memory_space<vmem>>, vector<16xf32>,
      %swap3A_1400 = vector.shape_cast %swap3A_1399 : vector<16xf32> to vector<16xf32>
      %swap3A_1401 = vector.shape_cast %div3A_1395 : vector<16xf32> to vector<16xf32>
      tpu.vector_store %arg6[%swap3A_1398], %swap3A_1401 {strides = array<i32>} : memref<4096xf32, #tpu.memory_space<vmem>>, vector<16xf32>,
      %add3A_1402 = arith.constant 2560 : i32
      %add3A_1403 = arith.addi %add3A_1402, %mul3A_73 : i32
      %swap3A_1404 = arith.index_cast %add3A_1403 : i32 to index
      %swap3A_1405 = tpu.vector_load %arg7[%swap3A_1404] {strides = array<i32>} : memref<4096xi32, #tpu.memory_space<vmem>>, vector<16xi32>,
      %swap3A_1406 = vector.shape_cast %swap3A_1405 : vector<16xi32> to vector<16xi32>
      %swap3A_1407 = vector.shape_cast %select_n3A_956 : vector<16xi32> to vector<16xi32>
      tpu.vector_store %arg7[%swap3A_1404], %swap3A_1407 {strides = array<i32>} : memref<4096xi32, #tpu.memory_space<vmem>>, vector<16xi32>,
      %div3A_1408 = arith.divf %exp3A_1322, %add3A_1331 : vector<16xf32>
      %add3A_1409 = arith.constant 3072 : i32
      %add3A_1410 = arith.addi %add3A_1409, %mul3A_73 : i32
      %swap3A_1411 = arith.index_cast %add3A_1410 : i32 to index
      %swap3A_1412 = tpu.vector_load %arg6[%swap3A_1411] {strides = array<i32>} : memref<4096xf32, #tpu.memory_space<vmem>>, vector<16xf32>,
      %swap3A_1413 = vector.shape_cast %swap3A_1412 : vector<16xf32> to vector<16xf32>
      %swap3A_1414 = vector.shape_cast %div3A_1408 : vector<16xf32> to vector<16xf32>
      tpu.vector_store %arg6[%swap3A_1411], %swap3A_1414 {strides = array<i32>} : memref<4096xf32, #tpu.memory_space<vmem>>, vector<16xf32>,
      %add3A_1415 = arith.constant 3072 : i32
      %add3A_1416 = arith.addi %add3A_1415, %mul3A_73 : i32
      %swap3A_1417 = arith.index_cast %add3A_1416 : i32 to index
      %swap3A_1418 = tpu.vector_load %arg7[%swap3A_1417] {strides = array<i32>} : memref<4096xi32, #tpu.memory_space<vmem>>, vector<16xi32>,
      %swap3A_1419 = vector.shape_cast %swap3A_1418 : vector<16xi32> to vector<16xi32>
      %swap3A_1420 = vector.shape_cast %select_n3A_1101 : vector<16xi32> to vector<16xi32>
      tpu.vector_store %arg7[%swap3A_1417], %swap3A_1420 {strides = array<i32>} : memref<4096xi32, #tpu.memory_space<vmem>>, vector<16xi32>,
      %div3A_1421 = arith.divf %exp3A_1324, %add3A_1331 : vector<16xf32>
      %add3A_1422 = arith.constant 3584 : i32
      %add3A_1423 = arith.addi %add3A_1422, %mul3A_73 : i32
      %swap3A_1424 = arith.index_cast %add3A_1423 : i32 to index
      %swap3A_1425 = tpu.vector_load %arg6[%swap3A_1424] {strides = array<i32>} : memref<4096xf32, #tpu.memory_space<vmem>>, vector<16xf32>,
      %swap3A_1426 = vector.shape_cast %swap3A_1425 : vector<16xf32> to vector<16xf32>
      %swap3A_1427 = vector.shape_cast %div3A_1421 : vector<16xf32> to vector<16xf32>
      tpu.vector_store %arg6[%swap3A_1424], %swap3A_1427 {strides = array<i32>} : memref<4096xf32, #tpu.memory_space<vmem>>, vector<16xf32>,
      %add3A_1428 = arith.constant 3584 : i32
      %add3A_1429 = arith.addi %add3A_1428, %mul3A_73 : i32
      %swap3A_1430 = arith.index_cast %add3A_1429 : i32 to index
      %swap3A_1431 = tpu.vector_load %arg7[%swap3A_1430] {strides = array<i32>} : memref<4096xi32, #tpu.memory_space<vmem>>, vector<16xi32>,
      %swap3A_1432 = vector.shape_cast %swap3A_1431 : vector<16xi32> to vector<16xi32>
      %swap3A_1433 = vector.shape_cast %select_n3A_1246 : vector<16xi32> to vector<16xi32>
      tpu.vector_store %arg7[%swap3A_1430], %swap3A_1433 {strides = array<i32>} : memref<4096xi32, #tpu.memory_space<vmem>>, vector<16xi32>,
    }
    %scan3A_38 = arith.constant 32 : i32
    %add3A_39 = arith.constant 0 : i32
    %add3A_40 = arith.addi %add3A_39, %mul3A_2 : i32
    "tpu.region"() ({
      %run_scoped3A = tpu.sem_alloc : memref<!tpu.dma_semaphore, #tpu.memory_space<semaphore_mem>>
      %dma_start3A = arith.constant 0 : i32
      %dma_start3A_71 = tpu.memref_slice %arg6[%dma_start3A] : memref<4096xf32, #tpu.memory_space<vmem>> -> memref<512xf32, #tpu.memory_space<vmem>>
      %dma_start3A_72 = tpu.memref_slice %arg3[%add3A_40] : memref<131072xf32, #tpu.memory_space<hbm>> -> memref<512xf32, #tpu.memory_space<hbm>>
      %dma_start3A_73 = tpu.memref_slice %arg3[%add3A_40] : memref<131072xf32, #tpu.memory_space<hbm>> -> memref<512xf32, #tpu.memory_space<hbm>>
      %dma_start3A_74 = arith.constant 0 : i32
      %dma_start3A_75 = tpu.memref_slice %arg6[%dma_start3A_74] : memref<4096xf32, #tpu.memory_space<vmem>> -> memref<512xf32, #tpu.memory_space<vmem>>
      tpu.enqueue_dma source(%dma_start3A_75 : memref<512xf32, #tpu.memory_space<vmem>>) target(%dma_start3A_73 : memref<512xf32, #tpu.memory_space<hbm>>) target_semaphore(%run_scoped3A : memref<!tpu.dma_semaphore, #tpu.memory_space<semaphore_mem>>)
      %dma_wait3A = arith.constant 0 : i32
      %dma_wait3A_76 = tpu.memref_slice %arg6[%dma_wait3A] : memref<4096xf32, #tpu.memory_space<vmem>> -> memref<512xf32, #tpu.memory_space<vmem>>
      %dma_wait3A_77 = tpu.memref_slice %arg3[%add3A_40] : memref<131072xf32, #tpu.memory_space<hbm>> -> memref<512xf32, #tpu.memory_space<hbm>>
      %dma_wait3A_78 = tpu.memref_slice %arg3[%add3A_40] : memref<131072xf32, #tpu.memory_space<hbm>> -> memref<512xf32, #tpu.memory_space<hbm>>
      %dma_wait3A_79 = arith.constant 0 : i32
      %dma_wait3A_80 = tpu.memref_slice %arg6[%dma_wait3A_79] : memref<4096xf32, #tpu.memory_space<vmem>> -> memref<512xf32, #tpu.memory_space<vmem>>
      tpu.wait_dma2 semaphore(%run_scoped3A : memref<!tpu.dma_semaphore, #tpu.memory_space<semaphore_mem>>) src(%dma_wait3A_80 : memref<512xf32, #tpu.memory_space<vmem>>) dst(%dma_wait3A_78 : memref<512xf32, #tpu.memory_space<hbm>>)
      tpu.yield
    }) : () -> ()
    %add3A_41 = arith.constant 0 : i32
    %add3A_42 = arith.addi %add3A_41, %mul3A_2 : i32
    "tpu.region"() ({
      %run_scoped3A = tpu.sem_alloc : memref<!tpu.dma_semaphore, #tpu.memory_space<semaphore_mem>>
      %dma_start3A = arith.constant 0 : i32
      %dma_start3A_71 = tpu.memref_slice %arg7[%dma_start3A] : memref<4096xi32, #tpu.memory_space<vmem>> -> memref<512xi32, #tpu.memory_space<vmem>>
      %dma_start3A_72 = tpu.memref_slice %arg4[%add3A_42] : memref<131072xi32, #tpu.memory_space<hbm>> -> memref<512xi32, #tpu.memory_space<hbm>>
      %dma_start3A_73 = tpu.memref_slice %arg4[%add3A_42] : memref<131072xi32, #tpu.memory_space<hbm>> -> memref<512xi32, #tpu.memory_space<hbm>>
      %dma_start3A_74 = arith.constant 0 : i32
      %dma_start3A_75 = tpu.memref_slice %arg7[%dma_start3A_74] : memref<4096xi32, #tpu.memory_space<vmem>> -> memref<512xi32, #tpu.memory_space<vmem>>
      tpu.enqueue_dma source(%dma_start3A_75 : memref<512xi32, #tpu.memory_space<vmem>>) target(%dma_start3A_73 : memref<512xi32, #tpu.memory_space<hbm>>) target_semaphore(%run_scoped3A : memref<!tpu.dma_semaphore, #tpu.memory_space<semaphore_mem>>)
      %dma_wait3A = arith.constant 0 : i32
      %dma_wait3A_76 = tpu.memref_slice %arg7[%dma_wait3A] : memref<4096xi32, #tpu.memory_space<vmem>> -> memref<512xi32, #tpu.memory_space<vmem>>
      %dma_wait3A_77 = tpu.memref_slice %arg4[%add3A_42] : memref<131072xi32, #tpu.memory_space<hbm>> -> memref<512xi32, #tpu.memory_space<hbm>>
      %dma_wait3A_78 = tpu.memref_slice %arg4[%add3A_42] : memref<131072xi32, #tpu.memory_space<hbm>> -> memref<512xi32, #tpu.memory_space<hbm>>
      %dma_wait3A_79 = arith.constant 0 : i32
      %dma_wait3A_80 = tpu.memref_slice %arg7[%dma_wait3A_79] : memref<4096xi32, #tpu.memory_space<vmem>> -> memref<512xi32, #tpu.memory_space<vmem>>
      tpu.wait_dma2 semaphore(%run_scoped3A : memref<!tpu.dma_semaphore, #tpu.memory_space<semaphore_mem>>) src(%dma_wait3A_80 : memref<512xi32, #tpu.memory_space<vmem>>) dst(%dma_wait3A_78 : memref<512xi32, #tpu.memory_space<hbm>>)
      tpu.yield
    }) : () -> ()
    %add3A_43 = arith.constant 16384 : i32
    %add3A_44 = arith.addi %add3A_43, %mul3A_2 : i32
    "tpu.region"() ({
      %run_scoped3A = tpu.sem_alloc : memref<!tpu.dma_semaphore, #tpu.memory_space<semaphore_mem>>
      %dma_start3A = arith.constant 512 : i32
      %dma_start3A_71 = tpu.memref_slice %arg6[%dma_start3A] : memref<4096xf32, #tpu.memory_space<vmem>> -> memref<512xf32, #tpu.memory_space<vmem>>
      %dma_start3A_72 = tpu.memref_slice %arg3[%add3A_44] : memref<131072xf32, #tpu.memory_space<hbm>> -> memref<512xf32, #tpu.memory_space<hbm>>
      %dma_start3A_73 = tpu.memref_slice %arg3[%add3A_44] : memref<131072xf32, #tpu.memory_space<hbm>> -> memref<512xf32, #tpu.memory_space<hbm>>
      %dma_start3A_74 = arith.constant 512 : i32
      %dma_start3A_75 = tpu.memref_slice %arg6[%dma_start3A_74] : memref<4096xf32, #tpu.memory_space<vmem>> -> memref<512xf32, #tpu.memory_space<vmem>>
      tpu.enqueue_dma source(%dma_start3A_75 : memref<512xf32, #tpu.memory_space<vmem>>) target(%dma_start3A_73 : memref<512xf32, #tpu.memory_space<hbm>>) target_semaphore(%run_scoped3A : memref<!tpu.dma_semaphore, #tpu.memory_space<semaphore_mem>>)
      %dma_wait3A = arith.constant 512 : i32
      %dma_wait3A_76 = tpu.memref_slice %arg6[%dma_wait3A] : memref<4096xf32, #tpu.memory_space<vmem>> -> memref<512xf32, #tpu.memory_space<vmem>>
      %dma_wait3A_77 = tpu.memref_slice %arg3[%add3A_44] : memref<131072xf32, #tpu.memory_space<hbm>> -> memref<512xf32, #tpu.memory_space<hbm>>
      %dma_wait3A_78 = tpu.memref_slice %arg3[%add3A_44] : memref<131072xf32, #tpu.memory_space<hbm>> -> memref<512xf32, #tpu.memory_space<hbm>>
      %dma_wait3A_79 = arith.constant 512 : i32
      %dma_wait3A_80 = tpu.memref_slice %arg6[%dma_wait3A_79] : memref<4096xf32, #tpu.memory_space<vmem>> -> memref<512xf32, #tpu.memory_space<vmem>>
      tpu.wait_dma2 semaphore(%run_scoped3A : memref<!tpu.dma_semaphore, #tpu.memory_space<semaphore_mem>>) src(%dma_wait3A_80 : memref<512xf32, #tpu.memory_space<vmem>>) dst(%dma_wait3A_78 : memref<512xf32, #tpu.memory_space<hbm>>)
      tpu.yield
    }) : () -> ()
    %add3A_45 = arith.constant 16384 : i32
    %add3A_46 = arith.addi %add3A_45, %mul3A_2 : i32
    "tpu.region"() ({
      %run_scoped3A = tpu.sem_alloc : memref<!tpu.dma_semaphore, #tpu.memory_space<semaphore_mem>>
      %dma_start3A = arith.constant 512 : i32
      %dma_start3A_71 = tpu.memref_slice %arg7[%dma_start3A] : memref<4096xi32, #tpu.memory_space<vmem>> -> memref<512xi32, #tpu.memory_space<vmem>>
      %dma_start3A_72 = tpu.memref_slice %arg4[%add3A_46] : memref<131072xi32, #tpu.memory_space<hbm>> -> memref<512xi32, #tpu.memory_space<hbm>>
      %dma_start3A_73 = tpu.memref_slice %arg4[%add3A_46] : memref<131072xi32, #tpu.memory_space<hbm>> -> memref<512xi32, #tpu.memory_space<hbm>>
      %dma_start3A_74 = arith.constant 512 : i32
      %dma_start3A_75 = tpu.memref_slice %arg7[%dma_start3A_74] : memref<4096xi32, #tpu.memory_space<vmem>> -> memref<512xi32, #tpu.memory_space<vmem>>
      tpu.enqueue_dma source(%dma_start3A_75 : memref<512xi32, #tpu.memory_space<vmem>>) target(%dma_start3A_73 : memref<512xi32, #tpu.memory_space<hbm>>) target_semaphore(%run_scoped3A : memref<!tpu.dma_semaphore, #tpu.memory_space<semaphore_mem>>)
      %dma_wait3A = arith.constant 512 : i32
      %dma_wait3A_76 = tpu.memref_slice %arg7[%dma_wait3A] : memref<4096xi32, #tpu.memory_space<vmem>> -> memref<512xi32, #tpu.memory_space<vmem>>
      %dma_wait3A_77 = tpu.memref_slice %arg4[%add3A_46] : memref<131072xi32, #tpu.memory_space<hbm>> -> memref<512xi32, #tpu.memory_space<hbm>>
      %dma_wait3A_78 = tpu.memref_slice %arg4[%add3A_46] : memref<131072xi32, #tpu.memory_space<hbm>> -> memref<512xi32, #tpu.memory_space<hbm>>
      %dma_wait3A_79 = arith.constant 512 : i32
      %dma_wait3A_80 = tpu.memref_slice %arg7[%dma_wait3A_79] : memref<4096xi32, #tpu.memory_space<vmem>> -> memref<512xi32, #tpu.memory_space<vmem>>
      tpu.wait_dma2 semaphore(%run_scoped3A : memref<!tpu.dma_semaphore, #tpu.memory_space<semaphore_mem>>) src(%dma_wait3A_80 : memref<512xi32, #tpu.memory_space<vmem>>) dst(%dma_wait3A_78 : memref<512xi32, #tpu.memory_space<hbm>>)
      tpu.yield
    }) : () -> ()
    %add3A_47 = arith.constant 32768 : i32
    %add3A_48 = arith.addi %add3A_47, %mul3A_2 : i32
    "tpu.region"() ({
      %run_scoped3A = tpu.sem_alloc : memref<!tpu.dma_semaphore, #tpu.memory_space<semaphore_mem>>
      %dma_start3A = arith.constant 1024 : i32
      %dma_start3A_71 = tpu.memref_slice %arg6[%dma_start3A] : memref<4096xf32, #tpu.memory_space<vmem>> -> memref<512xf32, #tpu.memory_space<vmem>>
      %dma_start3A_72 = tpu.memref_slice %arg3[%add3A_48] : memref<131072xf32, #tpu.memory_space<hbm>> -> memref<512xf32, #tpu.memory_space<hbm>>
      %dma_start3A_73 = tpu.memref_slice %arg3[%add3A_48] : memref<131072xf32, #tpu.memory_space<hbm>> -> memref<512xf32, #tpu.memory_space<hbm>>
      %dma_start3A_74 = arith.constant 1024 : i32
      %dma_start3A_75 = tpu.memref_slice %arg6[%dma_start3A_74] : memref<4096xf32, #tpu.memory_space<vmem>> -> memref<512xf32, #tpu.memory_space<vmem>>
      tpu.enqueue_dma source(%dma_start3A_75 : memref<512xf32, #tpu.memory_space<vmem>>) target(%dma_start3A_73 : memref<512xf32, #tpu.memory_space<hbm>>) target_semaphore(%run_scoped3A : memref<!tpu.dma_semaphore, #tpu.memory_space<semaphore_mem>>)
      %dma_wait3A = arith.constant 1024 : i32
      %dma_wait3A_76 = tpu.memref_slice %arg6[%dma_wait3A] : memref<4096xf32, #tpu.memory_space<vmem>> -> memref<512xf32, #tpu.memory_space<vmem>>
      %dma_wait3A_77 = tpu.memref_slice %arg3[%add3A_48] : memref<131072xf32, #tpu.memory_space<hbm>> -> memref<512xf32, #tpu.memory_space<hbm>>
      %dma_wait3A_78 = tpu.memref_slice %arg3[%add3A_48] : memref<131072xf32, #tpu.memory_space<hbm>> -> memref<512xf32, #tpu.memory_space<hbm>>
      %dma_wait3A_79 = arith.constant 1024 : i32
      %dma_wait3A_80 = tpu.memref_slice %arg6[%dma_wait3A_79] : memref<4096xf32, #tpu.memory_space<vmem>> -> memref<512xf32, #tpu.memory_space<vmem>>
      tpu.wait_dma2 semaphore(%run_scoped3A : memref<!tpu.dma_semaphore, #tpu.memory_space<semaphore_mem>>) src(%dma_wait3A_80 : memref<512xf32, #tpu.memory_space<vmem>>) dst(%dma_wait3A_78 : memref<512xf32, #tpu.memory_space<hbm>>)
      tpu.yield
    }) : () -> ()
    %add3A_49 = arith.constant 32768 : i32
    %add3A_50 = arith.addi %add3A_49, %mul3A_2 : i32
    "tpu.region"() ({
      %run_scoped3A = tpu.sem_alloc : memref<!tpu.dma_semaphore, #tpu.memory_space<semaphore_mem>>
      %dma_start3A = arith.constant 1024 : i32
      %dma_start3A_71 = tpu.memref_slice %arg7[%dma_start3A] : memref<4096xi32, #tpu.memory_space<vmem>> -> memref<512xi32, #tpu.memory_space<vmem>>
      %dma_start3A_72 = tpu.memref_slice %arg4[%add3A_50] : memref<131072xi32, #tpu.memory_space<hbm>> -> memref<512xi32, #tpu.memory_space<hbm>>
      %dma_start3A_73 = tpu.memref_slice %arg4[%add3A_50] : memref<131072xi32, #tpu.memory_space<hbm>> -> memref<512xi32, #tpu.memory_space<hbm>>
      %dma_start3A_74 = arith.constant 1024 : i32
      %dma_start3A_75 = tpu.memref_slice %arg7[%dma_start3A_74] : memref<4096xi32, #tpu.memory_space<vmem>> -> memref<512xi32, #tpu.memory_space<vmem>>
      tpu.enqueue_dma source(%dma_start3A_75 : memref<512xi32, #tpu.memory_space<vmem>>) target(%dma_start3A_73 : memref<512xi32, #tpu.memory_space<hbm>>) target_semaphore(%run_scoped3A : memref<!tpu.dma_semaphore, #tpu.memory_space<semaphore_mem>>)
      %dma_wait3A = arith.constant 1024 : i32
      %dma_wait3A_76 = tpu.memref_slice %arg7[%dma_wait3A] : memref<4096xi32, #tpu.memory_space<vmem>> -> memref<512xi32, #tpu.memory_space<vmem>>
      %dma_wait3A_77 = tpu.memref_slice %arg4[%add3A_50] : memref<131072xi32, #tpu.memory_space<hbm>> -> memref<512xi32, #tpu.memory_space<hbm>>
      %dma_wait3A_78 = tpu.memref_slice %arg4[%add3A_50] : memref<131072xi32, #tpu.memory_space<hbm>> -> memref<512xi32, #tpu.memory_space<hbm>>
      %dma_wait3A_79 = arith.constant 1024 : i32
      %dma_wait3A_80 = tpu.memref_slice %arg7[%dma_wait3A_79] : memref<4096xi32, #tpu.memory_space<vmem>> -> memref<512xi32, #tpu.memory_space<vmem>>
      tpu.wait_dma2 semaphore(%run_scoped3A : memref<!tpu.dma_semaphore, #tpu.memory_space<semaphore_mem>>) src(%dma_wait3A_80 : memref<512xi32, #tpu.memory_space<vmem>>) dst(%dma_wait3A_78 : memref<512xi32, #tpu.memory_space<hbm>>)
      tpu.yield
    }) : () -> ()
    %add3A_51 = arith.constant 49152 : i32
    %add3A_52 = arith.addi %add3A_51, %mul3A_2 : i32
    "tpu.region"() ({
      %run_scoped3A = tpu.sem_alloc : memref<!tpu.dma_semaphore, #tpu.memory_space<semaphore_mem>>
      %dma_start3A = arith.constant 1536 : i32
      %dma_start3A_71 = tpu.memref_slice %arg6[%dma_start3A] : memref<4096xf32, #tpu.memory_space<vmem>> -> memref<512xf32, #tpu.memory_space<vmem>>
      %dma_start3A_72 = tpu.memref_slice %arg3[%add3A_52] : memref<131072xf32, #tpu.memory_space<hbm>> -> memref<512xf32, #tpu.memory_space<hbm>>
      %dma_start3A_73 = tpu.memref_slice %arg3[%add3A_52] : memref<131072xf32, #tpu.memory_space<hbm>> -> memref<512xf32, #tpu.memory_space<hbm>>
      %dma_start3A_74 = arith.constant 1536 : i32
      %dma_start3A_75 = tpu.memref_slice %arg6[%dma_start3A_74] : memref<4096xf32, #tpu.memory_space<vmem>> -> memref<512xf32, #tpu.memory_space<vmem>>
      tpu.enqueue_dma source(%dma_start3A_75 : memref<512xf32, #tpu.memory_space<vmem>>) target(%dma_start3A_73 : memref<512xf32, #tpu.memory_space<hbm>>) target_semaphore(%run_scoped3A : memref<!tpu.dma_semaphore, #tpu.memory_space<semaphore_mem>>)
      %dma_wait3A = arith.constant 1536 : i32
      %dma_wait3A_76 = tpu.memref_slice %arg6[%dma_wait3A] : memref<4096xf32, #tpu.memory_space<vmem>> -> memref<512xf32, #tpu.memory_space<vmem>>
      %dma_wait3A_77 = tpu.memref_slice %arg3[%add3A_52] : memref<131072xf32, #tpu.memory_space<hbm>> -> memref<512xf32, #tpu.memory_space<hbm>>
      %dma_wait3A_78 = tpu.memref_slice %arg3[%add3A_52] : memref<131072xf32, #tpu.memory_space<hbm>> -> memref<512xf32, #tpu.memory_space<hbm>>
      %dma_wait3A_79 = arith.constant 1536 : i32
      %dma_wait3A_80 = tpu.memref_slice %arg6[%dma_wait3A_79] : memref<4096xf32, #tpu.memory_space<vmem>> -> memref<512xf32, #tpu.memory_space<vmem>>
      tpu.wait_dma2 semaphore(%run_scoped3A : memref<!tpu.dma_semaphore, #tpu.memory_space<semaphore_mem>>) src(%dma_wait3A_80 : memref<512xf32, #tpu.memory_space<vmem>>) dst(%dma_wait3A_78 : memref<512xf32, #tpu.memory_space<hbm>>)
      tpu.yield
    }) : () -> ()
    %add3A_53 = arith.constant 49152 : i32
    %add3A_54 = arith.addi %add3A_53, %mul3A_2 : i32
    "tpu.region"() ({
      %run_scoped3A = tpu.sem_alloc : memref<!tpu.dma_semaphore, #tpu.memory_space<semaphore_mem>>
      %dma_start3A = arith.constant 1536 : i32
      %dma_start3A_71 = tpu.memref_slice %arg7[%dma_start3A] : memref<4096xi32, #tpu.memory_space<vmem>> -> memref<512xi32, #tpu.memory_space<vmem>>
      %dma_start3A_72 = tpu.memref_slice %arg4[%add3A_54] : memref<131072xi32, #tpu.memory_space<hbm>> -> memref<512xi32, #tpu.memory_space<hbm>>
      %dma_start3A_73 = tpu.memref_slice %arg4[%add3A_54] : memref<131072xi32, #tpu.memory_space<hbm>> -> memref<512xi32, #tpu.memory_space<hbm>>
      %dma_start3A_74 = arith.constant 1536 : i32
      %dma_start3A_75 = tpu.memref_slice %arg7[%dma_start3A_74] : memref<4096xi32, #tpu.memory_space<vmem>> -> memref<512xi32, #tpu.memory_space<vmem>>
      tpu.enqueue_dma source(%dma_start3A_75 : memref<512xi32, #tpu.memory_space<vmem>>) target(%dma_start3A_73 : memref<512xi32, #tpu.memory_space<hbm>>) target_semaphore(%run_scoped3A : memref<!tpu.dma_semaphore, #tpu.memory_space<semaphore_mem>>)
      %dma_wait3A = arith.constant 1536 : i32
      %dma_wait3A_76 = tpu.memref_slice %arg7[%dma_wait3A] : memref<4096xi32, #tpu.memory_space<vmem>> -> memref<512xi32, #tpu.memory_space<vmem>>
      %dma_wait3A_77 = tpu.memref_slice %arg4[%add3A_54] : memref<131072xi32, #tpu.memory_space<hbm>> -> memref<512xi32, #tpu.memory_space<hbm>>
      %dma_wait3A_78 = tpu.memref_slice %arg4[%add3A_54] : memref<131072xi32, #tpu.memory_space<hbm>> -> memref<512xi32, #tpu.memory_space<hbm>>
      %dma_wait3A_79 = arith.constant 1536 : i32
      %dma_wait3A_80 = tpu.memref_slice %arg7[%dma_wait3A_79] : memref<4096xi32, #tpu.memory_space<vmem>> -> memref<512xi32, #tpu.memory_space<vmem>>
      tpu.wait_dma2 semaphore(%run_scoped3A : memref<!tpu.dma_semaphore, #tpu.memory_space<semaphore_mem>>) src(%dma_wait3A_80 : memref<512xi32, #tpu.memory_space<vmem>>) dst(%dma_wait3A_78 : memref<512xi32, #tpu.memory_space<hbm>>)
      tpu.yield
    }) : () -> ()
    %add3A_55 = arith.constant 65536 : i32
    %add3A_56 = arith.addi %add3A_55, %mul3A_2 : i32
    "tpu.region"() ({
      %run_scoped3A = tpu.sem_alloc : memref<!tpu.dma_semaphore, #tpu.memory_space<semaphore_mem>>
      %dma_start3A = arith.constant 2048 : i32
      %dma_start3A_71 = tpu.memref_slice %arg6[%dma_start3A] : memref<4096xf32, #tpu.memory_space<vmem>> -> memref<512xf32, #tpu.memory_space<vmem>>
      %dma_start3A_72 = tpu.memref_slice %arg3[%add3A_56] : memref<131072xf32, #tpu.memory_space<hbm>> -> memref<512xf32, #tpu.memory_space<hbm>>
      %dma_start3A_73 = tpu.memref_slice %arg3[%add3A_56] : memref<131072xf32, #tpu.memory_space<hbm>> -> memref<512xf32, #tpu.memory_space<hbm>>
      %dma_start3A_74 = arith.constant 2048 : i32
      %dma_start3A_75 = tpu.memref_slice %arg6[%dma_start3A_74] : memref<4096xf32, #tpu.memory_space<vmem>> -> memref<512xf32, #tpu.memory_space<vmem>>
      tpu.enqueue_dma source(%dma_start3A_75 : memref<512xf32, #tpu.memory_space<vmem>>) target(%dma_start3A_73 : memref<512xf32, #tpu.memory_space<hbm>>) target_semaphore(%run_scoped3A : memref<!tpu.dma_semaphore, #tpu.memory_space<semaphore_mem>>)
      %dma_wait3A = arith.constant 2048 : i32
      %dma_wait3A_76 = tpu.memref_slice %arg6[%dma_wait3A] : memref<4096xf32, #tpu.memory_space<vmem>> -> memref<512xf32, #tpu.memory_space<vmem>>
      %dma_wait3A_77 = tpu.memref_slice %arg3[%add3A_56] : memref<131072xf32, #tpu.memory_space<hbm>> -> memref<512xf32, #tpu.memory_space<hbm>>
      %dma_wait3A_78 = tpu.memref_slice %arg3[%add3A_56] : memref<131072xf32, #tpu.memory_space<hbm>> -> memref<512xf32, #tpu.memory_space<hbm>>
      %dma_wait3A_79 = arith.constant 2048 : i32
      %dma_wait3A_80 = tpu.memref_slice %arg6[%dma_wait3A_79] : memref<4096xf32, #tpu.memory_space<vmem>> -> memref<512xf32, #tpu.memory_space<vmem>>
      tpu.wait_dma2 semaphore(%run_scoped3A : memref<!tpu.dma_semaphore, #tpu.memory_space<semaphore_mem>>) src(%dma_wait3A_80 : memref<512xf32, #tpu.memory_space<vmem>>) dst(%dma_wait3A_78 : memref<512xf32, #tpu.memory_space<hbm>>)
      tpu.yield
    }) : () -> ()
    %add3A_57 = arith.constant 65536 : i32
    %add3A_58 = arith.addi %add3A_57, %mul3A_2 : i32
    "tpu.region"() ({
      %run_scoped3A = tpu.sem_alloc : memref<!tpu.dma_semaphore, #tpu.memory_space<semaphore_mem>>
      %dma_start3A = arith.constant 2048 : i32
      %dma_start3A_71 = tpu.memref_slice %arg7[%dma_start3A] : memref<4096xi32, #tpu.memory_space<vmem>> -> memref<512xi32, #tpu.memory_space<vmem>>
      %dma_start3A_72 = tpu.memref_slice %arg4[%add3A_58] : memref<131072xi32, #tpu.memory_space<hbm>> -> memref<512xi32, #tpu.memory_space<hbm>>
      %dma_start3A_73 = tpu.memref_slice %arg4[%add3A_58] : memref<131072xi32, #tpu.memory_space<hbm>> -> memref<512xi32, #tpu.memory_space<hbm>>
      %dma_start3A_74 = arith.constant 2048 : i32
      %dma_start3A_75 = tpu.memref_slice %arg7[%dma_start3A_74] : memref<4096xi32, #tpu.memory_space<vmem>> -> memref<512xi32, #tpu.memory_space<vmem>>
      tpu.enqueue_dma source(%dma_start3A_75 : memref<512xi32, #tpu.memory_space<vmem>>) target(%dma_start3A_73 : memref<512xi32, #tpu.memory_space<hbm>>) target_semaphore(%run_scoped3A : memref<!tpu.dma_semaphore, #tpu.memory_space<semaphore_mem>>)
      %dma_wait3A = arith.constant 2048 : i32
      %dma_wait3A_76 = tpu.memref_slice %arg7[%dma_wait3A] : memref<4096xi32, #tpu.memory_space<vmem>> -> memref<512xi32, #tpu.memory_space<vmem>>
      %dma_wait3A_77 = tpu.memref_slice %arg4[%add3A_58] : memref<131072xi32, #tpu.memory_space<hbm>> -> memref<512xi32, #tpu.memory_space<hbm>>
      %dma_wait3A_78 = tpu.memref_slice %arg4[%add3A_58] : memref<131072xi32, #tpu.memory_space<hbm>> -> memref<512xi32, #tpu.memory_space<hbm>>
      %dma_wait3A_79 = arith.constant 2048 : i32
      %dma_wait3A_80 = tpu.memref_slice %arg7[%dma_wait3A_79] : memref<4096xi32, #tpu.memory_space<vmem>> -> memref<512xi32, #tpu.memory_space<vmem>>
      tpu.wait_dma2 semaphore(%run_scoped3A : memref<!tpu.dma_semaphore, #tpu.memory_space<semaphore_mem>>) src(%dma_wait3A_80 : memref<512xi32, #tpu.memory_space<vmem>>) dst(%dma_wait3A_78 : memref<512xi32, #tpu.memory_space<hbm>>)
      tpu.yield
    }) : () -> ()
    %add3A_59 = arith.constant 81920 : i32
    %add3A_60 = arith.addi %add3A_59, %mul3A_2 : i32
    "tpu.region"() ({
      %run_scoped3A = tpu.sem_alloc : memref<!tpu.dma_semaphore, #tpu.memory_space<semaphore_mem>>
      %dma_start3A = arith.constant 2560 : i32
      %dma_start3A_71 = tpu.memref_slice %arg6[%dma_start3A] : memref<4096xf32, #tpu.memory_space<vmem>> -> memref<512xf32, #tpu.memory_space<vmem>>
      %dma_start3A_72 = tpu.memref_slice %arg3[%add3A_60] : memref<131072xf32, #tpu.memory_space<hbm>> -> memref<512xf32, #tpu.memory_space<hbm>>
      %dma_start3A_73 = tpu.memref_slice %arg3[%add3A_60] : memref<131072xf32, #tpu.memory_space<hbm>> -> memref<512xf32, #tpu.memory_space<hbm>>
      %dma_start3A_74 = arith.constant 2560 : i32
      %dma_start3A_75 = tpu.memref_slice %arg6[%dma_start3A_74] : memref<4096xf32, #tpu.memory_space<vmem>> -> memref<512xf32, #tpu.memory_space<vmem>>
      tpu.enqueue_dma source(%dma_start3A_75 : memref<512xf32, #tpu.memory_space<vmem>>) target(%dma_start3A_73 : memref<512xf32, #tpu.memory_space<hbm>>) target_semaphore(%run_scoped3A : memref<!tpu.dma_semaphore, #tpu.memory_space<semaphore_mem>>)
      %dma_wait3A = arith.constant 2560 : i32
      %dma_wait3A_76 = tpu.memref_slice %arg6[%dma_wait3A] : memref<4096xf32, #tpu.memory_space<vmem>> -> memref<512xf32, #tpu.memory_space<vmem>>
      %dma_wait3A_77 = tpu.memref_slice %arg3[%add3A_60] : memref<131072xf32, #tpu.memory_space<hbm>> -> memref<512xf32, #tpu.memory_space<hbm>>
      %dma_wait3A_78 = tpu.memref_slice %arg3[%add3A_60] : memref<131072xf32, #tpu.memory_space<hbm>> -> memref<512xf32, #tpu.memory_space<hbm>>
      %dma_wait3A_79 = arith.constant 2560 : i32
      %dma_wait3A_80 = tpu.memref_slice %arg6[%dma_wait3A_79] : memref<4096xf32, #tpu.memory_space<vmem>> -> memref<512xf32, #tpu.memory_space<vmem>>
      tpu.wait_dma2 semaphore(%run_scoped3A : memref<!tpu.dma_semaphore, #tpu.memory_space<semaphore_mem>>) src(%dma_wait3A_80 : memref<512xf32, #tpu.memory_space<vmem>>) dst(%dma_wait3A_78 : memref<512xf32, #tpu.memory_space<hbm>>)
      tpu.yield
    }) : () -> ()
    %add3A_61 = arith.constant 81920 : i32
    %add3A_62 = arith.addi %add3A_61, %mul3A_2 : i32
    "tpu.region"() ({
      %run_scoped3A = tpu.sem_alloc : memref<!tpu.dma_semaphore, #tpu.memory_space<semaphore_mem>>
      %dma_start3A = arith.constant 2560 : i32
      %dma_start3A_71 = tpu.memref_slice %arg7[%dma_start3A] : memref<4096xi32, #tpu.memory_space<vmem>> -> memref<512xi32, #tpu.memory_space<vmem>>
      %dma_start3A_72 = tpu.memref_slice %arg4[%add3A_62] : memref<131072xi32, #tpu.memory_space<hbm>> -> memref<512xi32, #tpu.memory_space<hbm>>
      %dma_start3A_73 = tpu.memref_slice %arg4[%add3A_62] : memref<131072xi32, #tpu.memory_space<hbm>> -> memref<512xi32, #tpu.memory_space<hbm>>
      %dma_start3A_74 = arith.constant 2560 : i32
      %dma_start3A_75 = tpu.memref_slice %arg7[%dma_start3A_74] : memref<4096xi32, #tpu.memory_space<vmem>> -> memref<512xi32, #tpu.memory_space<vmem>>
      tpu.enqueue_dma source(%dma_start3A_75 : memref<512xi32, #tpu.memory_space<vmem>>) target(%dma_start3A_73 : memref<512xi32, #tpu.memory_space<hbm>>) target_semaphore(%run_scoped3A : memref<!tpu.dma_semaphore, #tpu.memory_space<semaphore_mem>>)
      %dma_wait3A = arith.constant 2560 : i32
      %dma_wait3A_76 = tpu.memref_slice %arg7[%dma_wait3A] : memref<4096xi32, #tpu.memory_space<vmem>> -> memref<512xi32, #tpu.memory_space<vmem>>
      %dma_wait3A_77 = tpu.memref_slice %arg4[%add3A_62] : memref<131072xi32, #tpu.memory_space<hbm>> -> memref<512xi32, #tpu.memory_space<hbm>>
      %dma_wait3A_78 = tpu.memref_slice %arg4[%add3A_62] : memref<131072xi32, #tpu.memory_space<hbm>> -> memref<512xi32, #tpu.memory_space<hbm>>
      %dma_wait3A_79 = arith.constant 2560 : i32
      %dma_wait3A_80 = tpu.memref_slice %arg7[%dma_wait3A_79] : memref<4096xi32, #tpu.memory_space<vmem>> -> memref<512xi32, #tpu.memory_space<vmem>>
      tpu.wait_dma2 semaphore(%run_scoped3A : memref<!tpu.dma_semaphore, #tpu.memory_space<semaphore_mem>>) src(%dma_wait3A_80 : memref<512xi32, #tpu.memory_space<vmem>>) dst(%dma_wait3A_78 : memref<512xi32, #tpu.memory_space<hbm>>)
      tpu.yield
    }) : () -> ()
    %add3A_63 = arith.constant 98304 : i32
    %add3A_64 = arith.addi %add3A_63, %mul3A_2 : i32
    "tpu.region"() ({
      %run_scoped3A = tpu.sem_alloc : memref<!tpu.dma_semaphore, #tpu.memory_space<semaphore_mem>>
      %dma_start3A = arith.constant 3072 : i32
      %dma_start3A_71 = tpu.memref_slice %arg6[%dma_start3A] : memref<4096xf32, #tpu.memory_space<vmem>> -> memref<512xf32, #tpu.memory_space<vmem>>
      %dma_start3A_72 = tpu.memref_slice %arg3[%add3A_64] : memref<131072xf32, #tpu.memory_space<hbm>> -> memref<512xf32, #tpu.memory_space<hbm>>
      %dma_start3A_73 = tpu.memref_slice %arg3[%add3A_64] : memref<131072xf32, #tpu.memory_space<hbm>> -> memref<512xf32, #tpu.memory_space<hbm>>
      %dma_start3A_74 = arith.constant 3072 : i32
      %dma_start3A_75 = tpu.memref_slice %arg6[%dma_start3A_74] : memref<4096xf32, #tpu.memory_space<vmem>> -> memref<512xf32, #tpu.memory_space<vmem>>
      tpu.enqueue_dma source(%dma_start3A_75 : memref<512xf32, #tpu.memory_space<vmem>>) target(%dma_start3A_73 : memref<512xf32, #tpu.memory_space<hbm>>) target_semaphore(%run_scoped3A : memref<!tpu.dma_semaphore, #tpu.memory_space<semaphore_mem>>)
      %dma_wait3A = arith.constant 3072 : i32
      %dma_wait3A_76 = tpu.memref_slice %arg6[%dma_wait3A] : memref<4096xf32, #tpu.memory_space<vmem>> -> memref<512xf32, #tpu.memory_space<vmem>>
      %dma_wait3A_77 = tpu.memref_slice %arg3[%add3A_64] : memref<131072xf32, #tpu.memory_space<hbm>> -> memref<512xf32, #tpu.memory_space<hbm>>
      %dma_wait3A_78 = tpu.memref_slice %arg3[%add3A_64] : memref<131072xf32, #tpu.memory_space<hbm>> -> memref<512xf32, #tpu.memory_space<hbm>>
      %dma_wait3A_79 = arith.constant 3072 : i32
      %dma_wait3A_80 = tpu.memref_slice %arg6[%dma_wait3A_79] : memref<4096xf32, #tpu.memory_space<vmem>> -> memref<512xf32, #tpu.memory_space<vmem>>
      tpu.wait_dma2 semaphore(%run_scoped3A : memref<!tpu.dma_semaphore, #tpu.memory_space<semaphore_mem>>) src(%dma_wait3A_80 : memref<512xf32, #tpu.memory_space<vmem>>) dst(%dma_wait3A_78 : memref<512xf32, #tpu.memory_space<hbm>>)
      tpu.yield
    }) : () -> ()
    %add3A_65 = arith.constant 98304 : i32
    %add3A_66 = arith.addi %add3A_65, %mul3A_2 : i32
    "tpu.region"() ({
      %run_scoped3A = tpu.sem_alloc : memref<!tpu.dma_semaphore, #tpu.memory_space<semaphore_mem>>
      %dma_start3A = arith.constant 3072 : i32
      %dma_start3A_71 = tpu.memref_slice %arg7[%dma_start3A] : memref<4096xi32, #tpu.memory_space<vmem>> -> memref<512xi32, #tpu.memory_space<vmem>>
      %dma_start3A_72 = tpu.memref_slice %arg4[%add3A_66] : memref<131072xi32, #tpu.memory_space<hbm>> -> memref<512xi32, #tpu.memory_space<hbm>>
      %dma_start3A_73 = tpu.memref_slice %arg4[%add3A_66] : memref<131072xi32, #tpu.memory_space<hbm>> -> memref<512xi32, #tpu.memory_space<hbm>>
      %dma_start3A_74 = arith.constant 3072 : i32
      %dma_start3A_75 = tpu.memref_slice %arg7[%dma_start3A_74] : memref<4096xi32, #tpu.memory_space<vmem>> -> memref<512xi32, #tpu.memory_space<vmem>>
      tpu.enqueue_dma source(%dma_start3A_75 : memref<512xi32, #tpu.memory_space<vmem>>) target(%dma_start3A_73 : memref<512xi32, #tpu.memory_space<hbm>>) target_semaphore(%run_scoped3A : memref<!tpu.dma_semaphore, #tpu.memory_space<semaphore_mem>>)
      %dma_wait3A = arith.constant 3072 : i32
      %dma_wait3A_76 = tpu.memref_slice %arg7[%dma_wait3A] : memref<4096xi32, #tpu.memory_space<vmem>> -> memref<512xi32, #tpu.memory_space<vmem>>
      %dma_wait3A_77 = tpu.memref_slice %arg4[%add3A_66] : memref<131072xi32, #tpu.memory_space<hbm>> -> memref<512xi32, #tpu.memory_space<hbm>>
      %dma_wait3A_78 = tpu.memref_slice %arg4[%add3A_66] : memref<131072xi32, #tpu.memory_space<hbm>> -> memref<512xi32, #tpu.memory_space<hbm>>
      %dma_wait3A_79 = arith.constant 3072 : i32
      %dma_wait3A_80 = tpu.memref_slice %arg7[%dma_wait3A_79] : memref<4096xi32, #tpu.memory_space<vmem>> -> memref<512xi32, #tpu.memory_space<vmem>>
      tpu.wait_dma2 semaphore(%run_scoped3A : memref<!tpu.dma_semaphore, #tpu.memory_space<semaphore_mem>>) src(%dma_wait3A_80 : memref<512xi32, #tpu.memory_space<vmem>>) dst(%dma_wait3A_78 : memref<512xi32, #tpu.memory_space<hbm>>)
      tpu.yield
    }) : () -> ()
    %add3A_67 = arith.constant 114688 : i32
    %add3A_68 = arith.addi %add3A_67, %mul3A_2 : i32
    "tpu.region"() ({
      %run_scoped3A = tpu.sem_alloc : memref<!tpu.dma_semaphore, #tpu.memory_space<semaphore_mem>>
      %dma_start3A = arith.constant 3584 : i32
      %dma_start3A_71 = tpu.memref_slice %arg6[%dma_start3A] : memref<4096xf32, #tpu.memory_space<vmem>> -> memref<512xf32, #tpu.memory_space<vmem>>
      %dma_start3A_72 = tpu.memref_slice %arg3[%add3A_68] : memref<131072xf32, #tpu.memory_space<hbm>> -> memref<512xf32, #tpu.memory_space<hbm>>
      %dma_start3A_73 = tpu.memref_slice %arg3[%add3A_68] : memref<131072xf32, #tpu.memory_space<hbm>> -> memref<512xf32, #tpu.memory_space<hbm>>
      %dma_start3A_74 = arith.constant 3584 : i32
      %dma_start3A_75 = tpu.memref_slice %arg6[%dma_start3A_74] : memref<4096xf32, #tpu.memory_space<vmem>> -> memref<512xf32, #tpu.memory_space<vmem>>
      tpu.enqueue_dma source(%dma_start3A_75 : memref<512xf32, #tpu.memory_space<vmem>>) target(%dma_start3A_73 : memref<512xf32, #tpu.memory_space<hbm>>) target_semaphore(%run_scoped3A : memref<!tpu.dma_semaphore, #tpu.memory_space<semaphore_mem>>)
      %dma_wait3A = arith.constant 3584 : i32
      %dma_wait3A_76 = tpu.memref_slice %arg6[%dma_wait3A] : memref<4096xf32, #tpu.memory_space<vmem>> -> memref<512xf32, #tpu.memory_space<vmem>>
      %dma_wait3A_77 = tpu.memref_slice %arg3[%add3A_68] : memref<131072xf32, #tpu.memory_space<hbm>> -> memref<512xf32, #tpu.memory_space<hbm>>
      %dma_wait3A_78 = tpu.memref_slice %arg3[%add3A_68] : memref<131072xf32, #tpu.memory_space<hbm>> -> memref<512xf32, #tpu.memory_space<hbm>>
      %dma_wait3A_79 = arith.constant 3584 : i32
      %dma_wait3A_80 = tpu.memref_slice %arg6[%dma_wait3A_79] : memref<4096xf32, #tpu.memory_space<vmem>> -> memref<512xf32, #tpu.memory_space<vmem>>
      tpu.wait_dma2 semaphore(%run_scoped3A : memref<!tpu.dma_semaphore, #tpu.memory_space<semaphore_mem>>) src(%dma_wait3A_80 : memref<512xf32, #tpu.memory_space<vmem>>) dst(%dma_wait3A_78 : memref<512xf32, #tpu.memory_space<hbm>>)
      tpu.yield
    }) : () -> ()
    %add3A_69 = arith.constant 114688 : i32
    %add3A_70 = arith.addi %add3A_69, %mul3A_2 : i32
    "tpu.region"() ({
      %run_scoped3A = tpu.sem_alloc : memref<!tpu.dma_semaphore, #tpu.memory_space<semaphore_mem>>
      %dma_start3A = arith.constant 3584 : i32
      %dma_start3A_71 = tpu.memref_slice %arg7[%dma_start3A] : memref<4096xi32, #tpu.memory_space<vmem>> -> memref<512xi32, #tpu.memory_space<vmem>>
      %dma_start3A_72 = tpu.memref_slice %arg4[%add3A_70] : memref<131072xi32, #tpu.memory_space<hbm>> -> memref<512xi32, #tpu.memory_space<hbm>>
      %dma_start3A_73 = tpu.memref_slice %arg4[%add3A_70] : memref<131072xi32, #tpu.memory_space<hbm>> -> memref<512xi32, #tpu.memory_space<hbm>>
      %dma_start3A_74 = arith.constant 3584 : i32
      %dma_start3A_75 = tpu.memref_slice %arg7[%dma_start3A_74] : memref<4096xi32, #tpu.memory_space<vmem>> -> memref<512xi32, #tpu.memory_space<vmem>>
      tpu.enqueue_dma source(%dma_start3A_75 : memref<512xi32, #tpu.memory_space<vmem>>) target(%dma_start3A_73 : memref<512xi32, #tpu.memory_space<hbm>>) target_semaphore(%run_scoped3A : memref<!tpu.dma_semaphore, #tpu.memory_space<semaphore_mem>>)
      %dma_wait3A = arith.constant 3584 : i32
      %dma_wait3A_76 = tpu.memref_slice %arg7[%dma_wait3A] : memref<4096xi32, #tpu.memory_space<vmem>> -> memref<512xi32, #tpu.memory_space<vmem>>
      %dma_wait3A_77 = tpu.memref_slice %arg4[%add3A_70] : memref<131072xi32, #tpu.memory_space<hbm>> -> memref<512xi32, #tpu.memory_space<hbm>>
      %dma_wait3A_78 = tpu.memref_slice %arg4[%add3A_70] : memref<131072xi32, #tpu.memory_space<hbm>> -> memref<512xi32, #tpu.memory_space<hbm>>
      %dma_wait3A_79 = arith.constant 3584 : i32
      %dma_wait3A_80 = tpu.memref_slice %arg7[%dma_wait3A_79] : memref<4096xi32, #tpu.memory_space<vmem>> -> memref<512xi32, #tpu.memory_space<vmem>>
      tpu.wait_dma2 semaphore(%run_scoped3A : memref<!tpu.dma_semaphore, #tpu.memory_space<semaphore_mem>>) src(%dma_wait3A_80 : memref<512xi32, #tpu.memory_space<vmem>>) dst(%dma_wait3A_78 : memref<512xi32, #tpu.memory_space<hbm>>)
      tpu.yield
    }) : () -> ()
    return
  }
}

module attributes {stable_mosaic.version = 14 : i64} {
  func.func @_logits_kernel(%arg0: i32, %arg1: memref<1024x2048xf32, #tpu.memory_space<vmem>>, %arg2: memref<16x2048xf32, #tpu.memory_space<vmem>>, %arg3: memref<16x1024xf32, #tpu.memory_space<vmem>>) attributes {dimension_semantics = [#tpu.dimension_semantics<arbitrary>], iteration_bounds = array<i64: 16>, scalar_prefetch = 0 : i64, scratch_operands = 0 : i64, tpu.core_type = #tpu.core_type<tc>, window_params = [{transform_indices = @transform_0, window_bounds = array<i64: 1024, 2048>}, {pipeline_mode = #tpu.pipeline_mode<synchronous>, transform_indices = @transform_1, window_bounds = array<i64: 16, 2048>}, {transform_indices = @transform_2, window_bounds = array<i64: 16, 1024>}]} {
    %get3A = arith.constant 0 : index
    %get3A_0 = arith.constant 0 : index
    %get3A_1 = vector.load %arg2[%get3A, %get3A_0] : memref<16x2048xf32, #tpu.memory_space<vmem>>, vector<16x2048xf32>
    %get3A_2 = arith.constant 0 : index
    %get3A_3 = arith.constant 0 : index
    %get3A_4 = vector.load %arg1[%get3A_2, %get3A_3] : memref<1024x2048xf32, #tpu.memory_space<vmem>>, vector<1024x2048xf32>
    %dot_general3A = arith.constant dense<0.000000e+00> : vector<16x1024xf32>
    %dot_general3A_5 = tpu.matmul %get3A_1, %get3A_4, %dot_general3A {dimension_numbers = #tpu.dot_dimension_numbers<[1], [1], [0], [0], [0, 0, 1, 0], [], []>, transpose_lhs_hint = false} : vector<16x2048xf32>, vector<1024x2048xf32>, vector<16x1024xf32> -> vector<16x1024xf32>
    %swap3A = arith.constant 0 : index
    %swap3A_6 = arith.constant 0 : index
    %swap3A_7 = vector.load %arg3[%swap3A, %swap3A_6] : memref<16x1024xf32, #tpu.memory_space<vmem>>, vector<16x1024xf32>
    tpu.vector_store %arg3[%swap3A, %swap3A_6], %dot_general3A_5 {strides = array<i32>} : memref<16x1024xf32, #tpu.memory_space<vmem>>, vector<16x1024xf32>,
    return
  }
  func.func @transform_0(%arg0: i32) -> (i32, i32) {
    %c0_i32 = arith.constant 0 : i32
    %c0_i32_0 = arith.constant 0 : i32
    return %arg0, %c0_i32 : i32, i32
  }
  func.func @transform_1(%arg0: i32) -> (i32, i32) {
    %c0_i32 = arith.constant 0 : i32
    %c0_i32_0 = arith.constant 0 : i32
    %c0_i32_1 = arith.constant 0 : i32
    return %c0_i32, %c0_i32_0 : i32, i32
  }
  func.func @transform_2(%arg0: i32) -> (i32, i32) {
    %c0_i32 = arith.constant 0 : i32
    %c0_i32_0 = arith.constant 0 : i32
    return %c0_i32, %arg0 : i32, i32
  }
}

</mosaic_0001>

<sc_bundles>
// kernel: kernel.4.cloned.1.call-start
scs
__scs_entry_jumppad:
0x0: {  	(pc) =	sbr.rel $0x88, $3  }
0x1: {  	(tag) =	ssettag $0x0;
	lr =	simm.s32 $0x1  }
0x2: {  	[smem:$0x3F9F] =	sst lr;
	_ =	strace $0xD0000000  }
0x3: {  	_ = 	snop  }
0x4: {  	_ = 	snop  }
0x5: {  	_ = 	snop  }
0x6: {  	_ = 	snop  }
0x7: {  	_ = 	snop  }
__scs_overlays_trampoline_lowered:
0x8: {  	[smem:$0x3FAE] =	sst s0  }
0x9: {  	[smem:$0x3FAF] =	sst s1  }
0xa: {  	[smem:$0x3FB0] =	sst s2  }
0xb: {  	[smem:$0x3FB1] =	sst s3  }
0xc: {  	[smem:$0x3FB2] =	sst s4  }
0xd: {  	[smem:$0x3FB3] =	sst s5  }
0xe: {  	[smem:$0x3FB4] =	sst s6  }
0xf: {  	[smem:$0x3FB5] =	sst s7  }
0x10: {  	[smem:$0x3FB6] =	sst s8  }
0x11: {  	[smem:$0x3FB7] =	sst s9;
	s0 =	simm.s32 @!p0 $0x0  }
0x12: {  	s1 =	sld [smem:$0x3F9D];
	s0 =	simm.s32 @p0 $0x1  }
0x13: {  	[smem:$0x3FB8] =	sst s0;
	s0 =	simm.s32 @!p1 $0x0  }
0x14: {  	s2 =	sld [smem:$0x3F9C];
	s0 =	simm.s32 @p1 $0x1  }
0x15: {  	[smem:$0x3FB9] =	sst s0;
	s0 =	simm.s32 @!p2 $0x0  }
0x16: {  	s3 =	sld [smem:$0x3FDB];
	s0 =	simm.s32 @p2 $0x1  }
0x17: {  	s4 =	simm.s32 $0x1BF5;
	[smem:$0x3FBB] =	sst s0  }
0x18: {  	s0 =	sld [smem:$0x3F9E];
	_ =	swait.ge [sflag:s4], $0x0  }
0x19: {  	s7 =	sld [smem:$0x3F9F]  }
0x1a: {  	s8 =	sadd.s32 $0xFFFFE003, lr  }
0x1b: {  	s9 =	sadd.s32 $0xFFFFFEF7, lr;
	s5 =	simm.s32 $0xFFFFFFFF;
	p2 =	slt.u32 s8, $0xFFFFF086  }
0x1c: {  	p1 =	slt.u32 s9, $0xF7A;
	s5 =	simm.s32 @!p2 $0x0  }
0x1d: {  	s5 =	simm.s32 @p1 $0x1;
	p0 =	seq.s32 s7, s2  }
0x1e: {  	s7 =	smul.u32 @!p0 $0xF7A, s2;
	p2 =	seq.s32 @!p0 s5, $0x0  }
0x1f: {  	s9 =	smul.u32 $0xF7A, s1;
	s8 =	simm.s32 @!p0 $0x1BF5;
	p2 =	por !p2, p0  }
0x20: {  	[sflag:s8] =	ssyncset.s32 @!p0 $0xFFFFF086;
	s6 =	sadd.s32 @!p0 s3, s7;
	s7 =	simm.s32 @!p0 $0x108  }
0x21: {  	s3 =	sadd.s32 s3, s9;
	s6 =	sadd.s32 @!p0 $0x88, s6;
	s7 =	simm.s32 @p2 $0x1082  }
0x22: {  	[simem:s7], [sflag:s8] =	dma.local @!p0 [hbm:s6], $0xF7A  }
0x23: {  	s9 =	sor.u32 $0xD0000000, s2;
	s6 =	simm.s32 $0x108;
	_ =	swait.ge @!p0 [sflag:s8], $0x0  }
0x24: {  	s3 =	sadd.s32 $0x88, s3;
	s6 =	simm.s32 @!p1 $0x1082;
	[sflag:s4] =	ssyncset.s32 $0xFFFFF086  }
0x25: {  	[simem:s6], [sflag:s4] =	dma.local [hbm:s3], $0xF7A  }
0x26: {  	[smem:$0x3F9F] =	sst s1;
	(tag) =	ssettag s2;
	_ =	strace s9  }
0x27: {  	s1 =	sld [smem:$0x3FAF]  }
0x28: {  	s2 =	sld [smem:$0x3FB0]  }
0x29: {  	s4 =	sld [smem:$0x3FB2]  }
0x2a: {  	p0 =	seq.s32 s5, $0x0;
	s5 =	sld [smem:$0x3FB3]  }
0x2b: {  	s6 =	sld [smem:$0x3FB4]  }
0x2c: {  	s7 =	sld [smem:$0x3FB5]  }
0x2d: {  	s3 =	simm.s32 $0x108;
	s8 =	sld [smem:$0x3FB6]  }
0x2e: {  	s3 =	simm.s32 @!p0 $0x1082;
	s9 =	sld [smem:$0x3FB7]  }
0x2f: {  	lr =	sadd.s32 s0, s3;
	s0 =	sld [smem:$0x3FAE]  }
0x30: {  	s3 =	sld [smem:$0x3FB1]  }
0x31: {  	[smem:$0x3FBA] =	sst s10  }
0x32: {  	s10 =	sld [smem:$0x3FB8];
	_ =	sdelay $0x3  }
0x33: {  	p0 =	seq.s32 s10, $0x1;
	s10 =	sld [smem:$0x3FBA];
	_ =	sdelay $0x3  }
0x34: {  	[smem:$0x3FBA] =	sst s10  }
0x35: {  	s10 =	sld [smem:$0x3FB9];
	_ =	sdelay $0x3  }
0x36: {  	p1 =	seq.s32 s10, $0x1;
	s10 =	sld [smem:$0x3FBA];
	_ =	sdelay $0x3  }
0x37: {  	[smem:$0x3FBA] =	sst s10  }
0x38: {  	s10 =	sld [smem:$0x3FBB]  }
0x39: {  	_ = 	snop;
	(pc) =	sbr.ind lr, $3  }
0x3a: {  	_ = 	snop  }
0x3b: {  	_ = 	snop  }
0x3c: {  	p2 =	seq.s32 s10, $0x1;
	s10 =	sld [smem:$0x3FBA]  }
0x3d: {  	_ =	shalt  }
0x3e: {  	_ =	shalt  }
0x3f: {  	_ =	shalt  }
0x40: {  	_ =	shalt  }
0x41: {  	_ =	shalt  }
0x42: {  	_ =	shalt  }
0x43: {  	_ =	shalt  }
0x44: {  	_ =	shalt  }
0x45: {  	_ =	shalt  }
0x46: {  	_ =	shalt  }
0x47: {  	_ =	shalt  }
0x48: {  	_ =	shalt  }
0x49: {  	_ =	shalt  }
0x4a: {  	_ =	shalt  }
0x4b: {  	_ =	shalt  }
0x4c: {  	_ =	shalt  }
0x4d: {  	_ =	shalt  }
0x4e: {  	_ =	shalt  }
0x4f: {  	_ =	shalt  }
0x50: {  	_ =	shalt  }
0x51: {  	_ =	shalt  }
0x52: {  	_ =	shalt  }
0x53: {  	_ =	shalt  }
0x54: {  	_ =	shalt  }
0x55: {  	_ =	shalt  }
0x56: {  	_ =	shalt  }
0x57: {  	_ =	shalt  }
0x58: {  	_ =	shalt  }
0x59: {  	_ =	shalt  }
0x5a: {  	_ =	shalt  }
0x5b: {  	_ =	shalt  }
0x5c: {  	_ =	shalt  }
0x5d: {  	_ =	shalt  }
0x5e: {  	_ =	shalt  }
0x5f: {  	_ =	shalt  }
0x60: {  	_ =	shalt  }
0x61: {  	_ =	shalt  }
0x62: {  	_ =	shalt  }
0x63: {  	_ =	shalt  }
0x64: {  	_ =	shalt  }
0x65: {  	_ =	shalt  }
0x66: {  	_ =	shalt  }
0x67: {  	_ =	shalt  }
0x68: {  	_ =	shalt  }
0x69: {  	_ =	shalt  }
0x6a: {  	_ =	shalt  }
0x6b: {  	_ =	shalt  }
0x6c: {  	_ =	shalt  }
0x6d: {  	_ =	shalt  }
0x6e: {  	_ =	shalt  }
0x6f: {  	_ =	shalt  }
0x70: {  	_ =	shalt  }
0x71: {  	_ =	shalt  }
0x72: {  	_ =	shalt  }
0x73: {  	_ =	shalt  }
0x74: {  	_ =	shalt  }
0x75: {  	_ =	shalt  }
0x76: {  	_ =	shalt  }
0x77: {  	_ =	shalt  }
0x78: {  	_ =	shalt  }
0x79: {  	_ =	shalt  }
0x7a: {  	_ =	shalt  }
0x7b: {  	_ =	shalt  }
0x7c: {  	_ =	shalt  }
0x7d: {  	_ =	shalt  }
0x7e: {  	_ =	shalt  }
0x7f: {  	_ =	shalt  }
0x80: {  	_ =	shalt  }
0x81: {  	_ =	shalt  }
0x82: {  	_ =	shalt  }
0x83: {  	_ =	shalt  }
0x84: {  	_ =	shalt  }
0x85: {  	_ =	shalt  }
0x86: {  	_ =	shalt  }
0x87: {  	_ =	shalt  }
.Lfunc_end0:
.L_simem_size_0:
called_computation_lowered:
.L_overlay_start_0:
0x88: {  	s2 =	sld [smem:$0x3FD9]  }
0x89: {  	s3 =	sld [smem:$0x3FFE];
	_ =	sdelay $0x1  }
0x8a: {  	s1 =	srdreg.scid  }
0x8b: {  	s0 =	sand.u32 $0x1, s1  }
0x8c: {  	s14 =	sshll.u32 s0, $0xA;
	s2 =	sadd.s32 s3, s2  }
0x8d: {  	s2 =	sadd.s32 s2, s14  }
0x8e: {  	[smem:$0x3FC6] =	sst s2  }
0x8f: {  	_ = 	snop  }
0x90: {  	s2 =	sld [smem:$0x3FD0];
	_ =	sdelay $0x2  }
0x91: {  	s15 =	simm.s32 $0xA;
	s4 =	simm.s32 $0x10  }
0x92: {  	[smem:s4], [sflag:s15] =	dma.local [hbm:s2], $0x1  }
0x93: {  	_ =	swait.eq [sflag:s15], $0x1  }
0x94: {  	[sflag:s15] =	ssyncset.done $0x0  }
0x95: {  	[sflag:s15] =	ssyncadd.s32 $0xFFFFFFFF  }
0x96: {  	s16 =	sld [smem:$0x11];
	(tm) =	ssettm $0x1  }
0x97: {  	s17 =	sld [smem:$0x3FFB];
	_ =	sdelay $0x3  }
0x98: {  	_ =	strace s17  }
0x99: {  	s3 =	sld [smem:$0x3FFC];
	_ =	sdelay $0x3  }
0x9a: {  	_ =	strace s3  }
0x9b: {  	s3 =	sld [smem:$0x3FFD];
	_ =	sdelay $0x3  }
0x9c: {  	_ =	strace s3  }
0x9d: {  	_ =	strace $0x8FFFFFFF  }
0x9e: {  	s18 =	sld [smem:$0x3FDB];
	_ =	sdelay $0x1  }
0x9f: {  	s19 =	simm.s32 $_scs_section_size  }
0xa0: {  	s5 =	simm.s32 $_size__tile_overlayer_lowered;
	s6 =	simm.s32 $_tile_overlayer_lowered  }
0xa1: {  	s22 =	simm.s32 $0x1BFF;
	s21 =	sshll.u32 s6, $0x1;
	s3 =	sadd.s32 s19, s18  }
0xa2: {  	s7 =	simm.s32 $0x0;
	s20 =	sshll.u32 s5, $0x1;
	s5 =	sadd.s32 s21, s3  }
0xa3: {  	[timem:s7], [sflag:s22] =	dma.local [hbm:s5], s20  }
0xa4: {  	_ =	swait.ge [sflag:s22], s20  }
0xa5: {  	s4 =	ssub.s32 $0x0, s20;
	[sflag:s22] =	ssyncset.done $0x0  }
0xa6: {  	[sflag:s22] =	ssyncadd.s32 s4;
	_ =	sdelay $0x1  }
0xa7: {  	s23 =	simm.s32 $0x1B8B  }
0xa8: {  	_ =	swait.ge [sflag:s23], $0x1  }
0xa9: {  	[sflag:s23] =	ssyncset.done $0x0  }
0xaa: {  	s25 =	simm.s32 $0x1B8E;
	s24 =	sld [smem:$0x3FFE];
	[sflag:s23] =	ssyncadd.s32 $0xFFFFFFFF  }
0xab: {  	s26 =	simm.s32 $execute0_lowered;
	[smem:$0x3FD2] =	sst s25  }
0xac: {  	s5 =	sshll.u32 s26, $0x1;
	_ =	strace $0x80000046;
	[dreg:$0x1] =	wrdreg $0xFFFFFFFF  }
0xad: {  	s28 =	simm.s32 $_size_execute0_lowered;
	s3 =	sadd.s32 s3, s5;
	[dreg:$0x0] =	wrdreg $0x0  }
0xae: {  	s5 =	sshll.u32 s28, $0x1;
	[dreg:$0x2] =	wrdreg s3  }
0xaf: {  	[dreg:$0x3] =	wrdreg s5  }
0xb0: {  	[dreg:$0x4] =	wrdreg $0xC0  }
0xb1: {  	_ =	task [dreg:s7], $0x5FFFF  }
0xb2: {  	[dreg:$0x1] =	wrdreg $0xFFFFFFFF  }
0xb3: {  	[dreg:$0x0] =	wrdreg $0x60  }
0xb4: {  	[dreg:$0x2] =	wrdreg s24  }
0xb5: {  	[dreg:$0x3] =	wrdreg s16  }
0xb6: {  	[dreg:$0x4] =	wrdreg $0x9  }
0xb7: {  	_ =	task.clear_ibuf [dreg:s7], $0x5FFFF;
	_ =	strace $0x90000046  }
0xb8: {  	s29 =	simm.s32 $0x9;
	_ =	strace $0x80000048  }
0xb9: {  	_ =	swait.ge [sflag:s29], $0x1  }
0xba: {  	[sflag:s29] =	ssyncadd.s32 $0xFFFFFFFF  }
0xbb: {  	_ =	strace $0x90000048  }
0xbc: {  	_ =	sfence  }
0xbd: {  	s30 =	sld [smem:$0x0];
	_ =	sdelay $0x2  }
0xbe: {  	s31 =	sshll.u32 s1, $0xD;
	s1 =	sshrl.u32 s1, $0x2  }
0xbf: {  	s3 =	sand.u32 $0x4000, s31;
	s1 =	sadd.s32 s1, s30  }
0xc0: {  	s0 =	sor.u32 s3, s0;
	s1 =	sshll.u32 s1, $0x11  }
0xc1: {  	s0 =	sor.u32 s1, s0  }
0xc2: {  	s0 =	sadd.s32 $0x8F2B, s0  }
0xc3: {  	[sflag:s0] =	ssyncadd.remote.s32 $0x1  }
0xc4: {  	_ =	sfence.sel $0xFFFF  }
0xc5: {  	[dreg:$0x0] =	wrdreg $0xFFFFFFFF;
	(pc) =	sbr.abs _section_cstart, $3  }
0xc6: {  	[dreg:$0x1] =	wrdreg $0xFFFFFFFF  }
0xc7: {  	_ =	task.clear_ibuf [dreg:s7], $0x2FFFF;
	_ =	strace $0x9FFFFFFF  }
0xc8: {  	(tm) =	ssettm $0x7FFFFFFF  }
0xc9: {  	_ =	shalt  }
tec
execute0_lowered:
.L_overlay_start_1:
0x0: {  	(tag) =	ssettag $0x1  }
0x1: {  	s0 =	rddreg [dreg:$0x0]  }
0x2: {  	s3 =	rddreg [dreg:$0x1];
	s2 =	srdreg.scid  }
0x3: {  	s1 =	simm.s32 $0x0;
	s6 =	stileid.u32;
	s2 =	sand.u32 $0x1, s2  }
0x4: {  	[smem:$0x7FF] =	sst s1;
	s4 =	sadd.s32 $0xA00, s0;
	s5 =	ssub.s32 $0x2, s2  }
0x5: {  	s6 =	sshll.u32 s6, $0x7;
	s2 =	sshll.u32 s2, $0x6;
	s7 =	sshrl.u32 s5, $0x1  }
0x6: {  	s0 =	sadd.s32 $0x8A00, s0;
	s6 =	sor.u32 s2, s6;
	s5 =	ssub.s32 s5, s7  }
0x7: {  	s2 =	sadd.s32 s4, s6;
	s17 =	sor.u32 $0x800, s6;
	s18 =	sor.u32 $0x1000, s6  }
0x8: {  	s9 =	sor.u32 $0x1800, s6;
	s21 =	sor.u32 $0x2000, s6;
	s14 =	sor.u32 $0x2800, s6  }
0x9: {  	s12 =	sor.u32 $0x3000, s6;
	s22 =	sadd.s32 s3, s6;
	s23 =	sadd.s32 s0, s6  }
0xa: {  	s7 =	simm.s32 $0x2800;
	s8 =	sadd.s32 s4, s17;
	s10 =	sadd.s32 s4, s18  }
0xb: {  	s20 =	sadd.s32 s4, s9;
	s11 =	sadd.s32 s4, s21;
	[dreg:$0xa] =	wrdreg s22  }
0xc: {  	s13 =	sadd.s32 s4, s14;
	s19 =	sadd.s32 s4, s12;
	[dreg:$0xb] =	wrdreg s23  }
0xd: {  	s24 =	sadd.s32 s3, s17;
	s25 =	sadd.s32 s0, s17;
	[dreg:$0x3] =	wrdreg s8  }
0xe: {  	s26 =	sadd.s32 s3, s18;
	s15 =	sadd.s32 s0, s18;
	[dreg:$0x4] =	wrdreg s10  }
0xf: {  	s16 =	sadd.s32 s3, s9;
	s17 =	sadd.s32 s0, s9;
	[dreg:$0x5] =	wrdreg s20  }
0x10: {  	s18 =	sadd.s32 s3, s21;
	s22 =	sadd.s32 s0, s14;
	[dreg:$0x6] =	wrdreg s11  }
0x11: {  	s23 =	sadd.s32 s3, s12;
	s28 =	smax.u32 s5, $0x1;
	[dreg:$0x7] =	wrdreg s13  }
0x12: {  	s29 =	sadd.s32 $0x4000, s2;
	s30 =	sadd.s32 $0x4800, s2;
	[dreg:$0x8] =	wrdreg s19  }
0x13: {  	s31 =	sadd.s32 $0x5000, s2;
	s5 =	sadd.s32 $0x7800, s2;
	[dreg:$0xc] =	wrdreg s24  }
0x14: {  	s9 =	simm.s32 $0x0;
	s20 =	sor.u32 $0x3800, s6;
	[dreg:$0xd] =	wrdreg s25  }
0x15: {  	[dreg:$0xe] =	wrdreg s26;
	s19 =	sadd.s32 s0, s21;
	s21 =	sadd.s32 s3, s14  }
0x16: {  	s24 =	sadd.s32 s0, s12;
	s6 =	simm.s32 $0x1;
	s8 =	simm.s32 $0x3800  }
0x17: {  	s4 =	sadd.s32 s4, s20;
	s25 =	sadd.s32 s3, s20;
	s26 =	sadd.s32 s0, s20  }
0x18: {  	s20 =	sadd.s32 $0x5800, s2;
	s0 =	sadd.s32 $0x6000, s2;
	[dreg:$0x9] =	wrdreg s4  }
0x19: {  	v0 =	vimm.s32 $0xF;
	s3 =	sadd.s32 $0x6800, s2;
	s4 =	sadd.s32 $0x7000, s2;
	_ =	strace $0x80000047  }
.LBB2_1:
0x1a: {  	[tilespmem:s1], [sflag:$0x1] =	stream.linear.gather [hbm4b:s2+s1], $0x200, $0x38;
	[tilespmem:$0x4000] =	vst v63  }
0x1b: {  	_ =	swait.ge [sflag:s6], $0x200  }
0x1c: {  	[sflag:s6] =	ssyncset.done $0x0  }
0x1d: {  	s11 =	simm.s32 $0x200;
	s10 =	rddreg [dreg:$0x3];
	[sflag:s6] =	ssyncadd.s32 $0xFFFFFE00  }
0x1e: {  	[tilespmem:s11], [sflag:$0x1] =	stream.linear.gather [hbm4b:s10+s1], $0x200, $0x38;
	[tilespmem:$0x4000] =	vst v63  }
0x1f: {  	_ =	swait.ge [sflag:s6], $0x200  }
0x20: {  	[sflag:s6] =	ssyncset.done $0x0  }
0x21: {  	s14 =	simm.s32 $0x400;
	s13 =	rddreg [dreg:$0x4];
	[sflag:s6] =	ssyncadd.s32 $0xFFFFFE00  }
0x22: {  	[tilespmem:s14], [sflag:$0x1] =	stream.linear.gather [hbm4b:s13+s1], $0x200, $0x38;
	[tilespmem:$0x4000] =	vst v63  }
0x23: {  	_ =	swait.ge [sflag:s6], $0x200  }
0x24: {  	[sflag:s6] =	ssyncset.done $0x0  }
0x25: {  	s12 =	simm.s32 $0x600;
	s11 =	rddreg [dreg:$0x5];
	[sflag:s6] =	ssyncadd.s32 $0xFFFFFE00  }
0x26: {  	[tilespmem:s12], [sflag:$0x1] =	stream.linear.gather [hbm4b:s11+s1], $0x200, $0x38;
	[tilespmem:$0x4000] =	vst v63  }
0x27: {  	_ =	swait.ge [sflag:s6], $0x200  }
0x28: {  	[sflag:s6] =	ssyncset.done $0x0  }
0x29: {  	s10 =	simm.s32 $0x800;
	s13 =	rddreg [dreg:$0x6];
	[sflag:s6] =	ssyncadd.s32 $0xFFFFFE00  }
0x2a: {  	[tilespmem:s10], [sflag:$0x1] =	stream.linear.gather [hbm4b:s13+s1], $0x200, $0x38;
	[tilespmem:$0x4000] =	vst v63  }
0x2b: {  	_ =	swait.ge [sflag:s6], $0x200  }
0x2c: {  	[sflag:s6] =	ssyncset.done $0x0  }
0x2d: {  	s12 =	simm.s32 $0xA00;
	s14 =	rddreg [dreg:$0x7];
	[sflag:s6] =	ssyncadd.s32 $0xFFFFFE00  }
0x2e: {  	[tilespmem:s12], [sflag:$0x1] =	stream.linear.gather [hbm4b:s14+s1], $0x200, $0x38;
	[tilespmem:$0x4000] =	vst v63  }
0x2f: {  	_ =	swait.ge [sflag:s6], $0x200  }
0x30: {  	[sflag:s6] =	ssyncset.done $0x0  }
0x31: {  	s14 =	simm.s32 $0xC00;
	s13 =	rddreg [dreg:$0x8];
	[sflag:s6] =	ssyncadd.s32 $0xFFFFFE00  }
0x32: {  	[tilespmem:s14], [sflag:$0x1] =	stream.linear.gather [hbm4b:s13+s1], $0x200, $0x38;
	[tilespmem:$0x4000] =	vst v63  }
0x33: {  	_ =	swait.ge [sflag:s6], $0x200  }
0x34: {  	[sflag:s6] =	ssyncset.done $0x0  }
0x35: {  	s14 =	simm.s32 $0xE00;
	s13 =	rddreg [dreg:$0x9];
	[sflag:s6] =	ssyncadd.s32 $0xFFFFFE00  }
0x36: {  	[tilespmem:s14], [sflag:$0x1] =	stream.linear.gather [hbm4b:s13+s1], $0x200, $0x38;
	[tilespmem:$0x4000] =	vst v63  }
0x37: {  	_ =	swait.ge [sflag:s6], $0x200  }
0x38: {  	[sflag:s6] =	ssyncset.done $0x0  }
0x39: {  	s12 =	simm.s32 $0x1000;
	[sflag:s6] =	ssyncadd.s32 $0xFFFFFE00  }
0x3a: {  	[tilespmem:s12], [sflag:$0x1] =	stream.linear.gather [hbm4b:s29+s1], $0x200, $0x38;
	[tilespmem:$0x4000] =	vst v63  }
0x3b: {  	_ =	swait.ge [sflag:s6], $0x200  }
0x3c: {  	[sflag:s6] =	ssyncset.done $0x0  }
0x3d: {  	s13 =	simm.s32 $0x1200;
	[sflag:s6] =	ssyncadd.s32 $0xFFFFFE00  }
0x3e: {  	[tilespmem:s13], [sflag:$0x1] =	stream.linear.gather [hbm4b:s30+s1], $0x200, $0x38;
	[tilespmem:$0x4000] =	vst v63  }
0x3f: {  	_ =	swait.ge [sflag:s6], $0x200  }
0x40: {  	[sflag:s6] =	ssyncset.done $0x0  }
0x41: {  	s14 =	simm.s32 $0x1400;
	[sflag:s6] =	ssyncadd.s32 $0xFFFFFE00  }
0x42: {  	[tilespmem:s14], [sflag:$0x1] =	stream.linear.gather [hbm4b:s31+s1], $0x200, $0x38;
	[tilespmem:$0x4000] =	vst v63  }
0x43: {  	_ =	swait.ge [sflag:s6], $0x200  }
0x44: {  	[sflag:s6] =	ssyncset.done $0x0  }
0x45: {  	s12 =	simm.s32 $0x1600;
	[sflag:s6] =	ssyncadd.s32 $0xFFFFFE00  }
0x46: {  	[tilespmem:s12], [sflag:$0x1] =	stream.linear.gather [hbm4b:s20+s1], $0x200, $0x38;
	[tilespmem:$0x4000] =	vst v63  }
0x47: {  	_ =	swait.ge [sflag:s6], $0x200  }
0x48: {  	[sflag:s6] =	ssyncset.done $0x0  }
0x49: {  	s13 =	simm.s32 $0x1800;
	[sflag:s6] =	ssyncadd.s32 $0xFFFFFE00  }
0x4a: {  	[tilespmem:s13], [sflag:$0x1] =	stream.linear.gather [hbm4b:s0+s1], $0x200, $0x38;
	[tilespmem:$0x4000] =	vst v63  }
0x4b: {  	_ =	swait.ge [sflag:s6], $0x200  }
0x4c: {  	[sflag:s6] =	ssyncset.done $0x0  }
0x4d: {  	s14 =	simm.s32 $0x1A00;
	[sflag:s6] =	ssyncadd.s32 $0xFFFFFE00  }
0x4e: {  	[tilespmem:s14], [sflag:$0x1] =	stream.linear.gather [hbm4b:s3+s1], $0x200, $0x38;
	[tilespmem:$0x4000] =	vst v63  }
0x4f: {  	_ =	swait.ge [sflag:s6], $0x200  }
0x50: {  	[sflag:s6] =	ssyncset.done $0x0  }
0x51: {  	s12 =	simm.s32 $0x1C00;
	[sflag:s6] =	ssyncadd.s32 $0xFFFFFE00  }
0x52: {  	[tilespmem:s12], [sflag:$0x1] =	stream.linear.gather [hbm4b:s4+s1], $0x200, $0x38;
	[tilespmem:$0x4000] =	vst v63  }
0x53: {  	_ =	swait.ge [sflag:s6], $0x200  }
0x54: {  	[sflag:s6] =	ssyncset.done $0x0  }
0x55: {  	s13 =	simm.s32 $0x1E00;
	[sflag:s6] =	ssyncadd.s32 $0xFFFFFE00  }
0x56: {  	[tilespmem:s13], [sflag:$0x1] =	stream.linear.gather [hbm4b:s5+s1], $0x200, $0x38;
	[tilespmem:$0x4000] =	vst v63  }
0x57: {  	_ =	swait.ge [sflag:s6], $0x200  }
0x58: {  	[sflag:s6] =	ssyncset.done $0x0  }
0x59: {  	[sflag:s6] =	ssyncadd.s32 $0xFFFFFE00  }
0x5a: {  	v3 =	vld [tilespmem:s10+$0xFFFFF800]  }
0x5b: {  	v4 =	vld [tilespmem:s10+$0xFFFFFA00]  }
0x5c: {  	v5 =	vld [tilespmem:s10+$0xFFFFFC00]  }
0x5d: {  	v6 =	vld [tilespmem:s10+$0xFFFFFE00]  }
0x5e: {  	v7 =	vld [tilespmem:s10+$0x0]  }
0x5f: {  	v8 =	vld [tilespmem:s10+$0x200]  }
0x60: {  	v9 =	vld [tilespmem:s10+$0x400];
	v1 =	vmax.f32 v3, v4  }
0x61: {  	s14 =	sand.u32 $0x1F0, s1;
	v10 =	vld [tilespmem:s10+$0x600];
	v1 =	vmax.f32 v1, v5  }
0x62: {  	v11 =	vld [tilespmem:s14+$0x1000];
	v1 =	vmax.f32 v1, v6  }
0x63: {  	v12 =	vld [tilespmem:s14+$0x1200];
	v1 =	vmax.f32 v1, v7  }
0x64: {  	v13 =	vld [tilespmem:s14+$0x1400];
	v1 =	vmax.f32 v1, v8  }
0x65: {  	v14 =	vld [tilespmem:s14+$0x1600];
	v1 =	vmax.f32 v1, v9  }
0x66: {  	v15 =	vld [tilespmem:s14+$0x1800];
	v1 =	vmax.f32 v1, v10  }
0x67: {  	v16 =	vld [tilespmem:s14+$0x1A00];
	v1 =	vmax.f32 v1, v11  }
0x68: {  	v17 =	vld [tilespmem:s14+$0x1C00];
	v1 =	vmax.f32 v1, v12  }
0x69: {  	v18 =	vld [tilespmem:s14+$0x1E00];
	v1 =	vmax.f32 v1, v13  }
0x6a: {  	v1 =	vmax.f32 v1, v14  }
0x6b: {  	v1 =	vmax.f32 v1, v15  }
0x6c: {  	v1 =	vmax.f32 v1, v16  }
0x6d: {  	v1 =	vmax.f32 v1, v17  }
0x6e: {  	v1 =	vmax.f32 v1, v18  }
0x6f: {  	vm0 =	veq.f32 v17, v1  }
0x70: {  	vm11 =	veq.f32 v16, v1;
	v2 =	vsel vm0, $0xE, v0  }
0x71: {  	vm12 =	veq.f32 v15, v1;
	v2 =	vsel vm11, $0xD, v2  }
0x72: {  	vm13 =	veq.f32 v14, v1;
	v2 =	vsel vm12, $0xC, v2  }
0x73: {  	vm14 =	veq.f32 v13, v1;
	v2 =	vsel vm13, $0xB, v2  }
0x74: {  	vm15 =	veq.f32 v12, v1;
	v2 =	vsel vm14, $0xA, v2  }
0x75: {  	vm4 =	veq.f32 v11, v1;
	v2 =	vsel vm15, $0x9, v2  }
0x76: {  	vm1 =	veq.f32 v10, v1;
	v2 =	vsel vm4, $0x8, v2  }
0x77: {  	vm5 =	veq.f32 v9, v1;
	v2 =	vsel vm1, $0x7, v2  }
0x78: {  	vm6 =	veq.f32 v8, v1;
	v2 =	vsel vm5, $0x6, v2  }
0x79: {  	vm7 =	veq.f32 v7, v1;
	v2 =	vsel vm6, $0x5, v2  }
0x7a: {  	vm8 =	veq.f32 v6, v1;
	v2 =	vsel vm7, $0x4, v2  }
0x7b: {  	vm9 =	veq.f32 v5, v1;
	v2 =	vsel vm8, $0x3, v2  }
0x7c: {  	vm10 =	veq.f32 v4, v1;
	v2 =	vsel vm9, $0x2, v2  }
0x7d: {  	vm11 =	veq.f32 v3, v1;
	v2 =	vsel vm10, $0x1, v2  }
0x7e: {  	v2 =	vsel vm11, $0x0, v2  }
0x7f: {  	vm0 =	veq.s32 v2, $0x0;
	vm12 =	veq.s32 v2, $0x1  }
0x80: {  	vm2 =	veq.s32 v2, $0x2;
	v19 =	vsel vm0, $0xFF800000, v3;
	v4 =	vsel vm12, $0xFF800000, v4  }
0x81: {  	vm13 =	veq.s32 v2, $0x3;
	v20 =	vsel vm2, $0xFF800000, v5;
	v3 =	vmax.f32 v19, v4  }
0x82: {  	vm14 =	veq.s32 v2, $0x4;
	v6 =	vsel vm13, $0xFF800000, v6;
	v3 =	vmax.f32 v3, v20  }
0x83: {  	vm15 =	veq.s32 v2, $0x5;
	v7 =	vsel vm14, $0xFF800000, v7;
	v3 =	vmax.f32 v3, v6  }
0x84: {  	vm4 =	veq.s32 v2, $0x6;
	v8 =	vsel vm15, $0xFF800000, v8;
	v3 =	vmax.f32 v3, v7  }
0x85: {  	vm5 =	veq.s32 v2, $0x7;
	v9 =	vsel vm4, $0xFF800000, v9;
	v3 =	vmax.f32 v3, v8  }
0x86: {  	vm6 =	veq.s32 v2, $0x8;
	v10 =	vsel vm5, $0xFF800000, v10;
	v3 =	vmax.f32 v3, v9  }
0x87: {  	vm7 =	veq.s32 v2, $0x9;
	v11 =	vsel vm6, $0xFF800000, v11;
	v3 =	vmax.f32 v3, v10  }
0x88: {  	vm8 =	veq.s32 v2, $0xA;
	v12 =	vsel vm7, $0xFF800000, v12;
	v3 =	vmax.f32 v3, v11  }
0x89: {  	vm9 =	veq.s32 v2, $0xB;
	v13 =	vsel vm8, $0xFF800000, v13;
	v3 =	vmax.f32 v3, v12  }
0x8a: {  	vm10 =	veq.s32 v2, $0xC;
	v14 =	vsel vm9, $0xFF800000, v14;
	v3 =	vmax.f32 v3, v13  }
0x8b: {  	vm11 =	veq.s32 v2, $0xD;
	v15 =	vsel vm10, $0xFF800000, v15;
	v3 =	vmax.f32 v3, v14  }
0x8c: {  	vm12 =	veq.s32 v2, $0xE;
	v16 =	vsel vm11, $0xFF800000, v16;
	v3 =	vmax.f32 v3, v15  }
0x8d: {  	vm13 =	veq.s32 v2, $0xF;
	v17 =	vsel vm12, $0xFF800000, v17;
	v3 =	vmax.f32 v3, v16  }
0x8e: {  	v18 =	vsel vm13, $0xFF800000, v18;
	v3 =	vmax.f32 v3, v17  }
0x8f: {  	v35 =	vmax.f32 v3, v18  }
0x90: {  	vm14 =	veq.f32 v17, v35  }
0x91: {  	vm15 =	veq.f32 v16, v35;
	v3 =	vsel vm14, $0xE, v0  }
0x92: {  	vm4 =	veq.f32 v15, v35;
	v3 =	vsel vm15, $0xD, v3  }
0x93: {  	vm5 =	veq.f32 v14, v35;
	v3 =	vsel vm4, $0xC, v3  }
0x94: {  	vm6 =	veq.f32 v13, v35;
	v3 =	vsel vm5, $0xB, v3  }
0x95: {  	vm7 =	veq.f32 v12, v35;
	v3 =	vsel vm6, $0xA, v3  }
0x96: {  	vm8 =	veq.f32 v11, v35;
	v3 =	vsel vm7, $0x9, v3  }
0x97: {  	vm9 =	veq.f32 v10, v35;
	v3 =	vsel vm8, $0x8, v3  }
0x98: {  	vm10 =	veq.f32 v9, v35;
	v3 =	vsel vm9, $0x7, v3  }
0x99: {  	vm11 =	veq.f32 v8, v35;
	v3 =	vsel vm10, $0x6, v3  }
0x9a: {  	vm12 =	veq.f32 v7, v35;
	v3 =	vsel vm11, $0x5, v3  }
0x9b: {  	vm13 =	veq.f32 v6, v35;
	v3 =	vsel vm12, $0x4, v3  }
0x9c: {  	vm14 =	veq.f32 v20, v35;
	v3 =	vsel vm13, $0x3, v3  }
0x9d: {  	vm15 =	veq.f32 v4, v35;
	v3 =	vsel vm14, $0x2, v3  }
0x9e: {  	vm4 =	veq.f32 v19, v35;
	v3 =	vsel vm15, $0x1, v3  }
0x9f: {  	v3 =	vsel vm4, $0x0, v3  }
0xa0: {  	vm0 =	veq.s32 v3, $0x0;
	vm5 =	veq.s32 v3, $0x1  }
0xa1: {  	vm6 =	veq.s32 v3, $0x2;
	v19 =	vsel vm0, $0xFF800000, v19;
	v21 =	vsel vm5, $0xFF800000, v4  }
0xa2: {  	vm7 =	veq.s32 v3, $0x3;
	v20 =	vsel vm6, $0xFF800000, v20;
	v4 =	vmax.f32 v19, v21  }
0xa3: {  	vm8 =	veq.s32 v3, $0x4;
	v6 =	vsel vm7, $0xFF800000, v6;
	v4 =	vmax.f32 v4, v20  }
0xa4: {  	vm9 =	veq.s32 v3, $0x5;
	v22 =	vsel vm8, $0xFF800000, v7;
	v4 =	vmax.f32 v4, v6  }
0xa5: {  	vm10 =	veq.s32 v3, $0x6;
	v8 =	vsel vm9, $0xFF800000, v8;
	v4 =	vmax.f32 v4, v22  }
0xa6: {  	vm11 =	veq.s32 v3, $0x7;
	v9 =	vsel vm10, $0xFF800000, v9;
	v4 =	vmax.f32 v4, v8  }
0xa7: {  	vm12 =	veq.s32 v3, $0x8;
	v10 =	vsel vm11, $0xFF800000, v10;
	v4 =	vmax.f32 v4, v9  }
0xa8: {  	vm13 =	veq.s32 v3, $0x9;
	v11 =	vsel vm12, $0xFF800000, v11;
	v4 =	vmax.f32 v4, v10  }
0xa9: {  	vm14 =	veq.s32 v3, $0xA;
	v12 =	vsel vm13, $0xFF800000, v12;
	v4 =	vmax.f32 v4, v11  }
0xaa: {  	vm15 =	veq.s32 v3, $0xB;
	v13 =	vsel vm14, $0xFF800000, v13;
	v4 =	vmax.f32 v4, v12  }
0xab: {  	vm4 =	veq.s32 v3, $0xC;
	v14 =	vsel vm15, $0xFF800000, v14;
	v4 =	vmax.f32 v4, v13  }
0xac: {  	vm5 =	veq.s32 v3, $0xD;
	v15 =	vsel vm4, $0xFF800000, v15;
	v4 =	vmax.f32 v4, v14  }
0xad: {  	vm6 =	veq.s32 v3, $0xE;
	v16 =	vsel vm5, $0xFF800000, v16;
	v4 =	vmax.f32 v4, v15  }
0xae: {  	vm7 =	veq.s32 v3, $0xF;
	v17 =	vsel vm6, $0xFF800000, v17;
	v4 =	vmax.f32 v4, v16  }
0xaf: {  	v18 =	vsel vm7, $0xFF800000, v18;
	v4 =	vmax.f32 v4, v17  }
0xb0: {  	v36 =	vmax.f32 v4, v18  }
0xb1: {  	vm8 =	veq.f32 v17, v36  }
0xb2: {  	vm9 =	veq.f32 v16, v36;
	v37 =	vsel vm8, $0xE, v0  }
0xb3: {  	vm10 =	veq.f32 v15, v36;
	v4 =	vsel vm9, $0xD, v37  }
0xb4: {  	vm11 =	veq.f32 v14, v36;
	v4 =	vsel vm10, $0xC, v4  }
0xb5: {  	vm12 =	veq.f32 v13, v36;
	v4 =	vsel vm11, $0xB, v4  }
0xb6: {  	vm13 =	veq.f32 v12, v36;
	v4 =	vsel vm12, $0xA, v4  }
0xb7: {  	vm14 =	veq.f32 v11, v36;
	v4 =	vsel vm13, $0x9, v4  }
0xb8: {  	vm15 =	veq.f32 v10, v36;
	v4 =	vsel vm14, $0x8, v4  }
0xb9: {  	vm4 =	veq.f32 v9, v36;
	v4 =	vsel vm15, $0x7, v4  }
0xba: {  	vm5 =	veq.f32 v8, v36;
	v4 =	vsel vm4, $0x6, v4  }
0xbb: {  	vm6 =	veq.f32 v22, v36;
	v4 =	vsel vm5, $0x5, v4  }
0xbc: {  	vm7 =	veq.f32 v6, v36;
	v4 =	vsel vm6, $0x4, v4  }
0xbd: {  	vm8 =	veq.f32 v20, v36;
	v4 =	vsel vm7, $0x3, v4  }
0xbe: {  	vm9 =	veq.f32 v21, v36;
	v4 =	vsel vm8, $0x2, v4  }
0xbf: {  	vm10 =	veq.f32 v19, v36;
	v4 =	vsel vm9, $0x1, v4  }
0xc0: {  	v4 =	vsel vm10, $0x0, v4  }
0xc1: {  	vm0 =	veq.s32 v4, $0x0;
	vm11 =	veq.s32 v4, $0x1  }
0xc2: {  	vm12 =	veq.s32 v4, $0x2;
	v19 =	vsel vm0, $0xFF800000, v19;
	v21 =	vsel vm11, $0xFF800000, v21  }
0xc3: {  	vm13 =	veq.s32 v4, $0x3;
	v20 =	vsel vm12, $0xFF800000, v20;
	v23 =	vmax.f32 v19, v21  }
0xc4: {  	vm14 =	veq.s32 v4, $0x4;
	v24 =	vsel vm13, $0xFF800000, v6;
	v38 =	vmax.f32 v23, v20  }
0xc5: {  	vm15 =	veq.s32 v4, $0x5;
	v22 =	vsel vm14, $0xFF800000, v22;
	v6 =	vmax.f32 v38, v24  }
0xc6: {  	vm4 =	veq.s32 v4, $0x6;
	v8 =	vsel vm15, $0xFF800000, v8;
	v6 =	vmax.f32 v6, v22  }
0xc7: {  	vm5 =	veq.s32 v4, $0x7;
	v39 =	vsel vm4, $0xFF800000, v9;
	v6 =	vmax.f32 v6, v8  }
0xc8: {  	vm6 =	veq.s32 v4, $0x8;
	v10 =	vsel vm5, $0xFF800000, v10;
	v6 =	vmax.f32 v6, v39  }
0xc9: {  	vm7 =	veq.s32 v4, $0x9;
	v11 =	vsel vm6, $0xFF800000, v11;
	v6 =	vmax.f32 v6, v10  }
0xca: {  	vm8 =	veq.s32 v4, $0xA;
	v12 =	vsel vm7, $0xFF800000, v12;
	v6 =	vmax.f32 v6, v11  }
0xcb: {  	vm9 =	veq.s32 v4, $0xB;
	v13 =	vsel vm8, $0xFF800000, v13;
	v6 =	vmax.f32 v6, v12  }
0xcc: {  	vm10 =	veq.s32 v4, $0xC;
	v14 =	vsel vm9, $0xFF800000, v14;
	v6 =	vmax.f32 v6, v13  }
0xcd: {  	vm11 =	veq.s32 v4, $0xD;
	v15 =	vsel vm10, $0xFF800000, v15;
	v6 =	vmax.f32 v6, v14  }
0xce: {  	vm12 =	veq.s32 v4, $0xE;
	v16 =	vsel vm11, $0xFF800000, v16;
	v6 =	vmax.f32 v6, v15  }
0xcf: {  	vm13 =	veq.s32 v4, $0xF;
	v17 =	vsel vm12, $0xFF800000, v17;
	v6 =	vmax.f32 v6, v16  }
0xd0: {  	v18 =	vsel vm13, $0xFF800000, v18;
	v6 =	vmax.f32 v6, v17  }
0xd1: {  	v40 =	vmax.f32 v6, v18  }
0xd2: {  	vm14 =	veq.f32 v17, v40  }
0xd3: {  	vm15 =	veq.f32 v16, v40;
	v41 =	vsel vm14, $0xE, v0  }
0xd4: {  	vm4 =	veq.f32 v15, v40;
	v6 =	vsel vm15, $0xD, v41  }
0xd5: {  	vm5 =	veq.f32 v14, v40;
	v6 =	vsel vm4, $0xC, v6  }
0xd6: {  	vm6 =	veq.f32 v13, v40;
	v6 =	vsel vm5, $0xB, v6  }
0xd7: {  	vm7 =	veq.f32 v12, v40;
	v6 =	vsel vm6, $0xA, v6  }
0xd8: {  	vm8 =	veq.f32 v11, v40;
	v6 =	vsel vm7, $0x9, v6  }
0xd9: {  	vm9 =	veq.f32 v10, v40;
	v6 =	vsel vm8, $0x8, v6  }
0xda: {  	vm10 =	veq.f32 v39, v40;
	v6 =	vsel vm9, $0x7, v6  }
0xdb: {  	vm11 =	veq.f32 v8, v40;
	v6 =	vsel vm10, $0x6, v6  }
0xdc: {  	vm12 =	veq.f32 v22, v40;
	v6 =	vsel vm11, $0x5, v6  }
0xdd: {  	vm13 =	veq.f32 v24, v40;
	v6 =	vsel vm12, $0x4, v6  }
0xde: {  	vm14 =	veq.f32 v20, v40;
	v6 =	vsel vm13, $0x3, v6  }
0xdf: {  	vm15 =	veq.f32 v21, v40;
	v6 =	vsel vm14, $0x2, v6  }
0xe0: {  	vm4 =	veq.f32 v19, v40;
	v6 =	vsel vm15, $0x1, v6  }
0xe1: {  	v6 =	vsel vm4, $0x0, v6  }
0xe2: {  	vm0 =	veq.s32 v6, $0x0;
	vm5 =	veq.s32 v6, $0x1  }
0xe3: {  	vm6 =	veq.s32 v6, $0x2;
	v19 =	vsel vm0, $0xFF800000, v19;
	v21 =	vsel vm5, $0xFF800000, v21  }
0xe4: {  	vm7 =	veq.s32 v6, $0x3;
	v20 =	vsel vm6, $0xFF800000, v20;
	v25 =	vmax.f32 v19, v21  }
0xe5: {  	vm8 =	veq.s32 v6, $0x4;
	v24 =	vsel vm7, $0xFF800000, v24;
	v25 =	vmax.f32 v25, v20  }
0xe6: {  	vm9 =	veq.s32 v6, $0x5;
	v22 =	vsel vm8, $0xFF800000, v22;
	v25 =	vmax.f32 v25, v24  }
0xe7: {  	vm10 =	veq.s32 v6, $0x6;
	v26 =	vsel vm9, $0xFF800000, v8;
	v42 =	vmax.f32 v25, v22  }
0xe8: {  	vm11 =	veq.s32 v6, $0x7;
	v23 =	vsel vm10, $0xFF800000, v39;
	v8 =	vmax.f32 v42, v26  }
0xe9: {  	vm12 =	veq.s32 v6, $0x8;
	v10 =	vsel vm11, $0xFF800000, v10;
	v8 =	vmax.f32 v8, v23  }
0xea: {  	vm13 =	veq.s32 v6, $0x9;
	v43 =	vsel vm12, $0xFF800000, v11;
	v8 =	vmax.f32 v8, v10  }
0xeb: {  	vm14 =	veq.s32 v6, $0xA;
	v12 =	vsel vm13, $0xFF800000, v12;
	v8 =	vmax.f32 v8, v43  }
0xec: {  	vm15 =	veq.s32 v6, $0xB;
	v13 =	vsel vm14, $0xFF800000, v13;
	v8 =	vmax.f32 v8, v12  }
0xed: {  	vm4 =	veq.s32 v6, $0xC;
	v14 =	vsel vm15, $0xFF800000, v14;
	v8 =	vmax.f32 v8, v13  }
0xee: {  	vm5 =	veq.s32 v6, $0xD;
	v15 =	vsel vm4, $0xFF800000, v15;
	v8 =	vmax.f32 v8, v14  }
0xef: {  	vm6 =	veq.s32 v6, $0xE;
	v16 =	vsel vm5, $0xFF800000, v16;
	v8 =	vmax.f32 v8, v15  }
0xf0: {  	vm7 =	veq.s32 v6, $0xF;
	v17 =	vsel vm6, $0xFF800000, v17;
	v8 =	vmax.f32 v8, v16  }
0xf1: {  	v18 =	vsel vm7, $0xFF800000, v18;
	v8 =	vmax.f32 v8, v17  }
0xf2: {  	v44 =	vmax.f32 v8, v18  }
0xf3: {  	vm8 =	veq.f32 v17, v44  }
0xf4: {  	vm9 =	veq.f32 v16, v44;
	v45 =	vsel vm8, $0xE, v0  }
0xf5: {  	vm10 =	veq.f32 v15, v44;
	v8 =	vsel vm9, $0xD, v45  }
0xf6: {  	vm11 =	veq.f32 v14, v44;
	v8 =	vsel vm10, $0xC, v8  }
0xf7: {  	vm12 =	veq.f32 v13, v44;
	v8 =	vsel vm11, $0xB, v8  }
0xf8: {  	vm13 =	veq.f32 v12, v44;
	v8 =	vsel vm12, $0xA, v8  }
0xf9: {  	vm14 =	veq.f32 v43, v44;
	v8 =	vsel vm13, $0x9, v8  }
0xfa: {  	vm15 =	veq.f32 v10, v44;
	v8 =	vsel vm14, $0x8, v8  }
0xfb: {  	vm4 =	veq.f32 v23, v44;
	v8 =	vsel vm15, $0x7, v8  }
0xfc: {  	vm5 =	veq.f32 v26, v44;
	v8 =	vsel vm4, $0x6, v8  }
0xfd: {  	vm6 =	veq.f32 v22, v44;
	v8 =	vsel vm5, $0x5, v8  }
0xfe: {  	vm7 =	veq.f32 v24, v44;
	v8 =	vsel vm6, $0x4, v8  }
0xff: {  	vm8 =	veq.f32 v20, v44;
	v8 =	vsel vm7, $0x3, v8  }
0x100: {  	vm9 =	veq.f32 v21, v44;
	v8 =	vsel vm8, $0x2, v8  }
0x101: {  	vm10 =	veq.f32 v19, v44;
	v8 =	vsel vm9, $0x1, v8  }
0x102: {  	v8 =	vsel vm10, $0x0, v8  }
0x103: {  	vm0 =	veq.s32 v8, $0x0;
	vm11 =	veq.s32 v8, $0x1  }
0x104: {  	vm12 =	veq.s32 v8, $0x2;
	v19 =	vsel vm0, $0xFF800000, v19;
	v21 =	vsel vm11, $0xFF800000, v21  }
0x105: {  	vm13 =	veq.s32 v8, $0x3;
	v20 =	vsel vm12, $0xFF800000, v20;
	v27 =	vmax.f32 v19, v21  }
0x106: {  	vm14 =	veq.s32 v8, $0x4;
	v24 =	vsel vm13, $0xFF800000, v24;
	v27 =	vmax.f32 v27, v20  }
0x107: {  	vm15 =	veq.s32 v8, $0x5;
	v22 =	vsel vm14, $0xFF800000, v22;
	v27 =	vmax.f32 v27, v24  }
0x108: {  	vm4 =	veq.s32 v8, $0x6;
	v26 =	vsel vm15, $0xFF800000, v26;
	v27 =	vmax.f32 v27, v22  }
0x109: {  	vm5 =	veq.s32 v8, $0x7;
	v23 =	vsel vm4, $0xFF800000, v23;
	v27 =	vmax.f32 v27, v26  }
0x10a: {  	vm6 =	veq.s32 v8, $0x8;
	v28 =	vsel vm5, $0xFF800000, v10;
	v46 =	vmax.f32 v27, v23  }
0x10b: {  	vm7 =	veq.s32 v8, $0x9;
	v25 =	vsel vm6, $0xFF800000, v43;
	v10 =	vmax.f32 v46, v28  }
0x10c: {  	vm8 =	veq.s32 v8, $0xA;
	v12 =	vsel vm7, $0xFF800000, v12;
	v10 =	vmax.f32 v10, v25  }
0x10d: {  	vm9 =	veq.s32 v8, $0xB;
	v13 =	vsel vm8, $0xFF800000, v13;
	v10 =	vmax.f32 v10, v12  }
0x10e: {  	vm10 =	veq.s32 v8, $0xC;
	v14 =	vsel vm9, $0xFF800000, v14;
	v10 =	vmax.f32 v10, v13  }
0x10f: {  	vm11 =	veq.s32 v8, $0xD;
	v15 =	vsel vm10, $0xFF800000, v15;
	v10 =	vmax.f32 v10, v14  }
0x110: {  	vm12 =	veq.s32 v8, $0xE;
	v16 =	vsel vm11, $0xFF800000, v16;
	v10 =	vmax.f32 v10, v15  }
0x111: {  	vm13 =	veq.s32 v8, $0xF;
	v17 =	vsel vm12, $0xFF800000, v17;
	v10 =	vmax.f32 v10, v16  }
0x112: {  	v18 =	vsel vm13, $0xFF800000, v18;
	v10 =	vmax.f32 v10, v17  }
0x113: {  	v47 =	vmax.f32 v10, v18  }
0x114: {  	vm14 =	veq.f32 v17, v47  }
0x115: {  	vm15 =	veq.f32 v16, v47;
	v48 =	vsel vm14, $0xE, v0  }
0x116: {  	vm4 =	veq.f32 v15, v47;
	v10 =	vsel vm15, $0xD, v48  }
0x117: {  	vm5 =	veq.f32 v14, v47;
	v10 =	vsel vm4, $0xC, v10  }
0x118: {  	vm6 =	veq.f32 v13, v47;
	v10 =	vsel vm5, $0xB, v10  }
0x119: {  	vm7 =	veq.f32 v12, v47;
	v10 =	vsel vm6, $0xA, v10  }
0x11a: {  	vm8 =	veq.f32 v25, v47;
	v10 =	vsel vm7, $0x9, v10  }
0x11b: {  	vm9 =	veq.f32 v28, v47;
	v10 =	vsel vm8, $0x8, v10  }
0x11c: {  	vm10 =	veq.f32 v23, v47;
	v10 =	vsel vm9, $0x7, v10  }
0x11d: {  	vm11 =	veq.f32 v26, v47;
	v10 =	vsel vm10, $0x6, v10  }
0x11e: {  	vm12 =	veq.f32 v22, v47;
	v10 =	vsel vm11, $0x5, v10  }
0x11f: {  	vm13 =	veq.f32 v24, v47;
	v10 =	vsel vm12, $0x4, v10  }
0x120: {  	vm14 =	veq.f32 v20, v47;
	v10 =	vsel vm13, $0x3, v10  }
0x121: {  	vm15 =	veq.f32 v21, v47;
	v10 =	vsel vm14, $0x2, v10  }
0x122: {  	vm4 =	veq.f32 v19, v47;
	v10 =	vsel vm15, $0x1, v10  }
0x123: {  	v10 =	vsel vm4, $0x0, v10  }
0x124: {  	vm0 =	veq.s32 v10, $0x0;
	vm5 =	veq.s32 v10, $0x1  }
0x125: {  	vm6 =	veq.s32 v10, $0x2;
	v19 =	vsel vm0, $0xFF800000, v19;
	v21 =	vsel vm5, $0xFF800000, v21  }
0x126: {  	vm7 =	veq.s32 v10, $0x3;
	v20 =	vsel vm6, $0xFF800000, v20;
	v29 =	vmax.f32 v19, v21  }
0x127: {  	vm8 =	veq.s32 v10, $0x4;
	v24 =	vsel vm7, $0xFF800000, v24;
	v29 =	vmax.f32 v29, v20  }
0x128: {  	vm9 =	veq.s32 v10, $0x5;
	v22 =	vsel vm8, $0xFF800000, v22;
	v29 =	vmax.f32 v29, v24  }
0x129: {  	vm10 =	veq.s32 v10, $0x6;
	v26 =	vsel vm9, $0xFF800000, v26;
	v29 =	vmax.f32 v29, v22  }
0x12a: {  	vm11 =	veq.s32 v10, $0x7;
	v23 =	vsel vm10, $0xFF800000, v23;
	v29 =	vmax.f32 v29, v26  }
0x12b: {  	vm12 =	veq.s32 v10, $0x8;
	v28 =	vsel vm11, $0xFF800000, v28;
	v29 =	vmax.f32 v29, v23  }
0x12c: {  	vm13 =	veq.s32 v10, $0x9;
	v25 =	vsel vm12, $0xFF800000, v25;
	v29 =	vmax.f32 v29, v28  }
0x12d: {  	vm14 =	veq.s32 v10, $0xA;
	v12 =	vsel vm13, $0xFF800000, v12;
	v29 =	vmax.f32 v29, v25  }
0x12e: {  	vm15 =	veq.s32 v10, $0xB;
	v13 =	vsel vm14, $0xFF800000, v13;
	v29 =	vmax.f32 v29, v12  }
0x12f: {  	vm4 =	veq.s32 v10, $0xC;
	v14 =	vsel vm15, $0xFF800000, v14;
	v29 =	vmax.f32 v29, v13  }
0x130: {  	vm5 =	veq.s32 v10, $0xD;
	v15 =	vsel vm4, $0xFF800000, v15;
	v29 =	vmax.f32 v29, v14  }
0x131: {  	vm6 =	veq.s32 v10, $0xE;
	v16 =	vsel vm5, $0xFF800000, v16;
	v29 =	vmax.f32 v29, v15  }
0x132: {  	vm7 =	veq.s32 v10, $0xF;
	v17 =	vsel vm6, $0xFF800000, v17;
	v29 =	vmax.f32 v29, v16  }
0x133: {  	v18 =	vsel vm7, $0xFF800000, v18;
	v29 =	vmax.f32 v29, v17  }
0x134: {  	v29 =	vmax.f32 v29, v18  }
0x135: {  	vm8 =	veq.f32 v17, v29  }
0x136: {  	vm9 =	veq.f32 v16, v29;
	v30 =	vsel vm8, $0xE, v0  }
0x137: {  	vm10 =	veq.f32 v15, v29;
	v30 =	vsel vm9, $0xD, v30  }
0x138: {  	vm11 =	veq.f32 v14, v29;
	v30 =	vsel vm10, $0xC, v30  }
0x139: {  	v31 =	vsub.f32 v1, v1;
	vm12 =	veq.f32 v13, v29;
	v30 =	vsel vm11, $0xB, v30  }
0x13a: {  	vm13 =	veq.f32 v12, v29;
	v30 =	vsel vm12, $0xA, v30  }
0x13b: {  	v31 =	vmul.f32 $1.442695020e+00, v31;
	vm14 =	veq.f32 v25, v29;
	v30 =	vsel vm13, $0x9, v30  }
0x13c: {  	vm15 =	veq.f32 v28, v29;
	v30 =	vsel vm14, $0x8, v30  }
0x13d: {  	(erf) = vpow2.f32 v31;
	vm4 =	veq.f32 v23, v29;
	v30 =	vsel vm15, $0x7, v30  }
0x13e: {  	v5 =	vsub.f32 v35, v1;
	vm5 =	veq.f32 v26, v29;
	v30 =	vsel vm4, $0x6, v30  }
0x13f: {  	v7 =	vsub.f32 v36, v1;
	vm6 =	veq.f32 v22, v29;
	v30 =	vsel vm5, $0x5, v30  }
0x140: {  	v5 =	vmul.f32 $1.442695020e+00, v5;
	vm7 =	veq.f32 v24, v29;
	v30 =	vsel vm6, $0x4, v30  }
0x141: {  	v7 =	vmul.f32 $1.442695020e+00, v7;
	vm8 =	veq.f32 v20, v29;
	v30 =	vsel vm7, $0x3, v30  }
0x142: {  	v9 =	vsub.f32 v40, v1;
	vm9 =	veq.f32 v21, v29;
	v30 =	vsel vm8, $0x2, v30  }
0x143: {  	(erf) = vpow2.f32 v5;
	vm10 =	veq.f32 v19, v29;
	v30 =	vsel vm9, $0x1, v30  }
0x144: {  	(erf) = vpow2.f32 v7;
	v9 =	vmul.f32 $1.442695020e+00, v9;
	v49 =	vsel vm10, $0x0, v30  }
0x145: {  	v11 =	vsub.f32 v44, v1;
	vm0 =	veq.s32 v49, $0x0;
	vm11 =	veq.s32 v49, $0x1  }
0x146: {  	vm12 =	veq.s32 v49, $0x2;
	v50 =	vsel vm0, $0xFF800000, v19;
	v51 =	vsel vm11, $0xFF800000, v21  }
0x147: {  	vm13 =	veq.s32 v49, $0x3;
	v20 =	vsel vm12, $0xFF800000, v20;
	v21 =	vmax.f32 v50, v51  }
0x148: {  	vm14 =	veq.s32 v49, $0x4;
	v24 =	vsel vm13, $0xFF800000, v24;
	v21 =	vmax.f32 v21, v20  }
0x149: {  	vm15 =	veq.s32 v49, $0x5;
	v22 =	vsel vm14, $0xFF800000, v22;
	v21 =	vmax.f32 v21, v24  }
0x14a: {  	vm4 =	veq.s32 v49, $0x6;
	v26 =	vsel vm15, $0xFF800000, v26;
	v21 =	vmax.f32 v21, v22  }
0x14b: {  	vm5 =	veq.s32 v49, $0x7;
	v23 =	vsel vm4, $0xFF800000, v23;
	v21 =	vmax.f32 v21, v26  }
0x14c: {  	vm6 =	veq.s32 v49, $0x8;
	v28 =	vsel vm5, $0xFF800000, v28;
	v21 =	vmax.f32 v21, v23  }
0x14d: {  	vm7 =	veq.s32 v49, $0x9;
	v25 =	vsel vm6, $0xFF800000, v25;
	v21 =	vmax.f32 v21, v28  }
0x14e: {  	vm8 =	veq.s32 v49, $0xA;
	v12 =	vsel vm7, $0xFF800000, v12;
	v21 =	vmax.f32 v21, v25  }
0x14f: {  	vm9 =	veq.s32 v49, $0xB;
	v13 =	vsel vm8, $0xFF800000, v13;
	v21 =	vmax.f32 v21, v12  }
0x150: {  	vm10 =	veq.s32 v49, $0xC;
	v14 =	vsel vm9, $0xFF800000, v14;
	v21 =	vmax.f32 v21, v13  }
0x151: {  	v15 =	vsel vm10, $0xFF800000, v15;
	vm11 =	veq.s32 v49, $0xD;
	v21 =	vmax.f32 v21, v14  }
0x152: {  	vm12 =	veq.s32 v49, $0xE;
	v16 =	vsel vm11, $0xFF800000, v16;
	v21 =	vmax.f32 v21, v15  }
0x153: {  	v11 =	vmul.f32 $1.442695020e+00, v11;
	v17 =	vsel vm12, $0xFF800000, v17;
	v21 =	vmax.f32 v21, v16  }
0x154: {  	(erf) = vpow2.f32 v9;
	v27 =	vsub.f32 v47, v1;
	v21 =	vmax.f32 v21, v17  }
0x155: {  	(erf) = vpow2.f32 v11;
	vm13 =	veq.s32 v49, $0xF;
	v54 =	vmax.f32 v21, v18  }
0x156: {  	v52 =	vmul.f32 $1.442695020e+00, v27;
	v53 =	vsub.f32 v29, v1;
	v11 =	vsel vm13, v21, v54  }
0x157: {  	v1 =	vsub.f32 v11, v1  }
0x158: {  	v56 =	vpop (erf);
	(erf) = vpow2.f32 v52;
	v55 =	vmul.f32 $1.442695020e+00, v53  }
0x159: {  	v57 =	vpop (erf);
	v1 =	vmul.f32 $1.442695020e+00, v1  }
0x15a: {  	v58 =	vadd.f32 v57, v56;
	(erf) = vpow2.f32 v55  }
0x15b: {  	v59 =	vpop (erf)  }
0x15c: {  	v27 =	vadd.f32 v59, v58;
	(erf) = vpow2.f32 v1  }
0x15d: {  	v1 =	vpop (erf)  }
0x15e: {  	v27 =	vadd.f32 v1, v27  }
0x15f: {  	v60 =	vpop (erf)  }
0x160: {  	v27 =	vadd.f32 v60, v27  }
0x161: {  	v61 =	vpop (erf)  }
0x162: {  	v27 =	vadd.f32 v61, v27  }
0x163: {  	v62 =	vpop (erf)  }
0x164: {  	v27 =	vadd.f32 v62, v27  }
0x165: {  	v32 =	vpop (erf)  }
0x166: {  	v27 =	vadd.f32 v32, v27;
	_ =	sdelay $0x1  }
0x167: {  	(erf) = vrcp.f32 v27;
	_ =	sdelay $0x8  }
0x168: {  	v27 =	vpop (erf)  }
0x169: {  	v21 =	vmul.f32 v27, v56  }
0x16a: {  	vm0 =	veq.f32 v17, v11  }
0x16b: {  	vm14 =	veq.f32 v16, v11;
	v17 =	vsel vm0, $0xE, v0;
	v9 =	vmul.f32 v27, v57;
	[tilespmem:s7+$0xFFFFF800] =	vst v21  }
0x16c: {  	vm15 =	veq.f32 v15, v11;
	v16 =	vsel vm14, $0xD, v17;
	[tilespmem:s8+$0xFFFFF800] =	vst v2  }
0x16d: {  	vm4 =	veq.f32 v14, v11;
	v63 =	vmul.f32 v27, v59;
	v2 =	vsel vm15, $0xC, v16;
	[tilespmem:s7+$0xFFFFFA00] =	vst v9  }
0x16e: {  	vm5 =	veq.f32 v13, v11;
	v2 =	vsel vm4, $0xB, v2;
	[tilespmem:s8+$0xFFFFFA00] =	vst v3  }
0x16f: {  	vm6 =	veq.f32 v12, v11;
	v1 =	vmul.f32 v27, v1;
	v2 =	vsel vm5, $0xA, v2;
	[tilespmem:s7+$0xFFFFFC00] =	vst v63  }
0x170: {  	vm7 =	veq.f32 v25, v11;
	v2 =	vsel vm6, $0x9, v2;
	[tilespmem:s8+$0xFFFFFC00] =	vst v4  }
0x171: {  	vm8 =	veq.f32 v28, v11;
	v2 =	vsel vm7, $0x8, v2;
	[tilespmem:s7+$0xFFFFFE00] =	vst v1;
	v1 =	vmul.f32 v27, v60  }
0x172: {  	vm9 =	veq.f32 v23, v11;
	v2 =	vsel vm8, $0x7, v2;
	[tilespmem:s8+$0xFFFFFE00] =	vst v6  }
0x173: {  	vm10 =	veq.f32 v26, v11;
	v2 =	vsel vm9, $0x6, v2;
	[tilespmem:s7+$0x0] =	vst v1;
	v1 =	vmul.f32 v27, v61  }
0x174: {  	vm11 =	veq.f32 v22, v11;
	v2 =	vsel vm10, $0x5, v2;
	[tilespmem:s8+$0x0] =	vst v8  }
0x175: {  	vm12 =	veq.f32 v24, v11;
	v2 =	vsel vm11, $0x4, v2;
	[tilespmem:s7+$0x200] =	vst v1;
	v1 =	vmul.f32 v27, v62  }
0x176: {  	vm13 =	veq.f32 v20, v11;
	v2 =	vsel vm12, $0x3, v2;
	[tilespmem:s8+$0x200] =	vst v10  }
0x177: {  	vm14 =	veq.f32 v51, v11;
	v3 =	vmul.f32 v27, v32;
	v2 =	vsel vm13, $0x2, v2;
	[tilespmem:s7+$0x400] =	vst v1  }
0x178: {  	vm15 =	veq.f32 v50, v11;
	v1 =	vsel vm14, $0x1, v2;
	[tilespmem:s8+$0x400] =	vst v49  }
0x179: {  	s11 =	simm.s32 $0x10;
	s12 =	simm.s32 $0x3800;
	s13 =	simm.s32 $0x2800;
	v1 =	vsel vm15, $0x0, v1;
	[tilespmem:s7+$0x600] =	vst v3  }
.LBB2_2:
0x17a: {  	[tilespmem:s12+$0x600] =	vst v1;
	s13 =	sadd.s32 $0x10, s13;
	s10 =	sadd.s32 $0x10, s10;
	s12 =	sadd.s32 $0x10, s12  }
0x17b: {  	p0 =	sne.s32 s11, $0x1F0;
	s14 =	smov.u32 s11;
	s11 =	sadd.s32 $0x10, s11;
	v3 =	vld [tilespmem:s10+$0xFFFFF800]  }
0x17c: {  	v5 =	vld [tilespmem:s10+$0xFFFFFA00]  }
0x17d: {  	v6 =	vld [tilespmem:s10+$0xFFFFFC00]  }
0x17e: {  	v7 =	vld [tilespmem:s10+$0xFFFFFE00]  }
0x17f: {  	v8 =	vld [tilespmem:s10+$0x0]  }
0x180: {  	v9 =	vld [tilespmem:s10+$0x200]  }
0x181: {  	v10 =	vld [tilespmem:s10+$0x400];
	v1 =	vmax.f32 v3, v5  }
0x182: {  	s14 =	sand.u32 $0x1F0, s14;
	v11 =	vld [tilespmem:s10+$0x600];
	v1 =	vmax.f32 v1, v6  }
0x183: {  	v12 =	vld [tilespmem:s14+$0x1000];
	v1 =	vmax.f32 v1, v7  }
0x184: {  	v13 =	vld [tilespmem:s14+$0x1200];
	v1 =	vmax.f32 v1, v8  }
0x185: {  	v14 =	vld [tilespmem:s14+$0x1400];
	v1 =	vmax.f32 v1, v9  }
0x186: {  	v15 =	vld [tilespmem:s14+$0x1600];
	v1 =	vmax.f32 v1, v10  }
0x187: {  	v16 =	vld [tilespmem:s14+$0x1800];
	v1 =	vmax.f32 v1, v11  }
0x188: {  	v17 =	vld [tilespmem:s14+$0x1A00];
	v1 =	vmax.f32 v1, v12  }
0x189: {  	v18 =	vld [tilespmem:s14+$0x1C00];
	v1 =	vmax.f32 v1, v13  }
0x18a: {  	v19 =	vld [tilespmem:s14+$0x1E00];
	v1 =	vmax.f32 v1, v14  }
0x18b: {  	v1 =	vmax.f32 v1, v15  }
0x18c: {  	v1 =	vmax.f32 v1, v16  }
0x18d: {  	v1 =	vmax.f32 v1, v17  }
0x18e: {  	v1 =	vmax.f32 v1, v18  }
0x18f: {  	v2 =	vmax.f32 v1, v19  }
0x190: {  	vm0 =	veq.f32 v18, v2;
	vm1 =	veq.f32 v11, v2;
	vm2 =	veq.f32 v10, v2  }
0x191: {  	vm3 =	veq.f32 v9, v2;
	v1 =	vsel vm0, $0xE, v0;
	vm0 =	veq.f32 v17, v2  }
0x192: {  	vm4 =	veq.f32 v8, v2;
	v1 =	vsel vm0, $0xD, v1;
	vm0 =	veq.f32 v16, v2  }
0x193: {  	vm5 =	veq.f32 v7, v2;
	v1 =	vsel vm0, $0xC, v1;
	vm0 =	veq.f32 v15, v2  }
0x194: {  	vm6 =	veq.f32 v6, v2;
	v1 =	vsel vm0, $0xB, v1;
	vm0 =	veq.f32 v14, v2  }
0x195: {  	vm7 =	veq.f32 v5, v2;
	v1 =	vsel vm0, $0xA, v1;
	vm0 =	veq.f32 v13, v2  }
0x196: {  	vm8 =	veq.f32 v3, v2;
	v1 =	vsel vm0, $0x9, v1;
	vm0 =	veq.f32 v12, v2  }
0x197: {  	v4 =	vsub.f32 v2, v2;
	v1 =	vsel vm0, $0x8, v1  }
0x198: {  	v1 =	vsel vm1, $0x7, v1  }
0x199: {  	v4 =	vmul.f32 $1.442695020e+00, v4;
	v1 =	vsel vm2, $0x6, v1  }
0x19a: {  	v1 =	vsel vm3, $0x5, v1  }
0x19b: {  	v1 =	vsel vm4, $0x4, v1  }
0x19c: {  	v1 =	vsel vm5, $0x3, v1  }
0x19d: {  	v1 =	vsel vm6, $0x2, v1  }
0x19e: {  	v1 =	vsel vm7, $0x1, v1  }
0x19f: {  	v1 =	vsel vm8, $0x0, v1  }
0x1a0: {  	vm0 =	veq.s32 v1, $0x0;
	vm1 =	veq.s32 v1, $0x1;
	vm2 =	veq.s32 v1, $0x2  }
0x1a1: {  	v20 =	vsel vm0, $0xFF800000, v3;
	v5 =	vsel vm1, $0xFF800000, v5;
	vm0 =	veq.s32 v1, $0x3  }
0x1a2: {  	v21 =	vsel vm2, $0xFF800000, v6;
	vm1 =	veq.s32 v1, $0x4;
	v3 =	vmax.f32 v20, v5  }
0x1a3: {  	v7 =	vsel vm0, $0xFF800000, v7;
	vm0 =	veq.s32 v1, $0x5;
	v3 =	vmax.f32 v3, v21  }
0x1a4: {  	v8 =	vsel vm1, $0xFF800000, v8;
	vm1 =	veq.s32 v1, $0x6;
	v3 =	vmax.f32 v3, v7  }
0x1a5: {  	v9 =	vsel vm0, $0xFF800000, v9;
	vm0 =	veq.s32 v1, $0x7;
	v3 =	vmax.f32 v3, v8  }
0x1a6: {  	v10 =	vsel vm1, $0xFF800000, v10;
	vm1 =	veq.s32 v1, $0x8;
	v3 =	vmax.f32 v3, v9  }
0x1a7: {  	v11 =	vsel vm0, $0xFF800000, v11;
	vm0 =	veq.s32 v1, $0x9;
	v3 =	vmax.f32 v3, v10  }
0x1a8: {  	v12 =	vsel vm1, $0xFF800000, v12;
	vm1 =	veq.s32 v1, $0xA;
	v3 =	vmax.f32 v3, v11  }
0x1a9: {  	v13 =	vsel vm0, $0xFF800000, v13;
	vm0 =	veq.s32 v1, $0xB;
	v3 =	vmax.f32 v3, v12  }
0x1aa: {  	v14 =	vsel vm1, $0xFF800000, v14;
	vm1 =	veq.s32 v1, $0xC;
	v3 =	vmax.f32 v3, v13  }
0x1ab: {  	v15 =	vsel vm0, $0xFF800000, v15;
	vm0 =	veq.s32 v1, $0xD;
	v3 =	vmax.f32 v3, v14  }
0x1ac: {  	v16 =	vsel vm1, $0xFF800000, v16;
	vm1 =	veq.s32 v1, $0xE;
	v3 =	vmax.f32 v3, v15  }
0x1ad: {  	v17 =	vsel vm0, $0xFF800000, v17;
	vm0 =	veq.s32 v1, $0xF;
	v3 =	vmax.f32 v3, v16  }
0x1ae: {  	v18 =	vsel vm1, $0xFF800000, v18;
	v19 =	vsel vm0, $0xFF800000, v19;
	v3 =	vmax.f32 v3, v17  }
0x1af: {  	v3 =	vmax.f32 v3, v18  }
0x1b0: {  	v3 =	vmax.f32 v3, v19  }
0x1b1: {  	vm0 =	veq.f32 v18, v3;
	vm1 =	veq.f32 v11, v3;
	vm2 =	veq.f32 v10, v3  }
0x1b2: {  	vm3 =	veq.f32 v9, v3;
	v6 =	vsel vm0, $0xE, v0;
	vm0 =	veq.f32 v17, v3  }
0x1b3: {  	vm4 =	veq.f32 v8, v3;
	v6 =	vsel vm0, $0xD, v6;
	vm0 =	veq.f32 v16, v3  }
0x1b4: {  	vm5 =	veq.f32 v7, v3;
	v6 =	vsel vm0, $0xC, v6;
	vm0 =	veq.f32 v15, v3  }
0x1b5: {  	vm6 =	veq.f32 v21, v3;
	v6 =	vsel vm0, $0xB, v6;
	vm0 =	veq.f32 v14, v3  }
0x1b6: {  	vm7 =	veq.f32 v5, v3;
	v6 =	vsel vm0, $0xA, v6;
	vm0 =	veq.f32 v13, v3  }
0x1b7: {  	vm8 =	veq.f32 v20, v3;
	v6 =	vsel vm0, $0x9, v6;
	vm0 =	veq.f32 v12, v3  }
0x1b8: {  	v3 =	vsub.f32 v3, v2;
	v6 =	vsel vm0, $0x8, v6  }
0x1b9: {  	v6 =	vsel vm1, $0x7, v6  }
0x1ba: {  	v22 =	vsel vm2, $0x6, v6;
	v6 =	vmul.f32 $1.442695020e+00, v3  }
0x1bb: {  	v3 =	vsel vm3, $0x5, v22  }
0x1bc: {  	v3 =	vsel vm4, $0x4, v3  }
0x1bd: {  	v3 =	vsel vm5, $0x3, v3  }
0x1be: {  	v3 =	vsel vm6, $0x2, v3  }
0x1bf: {  	v3 =	vsel vm7, $0x1, v3  }
0x1c0: {  	v3 =	vsel vm8, $0x0, v3  }
0x1c1: {  	vm0 =	veq.s32 v3, $0x0;
	vm1 =	veq.s32 v3, $0x1;
	vm2 =	veq.s32 v3, $0x2  }
0x1c2: {  	v20 =	vsel vm0, $0xFF800000, v20;
	v22 =	vsel vm1, $0xFF800000, v5;
	v21 =	vsel vm2, $0xFF800000, v21  }
0x1c3: {  	vm0 =	veq.s32 v3, $0x3;
	vm1 =	veq.s32 v3, $0x4;
	v5 =	vmax.f32 v20, v22  }
0x1c4: {  	v7 =	vsel vm0, $0xFF800000, v7;
	v23 =	vsel vm1, $0xFF800000, v8;
	v5 =	vmax.f32 v5, v21  }
0x1c5: {  	vm0 =	veq.s32 v3, $0x5;
	vm1 =	veq.s32 v3, $0x6;
	v5 =	vmax.f32 v5, v7  }
0x1c6: {  	v9 =	vsel vm0, $0xFF800000, v9;
	v10 =	vsel vm1, $0xFF800000, v10;
	v5 =	vmax.f32 v5, v23  }
0x1c7: {  	vm0 =	veq.s32 v3, $0x7;
	vm1 =	veq.s32 v3, $0x8;
	v5 =	vmax.f32 v5, v9  }
0x1c8: {  	v11 =	vsel vm0, $0xFF800000, v11;
	vm0 =	veq.s32 v3, $0x9;
	v5 =	vmax.f32 v5, v10  }
0x1c9: {  	v12 =	vsel vm1, $0xFF800000, v12;
	vm1 =	veq.s32 v3, $0xA;
	v5 =	vmax.f32 v5, v11  }
0x1ca: {  	v13 =	vsel vm0, $0xFF800000, v13;
	vm0 =	veq.s32 v3, $0xB;
	v5 =	vmax.f32 v5, v12  }
0x1cb: {  	v14 =	vsel vm1, $0xFF800000, v14;
	vm1 =	veq.s32 v3, $0xC;
	v5 =	vmax.f32 v5, v13  }
0x1cc: {  	v15 =	vsel vm0, $0xFF800000, v15;
	vm0 =	veq.s32 v3, $0xD;
	v5 =	vmax.f32 v5, v14  }
0x1cd: {  	v16 =	vsel vm1, $0xFF800000, v16;
	vm1 =	veq.s32 v3, $0xE;
	v5 =	vmax.f32 v5, v15  }
0x1ce: {  	v17 =	vsel vm0, $0xFF800000, v17;
	vm0 =	veq.s32 v3, $0xF;
	v5 =	vmax.f32 v5, v16  }
0x1cf: {  	v18 =	vsel vm1, $0xFF800000, v18;
	v19 =	vsel vm0, $0xFF800000, v19;
	v5 =	vmax.f32 v5, v17  }
0x1d0: {  	v5 =	vmax.f32 v5, v18  }
0x1d1: {  	v5 =	vmax.f32 v5, v19  }
0x1d2: {  	vm0 =	veq.f32 v18, v5;
	vm1 =	veq.f32 v11, v5;
	vm2 =	veq.f32 v10, v5  }
0x1d3: {  	vm3 =	veq.f32 v9, v5;
	v8 =	vsel vm0, $0xE, v0;
	vm0 =	veq.f32 v17, v5  }
0x1d4: {  	vm4 =	veq.f32 v23, v5;
	v8 =	vsel vm0, $0xD, v8;
	vm0 =	veq.f32 v16, v5  }
0x1d5: {  	vm5 =	veq.f32 v7, v5;
	v8 =	vsel vm0, $0xC, v8;
	vm0 =	veq.f32 v15, v5  }
0x1d6: {  	vm6 =	veq.f32 v21, v5;
	v8 =	vsel vm0, $0xB, v8;
	vm0 =	veq.f32 v14, v5  }
0x1d7: {  	vm7 =	veq.f32 v22, v5;
	v8 =	vsel vm0, $0xA, v8;
	vm0 =	veq.f32 v13, v5  }
0x1d8: {  	vm8 =	veq.f32 v20, v5;
	v8 =	vsel vm0, $0x9, v8;
	vm0 =	veq.f32 v12, v5  }
0x1d9: {  	v5 =	vsub.f32 v5, v2;
	v8 =	vsel vm0, $0x8, v8  }
0x1da: {  	v8 =	vsel vm1, $0x7, v8  }
0x1db: {  	v24 =	vsel vm2, $0x6, v8;
	v8 =	vmul.f32 $1.442695020e+00, v5  }
0x1dc: {  	v5 =	vsel vm3, $0x5, v24  }
0x1dd: {  	v5 =	vsel vm4, $0x4, v5  }
0x1de: {  	v5 =	vsel vm5, $0x3, v5  }
0x1df: {  	v5 =	vsel vm6, $0x2, v5  }
0x1e0: {  	v5 =	vsel vm7, $0x1, v5  }
0x1e1: {  	v5 =	vsel vm8, $0x0, v5  }
0x1e2: {  	vm0 =	veq.s32 v5, $0x0;
	vm1 =	veq.s32 v5, $0x1;
	vm2 =	veq.s32 v5, $0x2  }
0x1e3: {  	v20 =	vsel vm0, $0xFF800000, v20;
	v22 =	vsel vm1, $0xFF800000, v22;
	v21 =	vsel vm2, $0xFF800000, v21  }
0x1e4: {  	vm0 =	veq.s32 v5, $0x3;
	vm1 =	veq.s32 v5, $0x4;
	v24 =	vmax.f32 v20, v22  }
0x1e5: {  	v25 =	vsel vm0, $0xFF800000, v7;
	v23 =	vsel vm1, $0xFF800000, v23;
	v7 =	vmax.f32 v24, v21  }
0x1e6: {  	vm0 =	veq.s32 v5, $0x5;
	vm1 =	veq.s32 v5, $0x6;
	v7 =	vmax.f32 v7, v25  }
0x1e7: {  	v24 =	vsel vm0, $0xFF800000, v9;
	v10 =	vsel vm1, $0xFF800000, v10;
	v7 =	vmax.f32 v7, v23  }
0x1e8: {  	vm0 =	veq.s32 v5, $0x7;
	vm1 =	veq.s32 v5, $0x8;
	v7 =	vmax.f32 v7, v24  }
0x1e9: {  	v11 =	vsel vm0, $0xFF800000, v11;
	vm0 =	veq.s32 v5, $0x9;
	v7 =	vmax.f32 v7, v10  }
0x1ea: {  	v12 =	vsel vm1, $0xFF800000, v12;
	vm1 =	veq.s32 v5, $0xA;
	v7 =	vmax.f32 v7, v11  }
0x1eb: {  	v13 =	vsel vm0, $0xFF800000, v13;
	vm0 =	veq.s32 v5, $0xB;
	v7 =	vmax.f32 v7, v12  }
0x1ec: {  	v14 =	vsel vm1, $0xFF800000, v14;
	vm1 =	veq.s32 v5, $0xC;
	v7 =	vmax.f32 v7, v13  }
0x1ed: {  	v15 =	vsel vm0, $0xFF800000, v15;
	vm0 =	veq.s32 v5, $0xD;
	v7 =	vmax.f32 v7, v14  }
0x1ee: {  	v16 =	vsel vm1, $0xFF800000, v16;
	vm1 =	veq.s32 v5, $0xE;
	v7 =	vmax.f32 v7, v15  }
0x1ef: {  	v17 =	vsel vm0, $0xFF800000, v17;
	vm0 =	veq.s32 v5, $0xF;
	v7 =	vmax.f32 v7, v16  }
0x1f0: {  	v18 =	vsel vm1, $0xFF800000, v18;
	v19 =	vsel vm0, $0xFF800000, v19;
	v7 =	vmax.f32 v7, v17  }
0x1f1: {  	v7 =	vmax.f32 v7, v18  }
0x1f2: {  	v7 =	vmax.f32 v7, v19  }
0x1f3: {  	vm0 =	veq.f32 v18, v7;
	vm1 =	veq.f32 v11, v7;
	vm2 =	veq.f32 v10, v7  }
0x1f4: {  	vm3 =	veq.f32 v24, v7;
	v9 =	vsel vm0, $0xE, v0;
	vm0 =	veq.f32 v17, v7  }
0x1f5: {  	vm4 =	veq.f32 v23, v7;
	v9 =	vsel vm0, $0xD, v9;
	vm0 =	veq.f32 v16, v7  }
0x1f6: {  	vm5 =	veq.f32 v25, v7;
	v9 =	vsel vm0, $0xC, v9;
	vm0 =	veq.f32 v15, v7  }
0x1f7: {  	vm6 =	veq.f32 v21, v7;
	v9 =	vsel vm0, $0xB, v9;
	vm0 =	veq.f32 v14, v7  }
0x1f8: {  	vm7 =	veq.f32 v22, v7;
	v9 =	vsel vm0, $0xA, v9;
	vm0 =	veq.f32 v13, v7  }
0x1f9: {  	vm8 =	veq.f32 v20, v7;
	v9 =	vsel vm0, $0x9, v9;
	vm0 =	veq.f32 v12, v7  }
0x1fa: {  	v7 =	vsub.f32 v7, v2;
	v9 =	vsel vm0, $0x8, v9  }
0x1fb: {  	v9 =	vsel vm1, $0x7, v9  }
0x1fc: {  	v26 =	vsel vm2, $0x6, v9;
	v9 =	vmul.f32 $1.442695020e+00, v7  }
0x1fd: {  	v7 =	vsel vm3, $0x5, v26  }
0x1fe: {  	v7 =	vsel vm4, $0x4, v7  }
0x1ff: {  	v7 =	vsel vm5, $0x3, v7  }
0x200: {  	v7 =	vsel vm6, $0x2, v7  }
0x201: {  	v7 =	vsel vm7, $0x1, v7  }
0x202: {  	v7 =	vsel vm8, $0x0, v7  }
0x203: {  	vm0 =	veq.s32 v7, $0x0;
	vm1 =	veq.s32 v7, $0x1;
	vm2 =	veq.s32 v7, $0x2  }
0x204: {  	v20 =	vsel vm0, $0xFF800000, v20;
	v22 =	vsel vm1, $0xFF800000, v22;
	v21 =	vsel vm2, $0xFF800000, v21  }
0x205: {  	vm0 =	veq.s32 v7, $0x3;
	vm1 =	veq.s32 v7, $0x4;
	v26 =	vmax.f32 v20, v22  }
0x206: {  	v25 =	vsel vm0, $0xFF800000, v25;
	v23 =	vsel vm1, $0xFF800000, v23;
	v26 =	vmax.f32 v26, v21  }
0x207: {  	vm0 =	veq.s32 v7, $0x5;
	vm1 =	veq.s32 v7, $0x6;
	v26 =	vmax.f32 v26, v25  }
0x208: {  	v24 =	vsel vm0, $0xFF800000, v24;
	v27 =	vsel vm1, $0xFF800000, v10;
	v10 =	vmax.f32 v26, v23  }
0x209: {  	vm0 =	veq.s32 v7, $0x7;
	vm1 =	veq.s32 v7, $0x8;
	v10 =	vmax.f32 v10, v24  }
0x20a: {  	v26 =	vsel vm0, $0xFF800000, v11;
	vm0 =	veq.s32 v7, $0x9;
	v10 =	vmax.f32 v10, v27  }
0x20b: {  	v12 =	vsel vm1, $0xFF800000, v12;
	vm1 =	veq.s32 v7, $0xA;
	v10 =	vmax.f32 v10, v26  }
0x20c: {  	v13 =	vsel vm0, $0xFF800000, v13;
	vm0 =	veq.s32 v7, $0xB;
	v10 =	vmax.f32 v10, v12  }
0x20d: {  	v14 =	vsel vm1, $0xFF800000, v14;
	vm1 =	veq.s32 v7, $0xC;
	v10 =	vmax.f32 v10, v13  }
0x20e: {  	v15 =	vsel vm0, $0xFF800000, v15;
	vm0 =	veq.s32 v7, $0xD;
	v10 =	vmax.f32 v10, v14  }
0x20f: {  	v16 =	vsel vm1, $0xFF800000, v16;
	vm1 =	veq.s32 v7, $0xE;
	v10 =	vmax.f32 v10, v15  }
0x210: {  	v17 =	vsel vm0, $0xFF800000, v17;
	vm0 =	veq.s32 v7, $0xF;
	v10 =	vmax.f32 v10, v16  }
0x211: {  	v18 =	vsel vm1, $0xFF800000, v18;
	v19 =	vsel vm0, $0xFF800000, v19;
	v10 =	vmax.f32 v10, v17  }
0x212: {  	v10 =	vmax.f32 v10, v18  }
0x213: {  	v10 =	vmax.f32 v10, v19  }
0x214: {  	vm0 =	veq.f32 v18, v10;
	vm1 =	veq.f32 v26, v10;
	vm2 =	veq.f32 v27, v10  }
0x215: {  	vm3 =	veq.f32 v24, v10;
	v11 =	vsel vm0, $0xE, v0;
	vm0 =	veq.f32 v17, v10  }
0x216: {  	vm4 =	veq.f32 v23, v10;
	v11 =	vsel vm0, $0xD, v11;
	vm0 =	veq.f32 v16, v10  }
0x217: {  	vm5 =	veq.f32 v25, v10;
	v11 =	vsel vm0, $0xC, v11;
	vm0 =	veq.f32 v15, v10  }
0x218: {  	vm6 =	veq.f32 v21, v10;
	v11 =	vsel vm0, $0xB, v11;
	vm0 =	veq.f32 v14, v10  }
0x219: {  	vm7 =	veq.f32 v22, v10;
	v11 =	vsel vm0, $0xA, v11;
	vm0 =	veq.f32 v13, v10  }
0x21a: {  	vm8 =	veq.f32 v20, v10;
	v11 =	vsel vm0, $0x9, v11;
	vm0 =	veq.f32 v12, v10  }
0x21b: {  	v10 =	vsub.f32 v10, v2;
	v11 =	vsel vm0, $0x8, v11  }
0x21c: {  	v11 =	vsel vm1, $0x7, v11  }
0x21d: {  	v28 =	vsel vm2, $0x6, v11;
	v11 =	vmul.f32 $1.442695020e+00, v10  }
0x21e: {  	v10 =	vsel vm3, $0x5, v28  }
0x21f: {  	v10 =	vsel vm4, $0x4, v10  }
0x220: {  	v10 =	vsel vm5, $0x3, v10  }
0x221: {  	v10 =	vsel vm6, $0x2, v10  }
0x222: {  	v10 =	vsel vm7, $0x1, v10  }
0x223: {  	v10 =	vsel vm8, $0x0, v10  }
0x224: {  	vm0 =	veq.s32 v10, $0x0;
	vm1 =	veq.s32 v10, $0x1;
	vm2 =	veq.s32 v10, $0x2  }
0x225: {  	v20 =	vsel vm0, $0xFF800000, v20;
	v22 =	vsel vm1, $0xFF800000, v22;
	v21 =	vsel vm2, $0xFF800000, v21  }
0x226: {  	vm0 =	veq.s32 v10, $0x3;
	vm1 =	veq.s32 v10, $0x4;
	v28 =	vmax.f32 v20, v22  }
0x227: {  	v25 =	vsel vm0, $0xFF800000, v25;
	v23 =	vsel vm1, $0xFF800000, v23;
	v28 =	vmax.f32 v28, v21  }
0x228: {  	vm0 =	veq.s32 v10, $0x5;
	vm1 =	veq.s32 v10, $0x6;
	v28 =	vmax.f32 v28, v25  }
0x229: {  	v24 =	vsel vm0, $0xFF800000, v24;
	v27 =	vsel vm1, $0xFF800000, v27;
	v28 =	vmax.f32 v28, v23  }
0x22a: {  	vm0 =	veq.s32 v10, $0x7;
	vm1 =	veq.s32 v10, $0x8;
	v28 =	vmax.f32 v28, v24  }
0x22b: {  	v26 =	vsel vm0, $0xFF800000, v26;
	vm0 =	veq.s32 v10, $0x9;
	v28 =	vmax.f32 v28, v27  }
0x22c: {  	v29 =	vsel vm1, $0xFF800000, v12;
	vm1 =	veq.s32 v10, $0xA;
	v12 =	vmax.f32 v28, v26  }
0x22d: {  	v28 =	vsel vm0, $0xFF800000, v13;
	vm0 =	veq.s32 v10, $0xB;
	v12 =	vmax.f32 v12, v29  }
0x22e: {  	v14 =	vsel vm1, $0xFF800000, v14;
	vm1 =	veq.s32 v10, $0xC;
	v12 =	vmax.f32 v12, v28  }
0x22f: {  	v15 =	vsel vm0, $0xFF800000, v15;
	vm0 =	veq.s32 v10, $0xD;
	v12 =	vmax.f32 v12, v14  }
0x230: {  	v16 =	vsel vm1, $0xFF800000, v16;
	vm1 =	veq.s32 v10, $0xE;
	v12 =	vmax.f32 v12, v15  }
0x231: {  	v17 =	vsel vm0, $0xFF800000, v17;
	vm0 =	veq.s32 v10, $0xF;
	v12 =	vmax.f32 v12, v16  }
0x232: {  	v18 =	vsel vm1, $0xFF800000, v18;
	v19 =	vsel vm0, $0xFF800000, v19;
	v12 =	vmax.f32 v12, v17  }
0x233: {  	v12 =	vmax.f32 v12, v18  }
0x234: {  	v12 =	vmax.f32 v12, v19  }
0x235: {  	vm0 =	veq.f32 v18, v12;
	vm1 =	veq.f32 v26, v12;
	vm2 =	veq.f32 v27, v12  }
0x236: {  	vm3 =	veq.f32 v24, v12;
	v13 =	vsel vm0, $0xE, v0;
	vm0 =	veq.f32 v17, v12  }
0x237: {  	vm4 =	veq.f32 v23, v12;
	v13 =	vsel vm0, $0xD, v13;
	vm0 =	veq.f32 v16, v12  }
0x238: {  	vm5 =	veq.f32 v25, v12;
	v13 =	vsel vm0, $0xC, v13;
	vm0 =	veq.f32 v15, v12  }
0x239: {  	vm6 =	veq.f32 v21, v12;
	v13 =	vsel vm0, $0xB, v13;
	vm0 =	veq.f32 v14, v12  }
0x23a: {  	vm7 =	veq.f32 v22, v12;
	v13 =	vsel vm0, $0xA, v13;
	vm0 =	veq.f32 v28, v12  }
0x23b: {  	vm8 =	veq.f32 v20, v12;
	v13 =	vsel vm0, $0x9, v13;
	vm0 =	veq.f32 v29, v12  }
0x23c: {  	v12 =	vsub.f32 v12, v2;
	v13 =	vsel vm0, $0x8, v13  }
0x23d: {  	v13 =	vsel vm1, $0x7, v13  }
0x23e: {  	v30 =	vsel vm2, $0x6, v13;
	v13 =	vmul.f32 $1.442695020e+00, v12  }
0x23f: {  	v12 =	vsel vm3, $0x5, v30  }
0x240: {  	v12 =	vsel vm4, $0x4, v12  }
0x241: {  	v12 =	vsel vm5, $0x3, v12  }
0x242: {  	v12 =	vsel vm6, $0x2, v12  }
0x243: {  	v12 =	vsel vm7, $0x1, v12  }
0x244: {  	v12 =	vsel vm8, $0x0, v12  }
0x245: {  	vm0 =	veq.s32 v12, $0x0;
	vm1 =	veq.s32 v12, $0x1;
	vm2 =	veq.s32 v12, $0x2  }
0x246: {  	v20 =	vsel vm0, $0xFF800000, v20;
	v22 =	vsel vm1, $0xFF800000, v22;
	v21 =	vsel vm2, $0xFF800000, v21  }
0x247: {  	vm0 =	veq.s32 v12, $0x3;
	vm1 =	veq.s32 v12, $0x4;
	v30 =	vmax.f32 v20, v22  }
0x248: {  	v25 =	vsel vm0, $0xFF800000, v25;
	v23 =	vsel vm1, $0xFF800000, v23;
	v30 =	vmax.f32 v30, v21  }
0x249: {  	vm0 =	veq.s32 v12, $0x5;
	vm1 =	veq.s32 v12, $0x6;
	v30 =	vmax.f32 v30, v25  }
0x24a: {  	v24 =	vsel vm0, $0xFF800000, v24;
	v27 =	vsel vm1, $0xFF800000, v27;
	v30 =	vmax.f32 v30, v23  }
0x24b: {  	vm0 =	veq.s32 v12, $0x7;
	vm1 =	veq.s32 v12, $0x8;
	v30 =	vmax.f32 v30, v24  }
0x24c: {  	v26 =	vsel vm0, $0xFF800000, v26;
	vm0 =	veq.s32 v12, $0x9;
	v30 =	vmax.f32 v30, v27  }
0x24d: {  	v29 =	vsel vm1, $0xFF800000, v29;
	vm1 =	veq.s32 v12, $0xA;
	v30 =	vmax.f32 v30, v26  }
0x24e: {  	v28 =	vsel vm0, $0xFF800000, v28;
	vm0 =	veq.s32 v12, $0xB;
	v30 =	vmax.f32 v30, v29  }
0x24f: {  	v14 =	vsel vm1, $0xFF800000, v14;
	vm1 =	veq.s32 v12, $0xC;
	v30 =	vmax.f32 v30, v28  }
0x250: {  	v15 =	vsel vm0, $0xFF800000, v15;
	vm0 =	veq.s32 v12, $0xD;
	v30 =	vmax.f32 v30, v14  }
0x251: {  	v16 =	vsel vm1, $0xFF800000, v16;
	vm1 =	veq.s32 v12, $0xE;
	v30 =	vmax.f32 v30, v15  }
0x252: {  	v17 =	vsel vm0, $0xFF800000, v17;
	vm0 =	veq.s32 v12, $0xF;
	v30 =	vmax.f32 v30, v16  }
0x253: {  	v18 =	vsel vm1, $0xFF800000, v18;
	v30 =	vmax.f32 v30, v17  }
0x254: {  	v19 =	vsel vm0, $0xFF800000, v19;
	v30 =	vmax.f32 v30, v18  }
0x255: {  	v30 =	vmax.f32 v30, v19  }
0x256: {  	vm0 =	veq.f32 v18, v30;
	vm1 =	veq.f32 v26, v30;
	vm2 =	veq.f32 v27, v30  }
0x257: {  	vm3 =	veq.f32 v24, v30;
	v31 =	vsel vm0, $0xE, v0;
	vm0 =	veq.f32 v17, v30  }
0x258: {  	vm4 =	veq.f32 v23, v30;
	v31 =	vsel vm0, $0xD, v31;
	vm0 =	veq.f32 v16, v30  }
0x259: {  	vm5 =	veq.f32 v25, v30;
	v31 =	vsel vm0, $0xC, v31;
	vm0 =	veq.f32 v15, v30  }
0x25a: {  	vm6 =	veq.f32 v21, v30;
	v31 =	vsel vm0, $0xB, v31;
	vm0 =	veq.f32 v14, v30  }
0x25b: {  	vm7 =	veq.f32 v22, v30;
	v31 =	vsel vm0, $0xA, v31;
	vm0 =	veq.f32 v28, v30  }
0x25c: {  	vm8 =	veq.f32 v20, v30;
	v31 =	vsel vm0, $0x9, v31;
	vm0 =	veq.f32 v29, v30  }
0x25d: {  	v30 =	vsub.f32 v30, v2;
	v31 =	vsel vm0, $0x8, v31  }
0x25e: {  	v31 =	vsel vm1, $0x7, v31  }
0x25f: {  	v30 =	vmul.f32 $1.442695020e+00, v30;
	v31 =	vsel vm2, $0x6, v31  }
0x260: {  	v31 =	vsel vm3, $0x5, v31  }
0x261: {  	v31 =	vsel vm4, $0x4, v31  }
0x262: {  	v31 =	vsel vm5, $0x3, v31  }
0x263: {  	v31 =	vsel vm6, $0x2, v31;
	(erf) = vpow2.f32 v4  }
0x264: {  	v4 =	vsel vm7, $0x1, v31;
	(erf) = vpow2.f32 v6  }
0x265: {  	v4 =	vsel vm8, $0x0, v4;
	(erf) = vpow2.f32 v8  }
0x266: {  	vm0 =	veq.s32 v4, $0x0;
	vm1 =	veq.s32 v4, $0x1;
	vm2 =	veq.s32 v4, $0x2  }
0x267: {  	v6 =	vsel vm0, $0xFF800000, v20;
	v8 =	vsel vm1, $0xFF800000, v22;
	v20 =	vsel vm2, $0xFF800000, v21  }
0x268: {  	vm0 =	veq.s32 v4, $0x3;
	vm1 =	veq.s32 v4, $0x4;
	v21 =	vmax.f32 v6, v8  }
0x269: {  	v22 =	vsel vm0, $0xFF800000, v25;
	v23 =	vsel vm1, $0xFF800000, v23;
	v21 =	vmax.f32 v21, v20  }
0x26a: {  	vm0 =	veq.s32 v4, $0x5;
	vm1 =	veq.s32 v4, $0x6;
	v21 =	vmax.f32 v21, v22  }
0x26b: {  	v24 =	vsel vm0, $0xFF800000, v24;
	v25 =	vsel vm1, $0xFF800000, v27;
	v21 =	vmax.f32 v21, v23  }
0x26c: {  	vm0 =	veq.s32 v4, $0x7;
	vm1 =	veq.s32 v4, $0x8;
	v21 =	vmax.f32 v21, v24;
	v27 =	vpop (erf)  }
0x26d: {  	v26 =	vsel vm0, $0xFF800000, v26;
	v29 =	vsel vm1, $0xFF800000, v29;
	v21 =	vmax.f32 v21, v25;
	v31 =	vpop (erf)  }
0x26e: {  	vm0 =	veq.s32 v4, $0x9;
	vm1 =	veq.s32 v4, $0xA;
	v21 =	vmax.f32 v21, v26;
	v32 =	vpop (erf)  }
0x26f: {  	v28 =	vsel vm0, $0xFF800000, v28;
	v14 =	vsel vm1, $0xFF800000, v14;
	v21 =	vmax.f32 v21, v29  }
0x270: {  	vm0 =	veq.s32 v4, $0xB;
	vm1 =	veq.s32 v4, $0xC;
	v21 =	vmax.f32 v21, v28  }
0x271: {  	v15 =	vsel vm0, $0xFF800000, v15;
	v16 =	vsel vm1, $0xFF800000, v16;
	v21 =	vmax.f32 v21, v14  }
0x272: {  	vm0 =	veq.s32 v4, $0xD;
	vm1 =	veq.s32 v4, $0xE;
	v21 =	vmax.f32 v21, v15  }
0x273: {  	v17 =	vsel vm0, $0xFF800000, v17;
	v18 =	vsel vm1, $0xFF800000, v18;
	v21 =	vmax.f32 v21, v16  }
0x274: {  	v21 =	vmax.f32 v21, v17;
	(erf) = vpow2.f32 v9  }
0x275: {  	v9 =	vmax.f32 v21, v18;
	v21 =	vadd.f32 v31, v27;
	(erf) = vpow2.f32 v11  }
0x276: {  	vm0 =	veq.s32 v4, $0xF;
	v11 =	vmax.f32 v9, v19;
	(erf) = vpow2.f32 v13  }
0x277: {  	v9 =	vsel vm0, v9, v11;
	v11 =	vadd.f32 v32, v21;
	(erf) = vpow2.f32 v30  }
0x278: {  	vm0 =	veq.f32 v18, v9;
	vm1 =	veq.f32 v14, v9;
	v2 =	vsub.f32 v9, v2  }
0x279: {  	vm2 =	veq.f32 v15, v9;
	v13 =	vsel vm0, $0xE, v0;
	vm0 =	veq.f32 v17, v9  }
0x27a: {  	v13 =	vsel vm0, $0xD, v13;
	vm0 =	veq.f32 v16, v9;
	v2 =	vmul.f32 $1.442695020e+00, v2  }
0x27b: {  	vm3 =	veq.f32 v25, v9;
	v15 =	vsel vm0, $0xC, v13;
	vm0 =	veq.f32 v28, v9  }
0x27c: {  	v16 =	vsel vm2, $0xB, v15;
	vm2 =	veq.f32 v24, v9;
	(erf) = vpow2.f32 v2  }
0x27d: {  	vm4 =	veq.f32 v20, v9;
	v2 =	vsel vm1, $0xA, v16;
	vm1 =	veq.f32 v29, v9;
	v13 =	vpop (erf)  }
0x27e: {  	v2 =	vsel vm0, $0x9, v2;
	vm0 =	veq.f32 v26, v9;
	v15 =	vadd.f32 v13, v11;
	v14 =	vpop (erf)  }
0x27f: {  	vm5 =	veq.f32 v8, v9;
	v2 =	vsel vm1, $0x8, v2;
	vm1 =	veq.f32 v22, v9;
	v8 =	vpop (erf)  }
0x280: {  	v2 =	vsel vm0, $0x7, v2;
	vm0 =	veq.f32 v6, v9;
	v6 =	vadd.f32 v14, v15;
	v11 =	vpop (erf)  }
0x281: {  	v2 =	vsel vm3, $0x6, v2;
	vm3 =	veq.f32 v23, v9  }
0x282: {  	v2 =	vsel vm2, $0x5, v2;
	v6 =	vadd.f32 v8, v6  }
0x283: {  	v2 =	vsel vm3, $0x4, v2  }
0x284: {  	v2 =	vsel vm1, $0x3, v2;
	v6 =	vadd.f32 v11, v6  }
0x285: {  	v2 =	vsel vm4, $0x2, v2;
	v9 =	vpop (erf)  }
0x286: {  	v2 =	vsel vm5, $0x1, v2;
	v6 =	vadd.f32 v9, v6;
	_ =	sdelay $0x1  }
0x287: {  	(erf) = vrcp.f32 v6;
	_ =	sdelay $0x8  }
0x288: {  	v6 =	vpop (erf)  }
0x289: {  	v15 =	vmul.f32 v6, v27;
	v9 =	vmul.f32 v6, v9;
	_ =	sdelay $0x1  }
0x28a: {  	[tilespmem:s13+$0xFFFFF800] =	vst v15;
	v15 =	vmul.f32 v6, v31  }
0x28b: {  	[tilespmem:s12+$0xFFFFF800] =	vst v1  }
0x28c: {  	v1 =	vmul.f32 v6, v32;
	[tilespmem:s13+$0xFFFFFA00] =	vst v15  }
0x28d: {  	[tilespmem:s12+$0xFFFFFA00] =	vst v3  }
0x28e: {  	[tilespmem:s13+$0xFFFFFC00] =	vst v1;
	v1 =	vmul.f32 v6, v13  }
0x28f: {  	[tilespmem:s12+$0xFFFFFC00] =	vst v5  }
0x290: {  	[tilespmem:s13+$0xFFFFFE00] =	vst v1;
	v1 =	vmul.f32 v6, v14  }
0x291: {  	[tilespmem:s12+$0xFFFFFE00] =	vst v7  }
0x292: {  	[tilespmem:s13+$0x0] =	vst v1;
	v1 =	vmul.f32 v6, v8  }
0x293: {  	[tilespmem:s12+$0x0] =	vst v10  }
.Ltmp0:
0x294: {  	[tilespmem:s13+$0x200] =	vst v1;
	v1 =	vmul.f32 v6, v11;
	(pc) =	sbr.rel @p0 .LBB2_2-.Ltmp0, $4  }
0x295: {  	[tilespmem:s12+$0x200] =	vst v12  }
0x296: {  	[tilespmem:s13+$0x400] =	vst v1  }
0x297: {  	[tilespmem:s12+$0x400] =	vst v4  }
0x298: {  	v1 =	vsel vm0, $0x0, v2;
	[tilespmem:s13+$0x600] =	vst v9  }
0x299: {  	[tilespmem:s12+$0x600] =	vst v1;
	s10 =	rddreg [dreg:$0xa];
	s11 =	simm.s32 $0x2000  }
0x29a: {  	[hbm4b:s10+s1] =	stream.linear.scatter [tilespmem:s11], [sflag:$0x1], $0x200, $0x38;
	[tilespmem:$0x4000] =	vst v63  }
0x29b: {  	_ =	swait.ge [sflag:s6], $0x200  }
0x29c: {  	[sflag:s6] =	ssyncset.done $0x0  }
0x29d: {  	s14 =	simm.s32 $0x3000;
	s13 =	rddreg [dreg:$0xb];
	[sflag:s6] =	ssyncadd.s32 $0xFFFFFE00  }
0x29e: {  	[hbm4b:s13+s1] =	stream.linear.scatter [tilespmem:s14], [sflag:$0x1], $0x200, $0x38;
	[tilespmem:$0x4000] =	vst v63  }
0x29f: {  	_ =	swait.ge [sflag:s6], $0x200  }
0x2a0: {  	[sflag:s6] =	ssyncset.done $0x0  }
0x2a1: {  	s12 =	simm.s32 $0x2200;
	s11 =	rddreg [dreg:$0xc];
	[sflag:s6] =	ssyncadd.s32 $0xFFFFFE00  }
0x2a2: {  	[hbm4b:s11+s1] =	stream.linear.scatter [tilespmem:s12], [sflag:$0x1], $0x200, $0x38;
	[tilespmem:$0x4000] =	vst v63  }
0x2a3: {  	_ =	swait.ge [sflag:s6], $0x200  }
0x2a4: {  	[sflag:s6] =	ssyncset.done $0x0  }
0x2a5: {  	s14 =	simm.s32 $0x3200;
	s13 =	rddreg [dreg:$0xd];
	[sflag:s6] =	ssyncadd.s32 $0xFFFFFE00  }
0x2a6: {  	[hbm4b:s13+s1] =	stream.linear.scatter [tilespmem:s14], [sflag:$0x1], $0x200, $0x38;
	[tilespmem:$0x4000] =	vst v63  }
0x2a7: {  	_ =	swait.ge [sflag:s6], $0x200  }
0x2a8: {  	[sflag:s6] =	ssyncset.done $0x0  }
0x2a9: {  	s13 =	simm.s32 $0x2400;
	s12 =	rddreg [dreg:$0xe];
	[sflag:s6] =	ssyncadd.s32 $0xFFFFFE00  }
0x2aa: {  	[hbm4b:s12+s1] =	stream.linear.scatter [tilespmem:s13], [sflag:$0x1], $0x200, $0x38;
	[tilespmem:$0x4000] =	vst v63  }
0x2ab: {  	_ =	swait.ge [sflag:s6], $0x200  }
0x2ac: {  	[sflag:s6] =	ssyncset.done $0x0  }
0x2ad: {  	s14 =	simm.s32 $0x3400;
	[sflag:s6] =	ssyncadd.s32 $0xFFFFFE00  }
0x2ae: {  	[hbm4b:s15+s1] =	stream.linear.scatter [tilespmem:s14], [sflag:$0x1], $0x200, $0x38;
	[tilespmem:$0x4000] =	vst v63  }
0x2af: {  	_ =	swait.ge [sflag:s6], $0x200  }
0x2b0: {  	[sflag:s6] =	ssyncset.done $0x0  }
0x2b1: {  	s11 =	simm.s32 $0x2600;
	[sflag:s6] =	ssyncadd.s32 $0xFFFFFE00  }
0x2b2: {  	[hbm4b:s16+s1] =	stream.linear.scatter [tilespmem:s11], [sflag:$0x1], $0x200, $0x38;
	[tilespmem:$0x4000] =	vst v63  }
0x2b3: {  	_ =	swait.ge [sflag:s6], $0x200  }
0x2b4: {  	[sflag:s6] =	ssyncset.done $0x0  }
0x2b5: {  	s12 =	simm.s32 $0x3600;
	[sflag:s6] =	ssyncadd.s32 $0xFFFFFE00  }
0x2b6: {  	[hbm4b:s17+s1] =	stream.linear.scatter [tilespmem:s12], [sflag:$0x1], $0x200, $0x38;
	[tilespmem:$0x4000] =	vst v63  }
0x2b7: {  	_ =	swait.ge [sflag:s6], $0x200  }
0x2b8: {  	[sflag:s6] =	ssyncset.done $0x0  }
0x2b9: {  	[sflag:s6] =	ssyncadd.s32 $0xFFFFFE00  }
0x2ba: {  	[hbm4b:s18+s1] =	stream.linear.scatter [tilespmem:s7], [sflag:$0x1], $0x200, $0x38;
	[tilespmem:$0x4000] =	vst v63  }
0x2bb: {  	_ =	swait.ge [sflag:s6], $0x200  }
0x2bc: {  	[sflag:s6] =	ssyncset.done $0x0  }
0x2bd: {  	[sflag:s6] =	ssyncadd.s32 $0xFFFFFE00  }
0x2be: {  	[hbm4b:s19+s1] =	stream.linear.scatter [tilespmem:s8], [sflag:$0x1], $0x200, $0x38;
	[tilespmem:$0x4000] =	vst v63  }
0x2bf: {  	_ =	swait.ge [sflag:s6], $0x200  }
0x2c0: {  	[sflag:s6] =	ssyncset.done $0x0  }
0x2c1: {  	s13 =	simm.s32 $0x2A00;
	[sflag:s6] =	ssyncadd.s32 $0xFFFFFE00  }
0x2c2: {  	[hbm4b:s21+s1] =	stream.linear.scatter [tilespmem:s13], [sflag:$0x1], $0x200, $0x38;
	[tilespmem:$0x4000] =	vst v63  }
0x2c3: {  	_ =	swait.ge [sflag:s6], $0x200  }
0x2c4: {  	[sflag:s6] =	ssyncset.done $0x0  }
0x2c5: {  	s14 =	simm.s32 $0x3A00;
	[sflag:s6] =	ssyncadd.s32 $0xFFFFFE00  }
0x2c6: {  	[hbm4b:s22+s1] =	stream.linear.scatter [tilespmem:s14], [sflag:$0x1], $0x200, $0x38;
	[tilespmem:$0x4000] =	vst v63  }
0x2c7: {  	_ =	swait.ge [sflag:s6], $0x200  }
0x2c8: {  	[sflag:s6] =	ssyncset.done $0x0  }
0x2c9: {  	s11 =	simm.s32 $0x2C00;
	[sflag:s6] =	ssyncadd.s32 $0xFFFFFE00  }
0x2ca: {  	[hbm4b:s23+s1] =	stream.linear.scatter [tilespmem:s11], [sflag:$0x1], $0x200, $0x38;
	[tilespmem:$0x4000] =	vst v63  }
0x2cb: {  	_ =	swait.ge [sflag:s6], $0x200  }
0x2cc: {  	[sflag:s6] =	ssyncset.done $0x0  }
0x2cd: {  	s12 =	simm.s32 $0x3C00;
	[sflag:s6] =	ssyncadd.s32 $0xFFFFFE00  }
0x2ce: {  	[hbm4b:s24+s1] =	stream.linear.scatter [tilespmem:s12], [sflag:$0x1], $0x200, $0x38;
	[tilespmem:$0x4000] =	vst v63  }
0x2cf: {  	_ =	swait.ge [sflag:s6], $0x200  }
0x2d0: {  	[sflag:s6] =	ssyncset.done $0x0  }
0x2d1: {  	s13 =	simm.s32 $0x2E00;
	[sflag:s6] =	ssyncadd.s32 $0xFFFFFE00  }
0x2d2: {  	[hbm4b:s25+s1] =	stream.linear.scatter [tilespmem:s13], [sflag:$0x1], $0x200, $0x38;
	[tilespmem:$0x4000] =	vst v63  }
0x2d3: {  	s9 =	sadd.s32 $0x1, s9;
	_ =	swait.ge [sflag:s6], $0x200  }
0x2d4: {  	p0 =	sne.s32 s9, s28;
	[sflag:s6] =	ssyncset.done $0x0  }
.Ltmp1:
0x2d5: {  	s14 =	simm.s32 $0x3E00;
	[sflag:s6] =	ssyncadd.s32 $0xFFFFFE00;
	(pc) =	sbr.rel @p0 .LBB2_1-.Ltmp1, $4  }
0x2d6: {  	[hbm4b:s26+s1] =	stream.linear.scatter [tilespmem:s14], [sflag:$0x1], $0x200, $0x38;
	[tilespmem:$0x4000] =	vst v63  }
0x2d7: {  	_ =	swait.ge [sflag:s6], $0x200  }
0x2d8: {  	[sflag:s6] =	ssyncset.done $0x0  }
0x2d9: {  	[sflag:s6] =	ssyncadd.s32 $0xFFFFFE00  }
0x2da: {  	_ =	sfence.sel $0x180000  }
0x2db: {  	[bflag:$0x0] =	sbarrier.arrive $0xFFFF  }
0x2dc: {  	_ =	strace $0x90000047  }
0x2dd: {  	s0 =	stileid.u32;
	[bflag:$0x2] =	sbarrier.arrive $0xFFFF  }
0x2de: {  	p0 =	sne.s32 s0, $0x0;
	s0 =	rddreg [dreg:$0x2]  }
0x2df: {  	s0 =	sadd.s32 @!p0 $0x100000, s0  }
0x2e0: {  	[sflag:s0] =	ssyncadd.tile.s32 @!p0 $0x1;
	_ =	shalt  }
.Lfunc_end2:
_tile_overlayer_lowered:
.L_overlay_start_2:
0x2e1: {  	(tag) =	ssettag $0x2  }
0x2e2: {  	s0 =	rddreg [dreg:$0x0];
	s2 =	stileid.u32  }
0x2e3: {  	s1 =	rddreg [dreg:$0x1];
	p0 =	sne.s32 s2, $0x0  }
0x2e4: {  	s3 =	rddreg [dreg:$0x2];
	[bflag:$0x3] =	sbarrier.arrive $0xFFFF;
	s2 =	simm.s32 @!p0 $0x1C01  }
0x2e5: {  	[timem:s3], [sflag:s2] =	dma.local @!p0 [hbm:s0], s1  }
0x2e6: {  	s0 =	simm.s32 @!p0 $0x1  }
0x2e7: {  	_ =	swait.ge @!p0 [sflag:s0], s1  }
0x2e8: {  	s1 =	ssub.s32 @!p0 $0x0, s1;
	[sflag:s0] =	ssyncset.done @!p0 $0x0  }
0x2e9: {  	[sflag:s0] =	ssyncadd.s32 @!p0 s1  }
0x2ea: {  	[bflag:$0x3] =	sbarrier.arrive $0xFFFF  }
0x2eb: {  	_ =	shalt  }

</sc_bundles>
